<compile_context>
chip_gen: v7x
topology: tpu7x:2x2x1
jax: 0.10.2.dev20260603
libtpu: 0.0.44.dev20260713+nightly
codegen_flags: <defaults>
</compile_context>

<pallas_src>
import functools

import jax
import jax.numpy as jnp
from jax import lax
from jax.experimental import pallas as pl
from jax.experimental.pallas import tpu as pltpu
from jax.experimental.pallas import tpu_sc as plsc

_CCH = 256
_L = 16
_TS = 128

_PARAMS = dict(use_tc_tiling_on_sc=True, needs_layout_passes=False)


def _sc_gather_c(N, D, NC, NS):
    NW = NC * NS
    bc = N // NW
    n_ch = bc // _CCH
    assert bc % _CCH == 0 and n_ch % 2 == 0 and n_ch >= 4
    mesh = plsc.VectorSubcoreMesh(core_axis_name="c", subcore_axis_name="s")

    @functools.partial(
        pl.kernel,
        out_type=jax.ShapeDtypeStruct((N, D), jnp.float32),
        mesh=mesh,
        compiler_params=pltpu.CompilerParams(**_PARAMS),
        scratch_types=[
            pltpu.VMEM((bc,), jnp.int32),
            pltpu.VMEM((2, _CCH, D), jnp.float32),
            pltpu.SemaphoreType.DMA,
            pltpu.SemaphoreType.DMA,
        ],
    )
    def body(cidx_hbm, ctab, c_out, cidx_v, rows_v, sem0, sem1):
        wid = lax.axis_index("s") * NC + lax.axis_index("c")
        pltpu.sync_copy(cidx_hbm.at[wid], cidx_v)
        c_base = wid * bc
        sems = (sem0, sem1)

        def issue(chunk, buf):
            def blk(j, carry):
                v16 = cidx_v[pl.ds(chunk * _CCH + j * _L, _L)]
                for k in range(_L):
                    pltpu.async_copy(
                        ctab.at[pl.ds(v16[k], 1)],
                        rows_v.at[buf, pl.ds(j * _L + k, 1)],
                        sems[buf],
                    )
                return carry

            lax.fori_loop(0, _CCH // _L, blk, 0)

        def drain_write(chunk, buf):
            pltpu.make_async_copy(
                c_out.at[pl.ds(0, _CCH)], rows_v.at[buf], sems[buf]
            ).wait()
            pltpu.sync_copy(
                rows_v.at[buf], c_out.at[pl.ds(c_base + chunk * _CCH, _CCH)]
            )

        issue(0, 0)
        issue(1, 1)

        def step(p, carry):
            drain_write(2 * p, 0)
            issue(2 * p + 2, 0)
            drain_write(2 * p + 1, 1)
            issue(2 * p + 3, 1)
            return carry

        lax.fori_loop(0, n_ch // 2 - 1, step, 0)
        drain_write(n_ch - 2, 0)
        drain_write(n_ch - 1, 1)

    return body


def _sc_gather_w(B, D, V, NC, NS):
    NW = NC * NS
    bw = B // NW
    assert bw % _L == 0
    mesh = plsc.VectorSubcoreMesh(core_axis_name="c", subcore_axis_name="s")

    @functools.partial(
        pl.kernel,
        out_type=jax.ShapeDtypeStruct((B, D), jnp.float32),
        mesh=mesh,
        compiler_params=pltpu.CompilerParams(**_PARAMS),
        scratch_types=[
            pltpu.VMEM((bw,), jnp.int32),
            pltpu.VMEM((bw, D), jnp.float32),
            pltpu.SemaphoreType.DMA,
        ],
    )
    def body(widx_hbm, wtab, w_out, widx_v, rows_v, sem):
        wid = lax.axis_index("s") * NC + lax.axis_index("c")
        pltpu.sync_copy(widx_hbm.at[wid], widx_v)

        def issue(j, carry):
            v16 = widx_v[pl.ds(j * _L, _L)]
            for k in range(_L):
                pltpu.async_copy(
                    wtab.at[pl.ds(v16[k], 1)],
                    rows_v.at[pl.ds(j * _L + k, 1)],
                    sem,
                )
            return carry

        lax.fori_loop(0, bw // _L, issue, 0)
        pltpu.make_async_copy(w_out.at[pl.ds(0, bw)], rows_v, sem).wait()
        pltpu.sync_copy(rows_v, w_out.at[pl.ds(wid * bw, bw)])

    return body


def kernel(words, contexts, w_embedding, c_embedding):
    (B,) = words.shape
    _, CTX = contexts.shape
    V, D = w_embedding.shape
    N = B * CTX
    info = plsc.get_sparse_core_info()
    NC, NS = info.num_cores, info.num_subcores
    NW = NC * NS

    w_idx = words.reshape(NW, B // NW)
    c_idx = contexts.T.reshape(NW, N // NW)
    w_out = _sc_gather_w(B, D, V, NC, NS)(w_idx, w_embedding)
    c_out = _sc_gather_c(N, D, NC, NS)(c_idx, c_embedding)
    return w_out, c_out.reshape(CTX, B, D).transpose(1, 0, 2)

# --- scband reference (transcript-rebuilt; emitter-appended) ---
"""Pipeline reference for scband-sgnsmodel-12953621364824 (READ-ONLY COPY).

The authoritative reference and input builder live on the scoring server;
editing this copy changes nothing except your own understanding.
"""

import jax, jax.numpy as jnp
import numpy as np

VOCAB = 1000000
DIM = 64
BATCH = 16384
CTX = 20

def setup_inputs(seed: int = 0) -> dict:
    key = jax.random.key(seed)
    k1, k2, k3, k4 = jax.random.split(key, 4)
    words = jax.random.randint(k1, (BATCH,), 0, VOCAB, dtype=jnp.int64 if jax.config.jax_enable_x64 else jnp.int32).astype(jnp.int32)
    contexts = jax.random.randint(k2, (BATCH, CTX), 0, VOCAB).astype(jnp.int32)
    w_embedding = (jax.random.normal(k3, (VOCAB, DIM), dtype=jnp.float32) * 0.02)
    c_embedding = (jax.random.normal(k4, (VOCAB, DIM), dtype=jnp.float32) * 0.02)
    return {"words": words, "contexts": contexts, "w_embedding": w_embedding, "c_embedding": c_embedding}

def reference(words, contexts, w_embedding, c_embedding):
    # forward_w: lookup center-word embeddings
    w_embeds = jnp.take(w_embedding, words, axis=0)            # [B, D]
    # forward_c: lookup context-word embeddings
    c_embeds = jnp.take(c_embedding, contexts, axis=0)         # [B, CTX, D]
    return (w_embeds, c_embeds)

if __name__ == "__main__":
    import jax
    _d = setup_inputs()
    print(jax.jit(kernel)(*tuple(_d.values())))

</pallas_src>

<mosaic_0001>
#map = affine_map<(d0, d1) -> (0, 0)>
module attributes {stable_mosaic.version = 14 : i64} {
  func.func @body(%arg0: i32, %arg1: i32, %arg2: memref<32x10240xi32, #tpu.memory_space<hbm>>, %arg3: memref<1000000x64xf32, #tpu.memory_space<hbm>>, %arg4: memref<327680x64xf32, #tpu.memory_space<hbm>>, %arg5: memref<10240xi32, #tpu.memory_space<vmem>>, %arg6: memref<2x256x64xf32, #tpu.memory_space<vmem>>, %arg7: memref<!tpu.dma_semaphore, #tpu.memory_space<semaphore_mem>>, %arg8: memref<!tpu.dma_semaphore, #tpu.memory_space<semaphore_mem>>) attributes {dimension_semantics = [#tpu.dimension_semantics<core_parallel>, #tpu.dimension_semantics<subcore_parallel>], iteration_bounds = array<i64: 2, 16>, scalar_prefetch = 0 : i64, scratch_operands = 4 : i64, tpu.core_type = #tpu.core_type<sc_vector_subcore>, window_params = [{transform_indices = #map}, {transform_indices = #map}, {transform_indices = #map}]} {
    %mul3A = arith.constant 2 : i32
    %mul3A_0 = arith.muli %arg1, %mul3A : i32
    %add3A = arith.addi %mul3A_0, %arg0 : i32
    "tpu.region"() ({
      %run_scoped3A_54 = tpu.sem_alloc : memref<!tpu.dma_semaphore, #tpu.memory_space<semaphore_mem>>
      %dma_start3A = arith.constant 0 : i32
      %dma_start3A_55 = tpu.memref_slice %arg2[%add3A, %dma_start3A] : memref<32x10240xi32, #tpu.memory_space<hbm>> -> memref<1x10240xi32, #tpu.memory_space<hbm>>
      %dma_start3A_56 = tpu.memref_squeeze %dma_start3A_55 : memref<1x10240xi32, #tpu.memory_space<hbm>> -> memref<10240xi32, #tpu.memory_space<hbm>>
      %dma_start3A_57 = arith.constant 0 : i32
      %dma_start3A_58 = tpu.memref_slice %arg2[%add3A, %dma_start3A_57] : memref<32x10240xi32, #tpu.memory_space<hbm>> -> memref<1x10240xi32, #tpu.memory_space<hbm>>
      %dma_start3A_59 = tpu.memref_squeeze %dma_start3A_58 : memref<1x10240xi32, #tpu.memory_space<hbm>> -> memref<10240xi32, #tpu.memory_space<hbm>>
      tpu.enqueue_dma source(%dma_start3A_59 : memref<10240xi32, #tpu.memory_space<hbm>>) target(%arg5 : memref<10240xi32, #tpu.memory_space<vmem>>) target_semaphore(%run_scoped3A_54 : memref<!tpu.dma_semaphore, #tpu.memory_space<semaphore_mem>>)
      %dma_wait3A_60 = arith.constant 0 : i32
      %dma_wait3A_61 = tpu.memref_slice %arg2[%add3A, %dma_wait3A_60] : memref<32x10240xi32, #tpu.memory_space<hbm>> -> memref<1x10240xi32, #tpu.memory_space<hbm>>
      %dma_wait3A_62 = tpu.memref_squeeze %dma_wait3A_61 : memref<1x10240xi32, #tpu.memory_space<hbm>> -> memref<10240xi32, #tpu.memory_space<hbm>>
      %dma_wait3A_63 = arith.constant 0 : i32
      %dma_wait3A_64 = tpu.memref_slice %arg2[%add3A, %dma_wait3A_63] : memref<32x10240xi32, #tpu.memory_space<hbm>> -> memref<1x10240xi32, #tpu.memory_space<hbm>>
      %dma_wait3A_65 = tpu.memref_squeeze %dma_wait3A_64 : memref<1x10240xi32, #tpu.memory_space<hbm>> -> memref<10240xi32, #tpu.memory_space<hbm>>
      tpu.wait_dma2 semaphore(%run_scoped3A_54 : memref<!tpu.dma_semaphore, #tpu.memory_space<semaphore_mem>>) src(%dma_wait3A_65 : memref<10240xi32, #tpu.memory_space<hbm>>) dst(%arg5 : memref<10240xi32, #tpu.memory_space<vmem>>)
      tpu.yield
    }) : () -> ()
    %mul3A_1 = arith.constant 10240 : i32
    %mul3A_2 = arith.muli %add3A, %mul3A_1 : i32
    %scan3A = arith.constant 0 : i32
    %scan3A_3 = arith.constant 0 : i32
    %scan3A_4 = arith.constant 16 : i32
    %scan3A_5 = arith.addi %scan3A_3, %scan3A_4 : i32
    %scan3A_6 = arith.constant 1 : i32
    scf.for %scan3A_54 = %scan3A_3 to %scan3A_5 step %scan3A_6  : i32 {
      %mul3A_55 = arith.constant 16 : i32
      %mul3A_56 = arith.muli %scan3A_54, %mul3A_55 : i32
      %add3A_57 = arith.constant 0 : i32
      %add3A_58 = arith.addi %add3A_57, %mul3A_56 : i32
      %get3A = arith.index_cast %add3A_58 : i32 to index
      %get3A_59 = tpu.vector_load %arg5[%get3A] {strides = array<i32>} : memref<10240xi32, #tpu.memory_space<vmem>>, vector<16xi32>,
      %slice3A = vector.extract_strided_slice %get3A_59 {offsets = [0], sizes = [1], strides = [1]} : vector<16xi32> to vector<1xi32>
      %squeeze3A = vector.extract %slice3A[0] : i32 from vector<1xi32>
      %mul3A_60 = arith.constant 16 : i32
      %mul3A_61 = arith.muli %scan3A_54, %mul3A_60 : i32
      %add3A_62 = arith.constant 0 : i32
      %add3A_63 = arith.addi %mul3A_61, %add3A_62 : i32
      %dma_start3A = arith.constant 0 : i32
      %dma_start3A_64 = arith.constant 0 : i32
      %dma_start3A_65 = tpu.memref_slice %arg6[%dma_start3A, %add3A_63, %dma_start3A_64] : memref<2x256x64xf32, #tpu.memory_space<vmem>> -> memref<1x1x64xf32, #tpu.memory_space<vmem>>
      %dma_start3A_66 = tpu.memref_squeeze %dma_start3A_65 : memref<1x1x64xf32, #tpu.memory_space<vmem>> -> memref<1x64xf32, #tpu.memory_space<vmem>>
      %dma_start3A_67 = arith.constant 0 : i32
      %dma_start3A_68 = tpu.memref_slice %arg3[%squeeze3A, %dma_start3A_67] : memref<1000000x64xf32, #tpu.memory_space<hbm>> -> memref<1x64xf32, #tpu.memory_space<hbm>>
      %dma_start3A_69 = arith.constant 0 : i32
      %dma_start3A_70 = tpu.memref_slice %arg6[%dma_start3A, %add3A_63, %dma_start3A_69] : memref<2x256x64xf32, #tpu.memory_space<vmem>> -> memref<1x1x64xf32, #tpu.memory_space<vmem>>
      %dma_start3A_71 = tpu.memref_squeeze %dma_start3A_70 : memref<1x1x64xf32, #tpu.memory_space<vmem>> -> memref<1x64xf32, #tpu.memory_space<vmem>>
      %dma_start3A_72 = arith.constant 0 : i32
      %dma_start3A_73 = tpu.memref_slice %arg3[%squeeze3A, %dma_start3A_72] : memref<1000000x64xf32, #tpu.memory_space<hbm>> -> memref<1x64xf32, #tpu.memory_space<hbm>>
      tpu.enqueue_dma source(%dma_start3A_73 : memref<1x64xf32, #tpu.memory_space<hbm>>) target(%dma_start3A_71 : memref<1x64xf32, #tpu.memory_space<vmem>>) target_semaphore(%arg7 : memref<!tpu.dma_semaphore, #tpu.memory_space<semaphore_mem>>)
      %slice3A_74 = vector.extract_strided_slice %get3A_59 {offsets = [1], sizes = [1], strides = [1]} : vector<16xi32> to vector<1xi32>
      %squeeze3A_75 = vector.extract %slice3A_74[0] : i32 from vector<1xi32>
      %mul3A_76 = arith.constant 16 : i32
      %mul3A_77 = arith.muli %scan3A_54, %mul3A_76 : i32
      %add3A_78 = arith.constant 1 : i32
      %add3A_79 = arith.addi %mul3A_77, %add3A_78 : i32
      %dma_start3A_80 = arith.constant 0 : i32
      %dma_start3A_81 = arith.constant 0 : i32
      %dma_start3A_82 = tpu.memref_slice %arg6[%dma_start3A_80, %add3A_79, %dma_start3A_81] : memref<2x256x64xf32, #tpu.memory_space<vmem>> -> memref<1x1x64xf32, #tpu.memory_space<vmem>>
      %dma_start3A_83 = tpu.memref_squeeze %dma_start3A_82 : memref<1x1x64xf32, #tpu.memory_space<vmem>> -> memref<1x64xf32, #tpu.memory_space<vmem>>
      %dma_start3A_84 = arith.constant 0 : i32
      %dma_start3A_85 = tpu.memref_slice %arg3[%squeeze3A_75, %dma_start3A_84] : memref<1000000x64xf32, #tpu.memory_space<hbm>> -> memref<1x64xf32, #tpu.memory_space<hbm>>
      %dma_start3A_86 = arith.constant 0 : i32
      %dma_start3A_87 = tpu.memref_slice %arg6[%dma_start3A_80, %add3A_79, %dma_start3A_86] : memref<2x256x64xf32, #tpu.memory_space<vmem>> -> memref<1x1x64xf32, #tpu.memory_space<vmem>>
      %dma_start3A_88 = tpu.memref_squeeze %dma_start3A_87 : memref<1x1x64xf32, #tpu.memory_space<vmem>> -> memref<1x64xf32, #tpu.memory_space<vmem>>
      %dma_start3A_89 = arith.constant 0 : i32
      %dma_start3A_90 = tpu.memref_slice %arg3[%squeeze3A_75, %dma_start3A_89] : memref<1000000x64xf32, #tpu.memory_space<hbm>> -> memref<1x64xf32, #tpu.memory_space<hbm>>
      tpu.enqueue_dma source(%dma_start3A_90 : memref<1x64xf32, #tpu.memory_space<hbm>>) target(%dma_start3A_88 : memref<1x64xf32, #tpu.memory_space<vmem>>) target_semaphore(%arg7 : memref<!tpu.dma_semaphore, #tpu.memory_space<semaphore_mem>>)
      %slice3A_91 = vector.extract_strided_slice %get3A_59 {offsets = [2], sizes = [1], strides = [1]} : vector<16xi32> to vector<1xi32>
      %squeeze3A_92 = vector.extract %slice3A_91[0] : i32 from vector<1xi32>
      %mul3A_93 = arith.constant 16 : i32
      %mul3A_94 = arith.muli %scan3A_54, %mul3A_93 : i32
      %add3A_95 = arith.constant 2 : i32
      %add3A_96 = arith.addi %mul3A_94, %add3A_95 : i32
      %dma_start3A_97 = arith.constant 0 : i32
      %dma_start3A_98 = arith.constant 0 : i32
      %dma_start3A_99 = tpu.memref_slice %arg6[%dma_start3A_97, %add3A_96, %dma_start3A_98] : memref<2x256x64xf32, #tpu.memory_space<vmem>> -> memref<1x1x64xf32, #tpu.memory_space<vmem>>
      %dma_start3A_100 = tpu.memref_squeeze %dma_start3A_99 : memref<1x1x64xf32, #tpu.memory_space<vmem>> -> memref<1x64xf32, #tpu.memory_space<vmem>>
      %dma_start3A_101 = arith.constant 0 : i32
      %dma_start3A_102 = tpu.memref_slice %arg3[%squeeze3A_92, %dma_start3A_101] : memref<1000000x64xf32, #tpu.memory_space<hbm>> -> memref<1x64xf32, #tpu.memory_space<hbm>>
      %dma_start3A_103 = arith.constant 0 : i32
      %dma_start3A_104 = tpu.memref_slice %arg6[%dma_start3A_97, %add3A_96, %dma_start3A_103] : memref<2x256x64xf32, #tpu.memory_space<vmem>> -> memref<1x1x64xf32, #tpu.memory_space<vmem>>
      %dma_start3A_105 = tpu.memref_squeeze %dma_start3A_104 : memref<1x1x64xf32, #tpu.memory_space<vmem>> -> memref<1x64xf32, #tpu.memory_space<vmem>>
      %dma_start3A_106 = arith.constant 0 : i32
      %dma_start3A_107 = tpu.memref_slice %arg3[%squeeze3A_92, %dma_start3A_106] : memref<1000000x64xf32, #tpu.memory_space<hbm>> -> memref<1x64xf32, #tpu.memory_space<hbm>>
      tpu.enqueue_dma source(%dma_start3A_107 : memref<1x64xf32, #tpu.memory_space<hbm>>) target(%dma_start3A_105 : memref<1x64xf32, #tpu.memory_space<vmem>>) target_semaphore(%arg7 : memref<!tpu.dma_semaphore, #tpu.memory_space<semaphore_mem>>)
      %slice3A_108 = vector.extract_strided_slice %get3A_59 {offsets = [3], sizes = [1], strides = [1]} : vector<16xi32> to vector<1xi32>
      %squeeze3A_109 = vector.extract %slice3A_108[0] : i32 from vector<1xi32>
      %mul3A_110 = arith.constant 16 : i32
      %mul3A_111 = arith.muli %scan3A_54, %mul3A_110 : i32
      %add3A_112 = arith.constant 3 : i32
      %add3A_113 = arith.addi %mul3A_111, %add3A_112 : i32
      %dma_start3A_114 = arith.constant 0 : i32
      %dma_start3A_115 = arith.constant 0 : i32
      %dma_start3A_116 = tpu.memref_slice %arg6[%dma_start3A_114, %add3A_113, %dma_start3A_115] : memref<2x256x64xf32, #tpu.memory_space<vmem>> -> memref<1x1x64xf32, #tpu.memory_space<vmem>>
      %dma_start3A_117 = tpu.memref_squeeze %dma_start3A_116 : memref<1x1x64xf32, #tpu.memory_space<vmem>> -> memref<1x64xf32, #tpu.memory_space<vmem>>
      %dma_start3A_118 = arith.constant 0 : i32
      %dma_start3A_119 = tpu.memref_slice %arg3[%squeeze3A_109, %dma_start3A_118] : memref<1000000x64xf32, #tpu.memory_space<hbm>> -> memref<1x64xf32, #tpu.memory_space<hbm>>
      %dma_start3A_120 = arith.constant 0 : i32
      %dma_start3A_121 = tpu.memref_slice %arg6[%dma_start3A_114, %add3A_113, %dma_start3A_120] : memref<2x256x64xf32, #tpu.memory_space<vmem>> -> memref<1x1x64xf32, #tpu.memory_space<vmem>>
      %dma_start3A_122 = tpu.memref_squeeze %dma_start3A_121 : memref<1x1x64xf32, #tpu.memory_space<vmem>> -> memref<1x64xf32, #tpu.memory_space<vmem>>
      %dma_start3A_123 = arith.constant 0 : i32
      %dma_start3A_124 = tpu.memref_slice %arg3[%squeeze3A_109, %dma_start3A_123] : memref<1000000x64xf32, #tpu.memory_space<hbm>> -> memref<1x64xf32, #tpu.memory_space<hbm>>
      tpu.enqueue_dma source(%dma_start3A_124 : memref<1x64xf32, #tpu.memory_space<hbm>>) target(%dma_start3A_122 : memref<1x64xf32, #tpu.memory_space<vmem>>) target_semaphore(%arg7 : memref<!tpu.dma_semaphore, #tpu.memory_space<semaphore_mem>>)
      %slice3A_125 = vector.extract_strided_slice %get3A_59 {offsets = [4], sizes = [1], strides = [1]} : vector<16xi32> to vector<1xi32>
      %squeeze3A_126 = vector.extract %slice3A_125[0] : i32 from vector<1xi32>
      %mul3A_127 = arith.constant 16 : i32
      %mul3A_128 = arith.muli %scan3A_54, %mul3A_127 : i32
      %add3A_129 = arith.constant 4 : i32
      %add3A_130 = arith.addi %mul3A_128, %add3A_129 : i32
      %dma_start3A_131 = arith.constant 0 : i32
      %dma_start3A_132 = arith.constant 0 : i32
      %dma_start3A_133 = tpu.memref_slice %arg6[%dma_start3A_131, %add3A_130, %dma_start3A_132] : memref<2x256x64xf32, #tpu.memory_space<vmem>> -> memref<1x1x64xf32, #tpu.memory_space<vmem>>
      %dma_start3A_134 = tpu.memref_squeeze %dma_start3A_133 : memref<1x1x64xf32, #tpu.memory_space<vmem>> -> memref<1x64xf32, #tpu.memory_space<vmem>>
      %dma_start3A_135 = arith.constant 0 : i32
      %dma_start3A_136 = tpu.memref_slice %arg3[%squeeze3A_126, %dma_start3A_135] : memref<1000000x64xf32, #tpu.memory_space<hbm>> -> memref<1x64xf32, #tpu.memory_space<hbm>>
      %dma_start3A_137 = arith.constant 0 : i32
      %dma_start3A_138 = tpu.memref_slice %arg6[%dma_start3A_131, %add3A_130, %dma_start3A_137] : memref<2x256x64xf32, #tpu.memory_space<vmem>> -> memref<1x1x64xf32, #tpu.memory_space<vmem>>
      %dma_start3A_139 = tpu.memref_squeeze %dma_start3A_138 : memref<1x1x64xf32, #tpu.memory_space<vmem>> -> memref<1x64xf32, #tpu.memory_space<vmem>>
      %dma_start3A_140 = arith.constant 0 : i32
      %dma_start3A_141 = tpu.memref_slice %arg3[%squeeze3A_126, %dma_start3A_140] : memref<1000000x64xf32, #tpu.memory_space<hbm>> -> memref<1x64xf32, #tpu.memory_space<hbm>>
      tpu.enqueue_dma source(%dma_start3A_141 : memref<1x64xf32, #tpu.memory_space<hbm>>) target(%dma_start3A_139 : memref<1x64xf32, #tpu.memory_space<vmem>>) target_semaphore(%arg7 : memref<!tpu.dma_semaphore, #tpu.memory_space<semaphore_mem>>)
      %slice3A_142 = vector.extract_strided_slice %get3A_59 {offsets = [5], sizes = [1], strides = [1]} : vector<16xi32> to vector<1xi32>
      %squeeze3A_143 = vector.extract %slice3A_142[0] : i32 from vector<1xi32>
      %mul3A_144 = arith.constant 16 : i32
      %mul3A_145 = arith.muli %scan3A_54, %mul3A_144 : i32
      %add3A_146 = arith.constant 5 : i32
      %add3A_147 = arith.addi %mul3A_145, %add3A_146 : i32
      %dma_start3A_148 = arith.constant 0 : i32
      %dma_start3A_149 = arith.constant 0 : i32
      %dma_start3A_150 = tpu.memref_slice %arg6[%dma_start3A_148, %add3A_147, %dma_start3A_149] : memref<2x256x64xf32, #tpu.memory_space<vmem>> -> memref<1x1x64xf32, #tpu.memory_space<vmem>>
      %dma_start3A_151 = tpu.memref_squeeze %dma_start3A_150 : memref<1x1x64xf32, #tpu.memory_space<vmem>> -> memref<1x64xf32, #tpu.memory_space<vmem>>
      %dma_start3A_152 = arith.constant 0 : i32
      %dma_start3A_153 = tpu.memref_slice %arg3[%squeeze3A_143, %dma_start3A_152] : memref<1000000x64xf32, #tpu.memory_space<hbm>> -> memref<1x64xf32, #tpu.memory_space<hbm>>
      %dma_start3A_154 = arith.constant 0 : i32
      %dma_start3A_155 = tpu.memref_slice %arg6[%dma_start3A_148, %add3A_147, %dma_start3A_154] : memref<2x256x64xf32, #tpu.memory_space<vmem>> -> memref<1x1x64xf32, #tpu.memory_space<vmem>>
      %dma_start3A_156 = tpu.memref_squeeze %dma_start3A_155 : memref<1x1x64xf32, #tpu.memory_space<vmem>> -> memref<1x64xf32, #tpu.memory_space<vmem>>
      %dma_start3A_157 = arith.constant 0 : i32
      %dma_start3A_158 = tpu.memref_slice %arg3[%squeeze3A_143, %dma_start3A_157] : memref<1000000x64xf32, #tpu.memory_space<hbm>> -> memref<1x64xf32, #tpu.memory_space<hbm>>
      tpu.enqueue_dma source(%dma_start3A_158 : memref<1x64xf32, #tpu.memory_space<hbm>>) target(%dma_start3A_156 : memref<1x64xf32, #tpu.memory_space<vmem>>) target_semaphore(%arg7 : memref<!tpu.dma_semaphore, #tpu.memory_space<semaphore_mem>>)
      %slice3A_159 = vector.extract_strided_slice %get3A_59 {offsets = [6], sizes = [1], strides = [1]} : vector<16xi32> to vector<1xi32>
      %squeeze3A_160 = vector.extract %slice3A_159[0] : i32 from vector<1xi32>
      %mul3A_161 = arith.constant 16 : i32
      %mul3A_162 = arith.muli %scan3A_54, %mul3A_161 : i32
      %add3A_163 = arith.constant 6 : i32
      %add3A_164 = arith.addi %mul3A_162, %add3A_163 : i32
      %dma_start3A_165 = arith.constant 0 : i32
      %dma_start3A_166 = arith.constant 0 : i32
      %dma_start3A_167 = tpu.memref_slice %arg6[%dma_start3A_165, %add3A_164, %dma_start3A_166] : memref<2x256x64xf32, #tpu.memory_space<vmem>> -> memref<1x1x64xf32, #tpu.memory_space<vmem>>
      %dma_start3A_168 = tpu.memref_squeeze %dma_start3A_167 : memref<1x1x64xf32, #tpu.memory_space<vmem>> -> memref<1x64xf32, #tpu.memory_space<vmem>>
      %dma_start3A_169 = arith.constant 0 : i32
      %dma_start3A_170 = tpu.memref_slice %arg3[%squeeze3A_160, %dma_start3A_169] : memref<1000000x64xf32, #tpu.memory_space<hbm>> -> memref<1x64xf32, #tpu.memory_space<hbm>>
      %dma_start3A_171 = arith.constant 0 : i32
      %dma_start3A_172 = tpu.memref_slice %arg6[%dma_start3A_165, %add3A_164, %dma_start3A_171] : memref<2x256x64xf32, #tpu.memory_space<vmem>> -> memref<1x1x64xf32, #tpu.memory_space<vmem>>
      %dma_start3A_173 = tpu.memref_squeeze %dma_start3A_172 : memref<1x1x64xf32, #tpu.memory_space<vmem>> -> memref<1x64xf32, #tpu.memory_space<vmem>>
      %dma_start3A_174 = arith.constant 0 : i32
      %dma_start3A_175 = tpu.memref_slice %arg3[%squeeze3A_160, %dma_start3A_174] : memref<1000000x64xf32, #tpu.memory_space<hbm>> -> memref<1x64xf32, #tpu.memory_space<hbm>>
      tpu.enqueue_dma source(%dma_start3A_175 : memref<1x64xf32, #tpu.memory_space<hbm>>) target(%dma_start3A_173 : memref<1x64xf32, #tpu.memory_space<vmem>>) target_semaphore(%arg7 : memref<!tpu.dma_semaphore, #tpu.memory_space<semaphore_mem>>)
      %slice3A_176 = vector.extract_strided_slice %get3A_59 {offsets = [7], sizes = [1], strides = [1]} : vector<16xi32> to vector<1xi32>
      %squeeze3A_177 = vector.extract %slice3A_176[0] : i32 from vector<1xi32>
      %mul3A_178 = arith.constant 16 : i32
      %mul3A_179 = arith.muli %scan3A_54, %mul3A_178 : i32
      %add3A_180 = arith.constant 7 : i32
      %add3A_181 = arith.addi %mul3A_179, %add3A_180 : i32
      %dma_start3A_182 = arith.constant 0 : i32
      %dma_start3A_183 = arith.constant 0 : i32
      %dma_start3A_184 = tpu.memref_slice %arg6[%dma_start3A_182, %add3A_181, %dma_start3A_183] : memref<2x256x64xf32, #tpu.memory_space<vmem>> -> memref<1x1x64xf32, #tpu.memory_space<vmem>>
      %dma_start3A_185 = tpu.memref_squeeze %dma_start3A_184 : memref<1x1x64xf32, #tpu.memory_space<vmem>> -> memref<1x64xf32, #tpu.memory_space<vmem>>
      %dma_start3A_186 = arith.constant 0 : i32
      %dma_start3A_187 = tpu.memref_slice %arg3[%squeeze3A_177, %dma_start3A_186] : memref<1000000x64xf32, #tpu.memory_space<hbm>> -> memref<1x64xf32, #tpu.memory_space<hbm>>
      %dma_start3A_188 = arith.constant 0 : i32
      %dma_start3A_189 = tpu.memref_slice %arg6[%dma_start3A_182, %add3A_181, %dma_start3A_188] : memref<2x256x64xf32, #tpu.memory_space<vmem>> -> memref<1x1x64xf32, #tpu.memory_space<vmem>>
      %dma_start3A_190 = tpu.memref_squeeze %dma_start3A_189 : memref<1x1x64xf32, #tpu.memory_space<vmem>> -> memref<1x64xf32, #tpu.memory_space<vmem>>
      %dma_start3A_191 = arith.constant 0 : i32
      %dma_start3A_192 = tpu.memref_slice %arg3[%squeeze3A_177, %dma_start3A_191] : memref<1000000x64xf32, #tpu.memory_space<hbm>> -> memref<1x64xf32, #tpu.memory_space<hbm>>
      tpu.enqueue_dma source(%dma_start3A_192 : memref<1x64xf32, #tpu.memory_space<hbm>>) target(%dma_start3A_190 : memref<1x64xf32, #tpu.memory_space<vmem>>) target_semaphore(%arg7 : memref<!tpu.dma_semaphore, #tpu.memory_space<semaphore_mem>>)
      %slice3A_193 = vector.extract_strided_slice %get3A_59 {offsets = [8], sizes = [1], strides = [1]} : vector<16xi32> to vector<1xi32>
      %squeeze3A_194 = vector.extract %slice3A_193[0] : i32 from vector<1xi32>
      %mul3A_195 = arith.constant 16 : i32
      %mul3A_196 = arith.muli %scan3A_54, %mul3A_195 : i32
      %add3A_197 = arith.constant 8 : i32
      %add3A_198 = arith.addi %mul3A_196, %add3A_197 : i32
      %dma_start3A_199 = arith.constant 0 : i32
      %dma_start3A_200 = arith.constant 0 : i32
      %dma_start3A_201 = tpu.memref_slice %arg6[%dma_start3A_199, %add3A_198, %dma_start3A_200] : memref<2x256x64xf32, #tpu.memory_space<vmem>> -> memref<1x1x64xf32, #tpu.memory_space<vmem>>
      %dma_start3A_202 = tpu.memref_squeeze %dma_start3A_201 : memref<1x1x64xf32, #tpu.memory_space<vmem>> -> memref<1x64xf32, #tpu.memory_space<vmem>>
      %dma_start3A_203 = arith.constant 0 : i32
      %dma_start3A_204 = tpu.memref_slice %arg3[%squeeze3A_194, %dma_start3A_203] : memref<1000000x64xf32, #tpu.memory_space<hbm>> -> memref<1x64xf32, #tpu.memory_space<hbm>>
      %dma_start3A_205 = arith.constant 0 : i32
      %dma_start3A_206 = tpu.memref_slice %arg6[%dma_start3A_199, %add3A_198, %dma_start3A_205] : memref<2x256x64xf32, #tpu.memory_space<vmem>> -> memref<1x1x64xf32, #tpu.memory_space<vmem>>
      %dma_start3A_207 = tpu.memref_squeeze %dma_start3A_206 : memref<1x1x64xf32, #tpu.memory_space<vmem>> -> memref<1x64xf32, #tpu.memory_space<vmem>>
      %dma_start3A_208 = arith.constant 0 : i32
      %dma_start3A_209 = tpu.memref_slice %arg3[%squeeze3A_194, %dma_start3A_208] : memref<1000000x64xf32, #tpu.memory_space<hbm>> -> memref<1x64xf32, #tpu.memory_space<hbm>>
      tpu.enqueue_dma source(%dma_start3A_209 : memref<1x64xf32, #tpu.memory_space<hbm>>) target(%dma_start3A_207 : memref<1x64xf32, #tpu.memory_space<vmem>>) target_semaphore(%arg7 : memref<!tpu.dma_semaphore, #tpu.memory_space<semaphore_mem>>)
      %slice3A_210 = vector.extract_strided_slice %get3A_59 {offsets = [9], sizes = [1], strides = [1]} : vector<16xi32> to vector<1xi32>
      %squeeze3A_211 = vector.extract %slice3A_210[0] : i32 from vector<1xi32>
      %mul3A_212 = arith.constant 16 : i32
      %mul3A_213 = arith.muli %scan3A_54, %mul3A_212 : i32
      %add3A_214 = arith.constant 9 : i32
      %add3A_215 = arith.addi %mul3A_213, %add3A_214 : i32
      %dma_start3A_216 = arith.constant 0 : i32
      %dma_start3A_217 = arith.constant 0 : i32
      %dma_start3A_218 = tpu.memref_slice %arg6[%dma_start3A_216, %add3A_215, %dma_start3A_217] : memref<2x256x64xf32, #tpu.memory_space<vmem>> -> memref<1x1x64xf32, #tpu.memory_space<vmem>>
      %dma_start3A_219 = tpu.memref_squeeze %dma_start3A_218 : memref<1x1x64xf32, #tpu.memory_space<vmem>> -> memref<1x64xf32, #tpu.memory_space<vmem>>
      %dma_start3A_220 = arith.constant 0 : i32
      %dma_start3A_221 = tpu.memref_slice %arg3[%squeeze3A_211, %dma_start3A_220] : memref<1000000x64xf32, #tpu.memory_space<hbm>> -> memref<1x64xf32, #tpu.memory_space<hbm>>
      %dma_start3A_222 = arith.constant 0 : i32
      %dma_start3A_223 = tpu.memref_slice %arg6[%dma_start3A_216, %add3A_215, %dma_start3A_222] : memref<2x256x64xf32, #tpu.memory_space<vmem>> -> memref<1x1x64xf32, #tpu.memory_space<vmem>>
      %dma_start3A_224 = tpu.memref_squeeze %dma_start3A_223 : memref<1x1x64xf32, #tpu.memory_space<vmem>> -> memref<1x64xf32, #tpu.memory_space<vmem>>
      %dma_start3A_225 = arith.constant 0 : i32
      %dma_start3A_226 = tpu.memref_slice %arg3[%squeeze3A_211, %dma_start3A_225] : memref<1000000x64xf32, #tpu.memory_space<hbm>> -> memref<1x64xf32, #tpu.memory_space<hbm>>
      tpu.enqueue_dma source(%dma_start3A_226 : memref<1x64xf32, #tpu.memory_space<hbm>>) target(%dma_start3A_224 : memref<1x64xf32, #tpu.memory_space<vmem>>) target_semaphore(%arg7 : memref<!tpu.dma_semaphore, #tpu.memory_space<semaphore_mem>>)
      %slice3A_227 = vector.extract_strided_slice %get3A_59 {offsets = [10], sizes = [1], strides = [1]} : vector<16xi32> to vector<1xi32>
      %squeeze3A_228 = vector.extract %slice3A_227[0] : i32 from vector<1xi32>
      %mul3A_229 = arith.constant 16 : i32
      %mul3A_230 = arith.muli %scan3A_54, %mul3A_229 : i32
      %add3A_231 = arith.constant 10 : i32
      %add3A_232 = arith.addi %mul3A_230, %add3A_231 : i32
      %dma_start3A_233 = arith.constant 0 : i32
      %dma_start3A_234 = arith.constant 0 : i32
      %dma_start3A_235 = tpu.memref_slice %arg6[%dma_start3A_233, %add3A_232, %dma_start3A_234] : memref<2x256x64xf32, #tpu.memory_space<vmem>> -> memref<1x1x64xf32, #tpu.memory_space<vmem>>
      %dma_start3A_236 = tpu.memref_squeeze %dma_start3A_235 : memref<1x1x64xf32, #tpu.memory_space<vmem>> -> memref<1x64xf32, #tpu.memory_space<vmem>>
      %dma_start3A_237 = arith.constant 0 : i32
      %dma_start3A_238 = tpu.memref_slice %arg3[%squeeze3A_228, %dma_start3A_237] : memref<1000000x64xf32, #tpu.memory_space<hbm>> -> memref<1x64xf32, #tpu.memory_space<hbm>>
      %dma_start3A_239 = arith.constant 0 : i32
      %dma_start3A_240 = tpu.memref_slice %arg6[%dma_start3A_233, %add3A_232, %dma_start3A_239] : memref<2x256x64xf32, #tpu.memory_space<vmem>> -> memref<1x1x64xf32, #tpu.memory_space<vmem>>
      %dma_start3A_241 = tpu.memref_squeeze %dma_start3A_240 : memref<1x1x64xf32, #tpu.memory_space<vmem>> -> memref<1x64xf32, #tpu.memory_space<vmem>>
      %dma_start3A_242 = arith.constant 0 : i32
      %dma_start3A_243 = tpu.memref_slice %arg3[%squeeze3A_228, %dma_start3A_242] : memref<1000000x64xf32, #tpu.memory_space<hbm>> -> memref<1x64xf32, #tpu.memory_space<hbm>>
      tpu.enqueue_dma source(%dma_start3A_243 : memref<1x64xf32, #tpu.memory_space<hbm>>) target(%dma_start3A_241 : memref<1x64xf32, #tpu.memory_space<vmem>>) target_semaphore(%arg7 : memref<!tpu.dma_semaphore, #tpu.memory_space<semaphore_mem>>)
      %slice3A_244 = vector.extract_strided_slice %get3A_59 {offsets = [11], sizes = [1], strides = [1]} : vector<16xi32> to vector<1xi32>
      %squeeze3A_245 = vector.extract %slice3A_244[0] : i32 from vector<1xi32>
      %mul3A_246 = arith.constant 16 : i32
      %mul3A_247 = arith.muli %scan3A_54, %mul3A_246 : i32
      %add3A_248 = arith.constant 11 : i32
      %add3A_249 = arith.addi %mul3A_247, %add3A_248 : i32
      %dma_start3A_250 = arith.constant 0 : i32
      %dma_start3A_251 = arith.constant 0 : i32
      %dma_start3A_252 = tpu.memref_slice %arg6[%dma_start3A_250, %add3A_249, %dma_start3A_251] : memref<2x256x64xf32, #tpu.memory_space<vmem>> -> memref<1x1x64xf32, #tpu.memory_space<vmem>>
      %dma_start3A_253 = tpu.memref_squeeze %dma_start3A_252 : memref<1x1x64xf32, #tpu.memory_space<vmem>> -> memref<1x64xf32, #tpu.memory_space<vmem>>
      %dma_start3A_254 = arith.constant 0 : i32
      %dma_start3A_255 = tpu.memref_slice %arg3[%squeeze3A_245, %dma_start3A_254] : memref<1000000x64xf32, #tpu.memory_space<hbm>> -> memref<1x64xf32, #tpu.memory_space<hbm>>
      %dma_start3A_256 = arith.constant 0 : i32
      %dma_start3A_257 = tpu.memref_slice %arg6[%dma_start3A_250, %add3A_249, %dma_start3A_256] : memref<2x256x64xf32, #tpu.memory_space<vmem>> -> memref<1x1x64xf32, #tpu.memory_space<vmem>>
      %dma_start3A_258 = tpu.memref_squeeze %dma_start3A_257 : memref<1x1x64xf32, #tpu.memory_space<vmem>> -> memref<1x64xf32, #tpu.memory_space<vmem>>
      %dma_start3A_259 = arith.constant 0 : i32
      %dma_start3A_260 = tpu.memref_slice %arg3[%squeeze3A_245, %dma_start3A_259] : memref<1000000x64xf32, #tpu.memory_space<hbm>> -> memref<1x64xf32, #tpu.memory_space<hbm>>
      tpu.enqueue_dma source(%dma_start3A_260 : memref<1x64xf32, #tpu.memory_space<hbm>>) target(%dma_start3A_258 : memref<1x64xf32, #tpu.memory_space<vmem>>) target_semaphore(%arg7 : memref<!tpu.dma_semaphore, #tpu.memory_space<semaphore_mem>>)
      %slice3A_261 = vector.extract_strided_slice %get3A_59 {offsets = [12], sizes = [1], strides = [1]} : vector<16xi32> to vector<1xi32>
      %squeeze3A_262 = vector.extract %slice3A_261[0] : i32 from vector<1xi32>
      %mul3A_263 = arith.constant 16 : i32
      %mul3A_264 = arith.muli %scan3A_54, %mul3A_263 : i32
      %add3A_265 = arith.constant 12 : i32
      %add3A_266 = arith.addi %mul3A_264, %add3A_265 : i32
      %dma_start3A_267 = arith.constant 0 : i32
      %dma_start3A_268 = arith.constant 0 : i32
      %dma_start3A_269 = tpu.memref_slice %arg6[%dma_start3A_267, %add3A_266, %dma_start3A_268] : memref<2x256x64xf32, #tpu.memory_space<vmem>> -> memref<1x1x64xf32, #tpu.memory_space<vmem>>
      %dma_start3A_270 = tpu.memref_squeeze %dma_start3A_269 : memref<1x1x64xf32, #tpu.memory_space<vmem>> -> memref<1x64xf32, #tpu.memory_space<vmem>>
      %dma_start3A_271 = arith.constant 0 : i32
      %dma_start3A_272 = tpu.memref_slice %arg3[%squeeze3A_262, %dma_start3A_271] : memref<1000000x64xf32, #tpu.memory_space<hbm>> -> memref<1x64xf32, #tpu.memory_space<hbm>>
      %dma_start3A_273 = arith.constant 0 : i32
      %dma_start3A_274 = tpu.memref_slice %arg6[%dma_start3A_267, %add3A_266, %dma_start3A_273] : memref<2x256x64xf32, #tpu.memory_space<vmem>> -> memref<1x1x64xf32, #tpu.memory_space<vmem>>
      %dma_start3A_275 = tpu.memref_squeeze %dma_start3A_274 : memref<1x1x64xf32, #tpu.memory_space<vmem>> -> memref<1x64xf32, #tpu.memory_space<vmem>>
      %dma_start3A_276 = arith.constant 0 : i32
      %dma_start3A_277 = tpu.memref_slice %arg3[%squeeze3A_262, %dma_start3A_276] : memref<1000000x64xf32, #tpu.memory_space<hbm>> -> memref<1x64xf32, #tpu.memory_space<hbm>>
      tpu.enqueue_dma source(%dma_start3A_277 : memref<1x64xf32, #tpu.memory_space<hbm>>) target(%dma_start3A_275 : memref<1x64xf32, #tpu.memory_space<vmem>>) target_semaphore(%arg7 : memref<!tpu.dma_semaphore, #tpu.memory_space<semaphore_mem>>)
      %slice3A_278 = vector.extract_strided_slice %get3A_59 {offsets = [13], sizes = [1], strides = [1]} : vector<16xi32> to vector<1xi32>
      %squeeze3A_279 = vector.extract %slice3A_278[0] : i32 from vector<1xi32>
      %mul3A_280 = arith.constant 16 : i32
      %mul3A_281 = arith.muli %scan3A_54, %mul3A_280 : i32
      %add3A_282 = arith.constant 13 : i32
      %add3A_283 = arith.addi %mul3A_281, %add3A_282 : i32
      %dma_start3A_284 = arith.constant 0 : i32
      %dma_start3A_285 = arith.constant 0 : i32
      %dma_start3A_286 = tpu.memref_slice %arg6[%dma_start3A_284, %add3A_283, %dma_start3A_285] : memref<2x256x64xf32, #tpu.memory_space<vmem>> -> memref<1x1x64xf32, #tpu.memory_space<vmem>>
      %dma_start3A_287 = tpu.memref_squeeze %dma_start3A_286 : memref<1x1x64xf32, #tpu.memory_space<vmem>> -> memref<1x64xf32, #tpu.memory_space<vmem>>
      %dma_start3A_288 = arith.constant 0 : i32
      %dma_start3A_289 = tpu.memref_slice %arg3[%squeeze3A_279, %dma_start3A_288] : memref<1000000x64xf32, #tpu.memory_space<hbm>> -> memref<1x64xf32, #tpu.memory_space<hbm>>
      %dma_start3A_290 = arith.constant 0 : i32
      %dma_start3A_291 = tpu.memref_slice %arg6[%dma_start3A_284, %add3A_283, %dma_start3A_290] : memref<2x256x64xf32, #tpu.memory_space<vmem>> -> memref<1x1x64xf32, #tpu.memory_space<vmem>>
      %dma_start3A_292 = tpu.memref_squeeze %dma_start3A_291 : memref<1x1x64xf32, #tpu.memory_space<vmem>> -> memref<1x64xf32, #tpu.memory_space<vmem>>
      %dma_start3A_293 = arith.constant 0 : i32
      %dma_start3A_294 = tpu.memref_slice %arg3[%squeeze3A_279, %dma_start3A_293] : memref<1000000x64xf32, #tpu.memory_space<hbm>> -> memref<1x64xf32, #tpu.memory_space<hbm>>
      tpu.enqueue_dma source(%dma_start3A_294 : memref<1x64xf32, #tpu.memory_space<hbm>>) target(%dma_start3A_292 : memref<1x64xf32, #tpu.memory_space<vmem>>) target_semaphore(%arg7 : memref<!tpu.dma_semaphore, #tpu.memory_space<semaphore_mem>>)
      %slice3A_295 = vector.extract_strided_slice %get3A_59 {offsets = [14], sizes = [1], strides = [1]} : vector<16xi32> to vector<1xi32>
      %squeeze3A_296 = vector.extract %slice3A_295[0] : i32 from vector<1xi32>
      %mul3A_297 = arith.constant 16 : i32
      %mul3A_298 = arith.muli %scan3A_54, %mul3A_297 : i32
      %add3A_299 = arith.constant 14 : i32
      %add3A_300 = arith.addi %mul3A_298, %add3A_299 : i32
      %dma_start3A_301 = arith.constant 0 : i32
      %dma_start3A_302 = arith.constant 0 : i32
      %dma_start3A_303 = tpu.memref_slice %arg6[%dma_start3A_301, %add3A_300, %dma_start3A_302] : memref<2x256x64xf32, #tpu.memory_space<vmem>> -> memref<1x1x64xf32, #tpu.memory_space<vmem>>
      %dma_start3A_304 = tpu.memref_squeeze %dma_start3A_303 : memref<1x1x64xf32, #tpu.memory_space<vmem>> -> memref<1x64xf32, #tpu.memory_space<vmem>>
      %dma_start3A_305 = arith.constant 0 : i32
      %dma_start3A_306 = tpu.memref_slice %arg3[%squeeze3A_296, %dma_start3A_305] : memref<1000000x64xf32, #tpu.memory_space<hbm>> -> memref<1x64xf32, #tpu.memory_space<hbm>>
      %dma_start3A_307 = arith.constant 0 : i32
      %dma_start3A_308 = tpu.memref_slice %arg6[%dma_start3A_301, %add3A_300, %dma_start3A_307] : memref<2x256x64xf32, #tpu.memory_space<vmem>> -> memref<1x1x64xf32, #tpu.memory_space<vmem>>
      %dma_start3A_309 = tpu.memref_squeeze %dma_start3A_308 : memref<1x1x64xf32, #tpu.memory_space<vmem>> -> memref<1x64xf32, #tpu.memory_space<vmem>>
      %dma_start3A_310 = arith.constant 0 : i32
      %dma_start3A_311 = tpu.memref_slice %arg3[%squeeze3A_296, %dma_start3A_310] : memref<1000000x64xf32, #tpu.memory_space<hbm>> -> memref<1x64xf32, #tpu.memory_space<hbm>>
      tpu.enqueue_dma source(%dma_start3A_311 : memref<1x64xf32, #tpu.memory_space<hbm>>) target(%dma_start3A_309 : memref<1x64xf32, #tpu.memory_space<vmem>>) target_semaphore(%arg7 : memref<!tpu.dma_semaphore, #tpu.memory_space<semaphore_mem>>)
      %slice3A_312 = vector.extract_strided_slice %get3A_59 {offsets = [15], sizes = [1], strides = [1]} : vector<16xi32> to vector<1xi32>
      %squeeze3A_313 = vector.extract %slice3A_312[0] : i32 from vector<1xi32>
      %mul3A_314 = arith.constant 16 : i32
      %mul3A_315 = arith.muli %scan3A_54, %mul3A_314 : i32
      %add3A_316 = arith.constant 15 : i32
      %add3A_317 = arith.addi %mul3A_315, %add3A_316 : i32
      %dma_start3A_318 = arith.constant 0 : i32
      %dma_start3A_319 = arith.constant 0 : i32
      %dma_start3A_320 = tpu.memref_slice %arg6[%dma_start3A_318, %add3A_317, %dma_start3A_319] : memref<2x256x64xf32, #tpu.memory_space<vmem>> -> memref<1x1x64xf32, #tpu.memory_space<vmem>>
      %dma_start3A_321 = tpu.memref_squeeze %dma_start3A_320 : memref<1x1x64xf32, #tpu.memory_space<vmem>> -> memref<1x64xf32, #tpu.memory_space<vmem>>
      %dma_start3A_322 = arith.constant 0 : i32
      %dma_start3A_323 = tpu.memref_slice %arg3[%squeeze3A_313, %dma_start3A_322] : memref<1000000x64xf32, #tpu.memory_space<hbm>> -> memref<1x64xf32, #tpu.memory_space<hbm>>
      %dma_start3A_324 = arith.constant 0 : i32
      %dma_start3A_325 = tpu.memref_slice %arg6[%dma_start3A_318, %add3A_317, %dma_start3A_324] : memref<2x256x64xf32, #tpu.memory_space<vmem>> -> memref<1x1x64xf32, #tpu.memory_space<vmem>>
      %dma_start3A_326 = tpu.memref_squeeze %dma_start3A_325 : memref<1x1x64xf32, #tpu.memory_space<vmem>> -> memref<1x64xf32, #tpu.memory_space<vmem>>
      %dma_start3A_327 = arith.constant 0 : i32
      %dma_start3A_328 = tpu.memref_slice %arg3[%squeeze3A_313, %dma_start3A_327] : memref<1000000x64xf32, #tpu.memory_space<hbm>> -> memref<1x64xf32, #tpu.memory_space<hbm>>
      tpu.enqueue_dma source(%dma_start3A_328 : memref<1x64xf32, #tpu.memory_space<hbm>>) target(%dma_start3A_326 : memref<1x64xf32, #tpu.memory_space<vmem>>) target_semaphore(%arg7 : memref<!tpu.dma_semaphore, #tpu.memory_space<semaphore_mem>>)
    }
    %scan3A_7 = arith.constant 16 : i32
    %scan3A_8 = arith.constant 0 : i32
    %scan3A_9 = arith.constant 0 : i32
    %scan3A_10 = arith.constant 16 : i32
    %scan3A_11 = arith.addi %scan3A_9, %scan3A_10 : i32
    %scan3A_12 = arith.constant 1 : i32
    scf.for %scan3A_54 = %scan3A_9 to %scan3A_11 step %scan3A_12  : i32 {
      %mul3A_55 = arith.constant 16 : i32
      %mul3A_56 = arith.muli %scan3A_54, %mul3A_55 : i32
      %add3A_57 = arith.constant 256 : i32
      %add3A_58 = arith.addi %add3A_57, %mul3A_56 : i32
      %get3A = arith.index_cast %add3A_58 : i32 to index
      %get3A_59 = tpu.vector_load %arg5[%get3A] {strides = array<i32>} : memref<10240xi32, #tpu.memory_space<vmem>>, vector<16xi32>,
      %slice3A = vector.extract_strided_slice %get3A_59 {offsets = [0], sizes = [1], strides = [1]} : vector<16xi32> to vector<1xi32>
      %squeeze3A = vector.extract %slice3A[0] : i32 from vector<1xi32>
      %mul3A_60 = arith.constant 16 : i32
      %mul3A_61 = arith.muli %scan3A_54, %mul3A_60 : i32
      %add3A_62 = arith.constant 0 : i32
      %add3A_63 = arith.addi %mul3A_61, %add3A_62 : i32
      %dma_start3A = arith.constant 1 : i32
      %dma_start3A_64 = arith.constant 0 : i32
      %dma_start3A_65 = tpu.memref_slice %arg6[%dma_start3A, %add3A_63, %dma_start3A_64] : memref<2x256x64xf32, #tpu.memory_space<vmem>> -> memref<1x1x64xf32, #tpu.memory_space<vmem>>
      %dma_start3A_66 = tpu.memref_squeeze %dma_start3A_65 : memref<1x1x64xf32, #tpu.memory_space<vmem>> -> memref<1x64xf32, #tpu.memory_space<vmem>>
      %dma_start3A_67 = arith.constant 0 : i32
      %dma_start3A_68 = tpu.memref_slice %arg3[%squeeze3A, %dma_start3A_67] : memref<1000000x64xf32, #tpu.memory_space<hbm>> -> memref<1x64xf32, #tpu.memory_space<hbm>>
      %dma_start3A_69 = arith.constant 0 : i32
      %dma_start3A_70 = tpu.memref_slice %arg6[%dma_start3A, %add3A_63, %dma_start3A_69] : memref<2x256x64xf32, #tpu.memory_space<vmem>> -> memref<1x1x64xf32, #tpu.memory_space<vmem>>
      %dma_start3A_71 = tpu.memref_squeeze %dma_start3A_70 : memref<1x1x64xf32, #tpu.memory_space<vmem>> -> memref<1x64xf32, #tpu.memory_space<vmem>>
      %dma_start3A_72 = arith.constant 0 : i32
      %dma_start3A_73 = tpu.memref_slice %arg3[%squeeze3A, %dma_start3A_72] : memref<1000000x64xf32, #tpu.memory_space<hbm>> -> memref<1x64xf32, #tpu.memory_space<hbm>>
      tpu.enqueue_dma source(%dma_start3A_73 : memref<1x64xf32, #tpu.memory_space<hbm>>) target(%dma_start3A_71 : memref<1x64xf32, #tpu.memory_space<vmem>>) target_semaphore(%arg8 : memref<!tpu.dma_semaphore, #tpu.memory_space<semaphore_mem>>)
      %slice3A_74 = vector.extract_strided_slice %get3A_59 {offsets = [1], sizes = [1], strides = [1]} : vector<16xi32> to vector<1xi32>
      %squeeze3A_75 = vector.extract %slice3A_74[0] : i32 from vector<1xi32>
      %mul3A_76 = arith.constant 16 : i32
      %mul3A_77 = arith.muli %scan3A_54, %mul3A_76 : i32
      %add3A_78 = arith.constant 1 : i32
      %add3A_79 = arith.addi %mul3A_77, %add3A_78 : i32
      %dma_start3A_80 = arith.constant 1 : i32
      %dma_start3A_81 = arith.constant 0 : i32
      %dma_start3A_82 = tpu.memref_slice %arg6[%dma_start3A_80, %add3A_79, %dma_start3A_81] : memref<2x256x64xf32, #tpu.memory_space<vmem>> -> memref<1x1x64xf32, #tpu.memory_space<vmem>>
      %dma_start3A_83 = tpu.memref_squeeze %dma_start3A_82 : memref<1x1x64xf32, #tpu.memory_space<vmem>> -> memref<1x64xf32, #tpu.memory_space<vmem>>
      %dma_start3A_84 = arith.constant 0 : i32
      %dma_start3A_85 = tpu.memref_slice %arg3[%squeeze3A_75, %dma_start3A_84] : memref<1000000x64xf32, #tpu.memory_space<hbm>> -> memref<1x64xf32, #tpu.memory_space<hbm>>
      %dma_start3A_86 = arith.constant 0 : i32
      %dma_start3A_87 = tpu.memref_slice %arg6[%dma_start3A_80, %add3A_79, %dma_start3A_86] : memref<2x256x64xf32, #tpu.memory_space<vmem>> -> memref<1x1x64xf32, #tpu.memory_space<vmem>>
      %dma_start3A_88 = tpu.memref_squeeze %dma_start3A_87 : memref<1x1x64xf32, #tpu.memory_space<vmem>> -> memref<1x64xf32, #tpu.memory_space<vmem>>
      %dma_start3A_89 = arith.constant 0 : i32
      %dma_start3A_90 = tpu.memref_slice %arg3[%squeeze3A_75, %dma_start3A_89] : memref<1000000x64xf32, #tpu.memory_space<hbm>> -> memref<1x64xf32, #tpu.memory_space<hbm>>
      tpu.enqueue_dma source(%dma_start3A_90 : memref<1x64xf32, #tpu.memory_space<hbm>>) target(%dma_start3A_88 : memref<1x64xf32, #tpu.memory_space<vmem>>) target_semaphore(%arg8 : memref<!tpu.dma_semaphore, #tpu.memory_space<semaphore_mem>>)
      %slice3A_91 = vector.extract_strided_slice %get3A_59 {offsets = [2], sizes = [1], strides = [1]} : vector<16xi32> to vector<1xi32>
      %squeeze3A_92 = vector.extract %slice3A_91[0] : i32 from vector<1xi32>
      %mul3A_93 = arith.constant 16 : i32
      %mul3A_94 = arith.muli %scan3A_54, %mul3A_93 : i32
      %add3A_95 = arith.constant 2 : i32
      %add3A_96 = arith.addi %mul3A_94, %add3A_95 : i32
      %dma_start3A_97 = arith.constant 1 : i32
      %dma_start3A_98 = arith.constant 0 : i32
      %dma_start3A_99 = tpu.memref_slice %arg6[%dma_start3A_97, %add3A_96, %dma_start3A_98] : memref<2x256x64xf32, #tpu.memory_space<vmem>> -> memref<1x1x64xf32, #tpu.memory_space<vmem>>
      %dma_start3A_100 = tpu.memref_squeeze %dma_start3A_99 : memref<1x1x64xf32, #tpu.memory_space<vmem>> -> memref<1x64xf32, #tpu.memory_space<vmem>>
      %dma_start3A_101 = arith.constant 0 : i32
      %dma_start3A_102 = tpu.memref_slice %arg3[%squeeze3A_92, %dma_start3A_101] : memref<1000000x64xf32, #tpu.memory_space<hbm>> -> memref<1x64xf32, #tpu.memory_space<hbm>>
      %dma_start3A_103 = arith.constant 0 : i32
      %dma_start3A_104 = tpu.memref_slice %arg6[%dma_start3A_97, %add3A_96, %dma_start3A_103] : memref<2x256x64xf32, #tpu.memory_space<vmem>> -> memref<1x1x64xf32, #tpu.memory_space<vmem>>
      %dma_start3A_105 = tpu.memref_squeeze %dma_start3A_104 : memref<1x1x64xf32, #tpu.memory_space<vmem>> -> memref<1x64xf32, #tpu.memory_space<vmem>>
      %dma_start3A_106 = arith.constant 0 : i32
      %dma_start3A_107 = tpu.memref_slice %arg3[%squeeze3A_92, %dma_start3A_106] : memref<1000000x64xf32, #tpu.memory_space<hbm>> -> memref<1x64xf32, #tpu.memory_space<hbm>>
      tpu.enqueue_dma source(%dma_start3A_107 : memref<1x64xf32, #tpu.memory_space<hbm>>) target(%dma_start3A_105 : memref<1x64xf32, #tpu.memory_space<vmem>>) target_semaphore(%arg8 : memref<!tpu.dma_semaphore, #tpu.memory_space<semaphore_mem>>)
      %slice3A_108 = vector.extract_strided_slice %get3A_59 {offsets = [3], sizes = [1], strides = [1]} : vector<16xi32> to vector<1xi32>
      %squeeze3A_109 = vector.extract %slice3A_108[0] : i32 from vector<1xi32>
      %mul3A_110 = arith.constant 16 : i32
      %mul3A_111 = arith.muli %scan3A_54, %mul3A_110 : i32
      %add3A_112 = arith.constant 3 : i32
      %add3A_113 = arith.addi %mul3A_111, %add3A_112 : i32
      %dma_start3A_114 = arith.constant 1 : i32
      %dma_start3A_115 = arith.constant 0 : i32
      %dma_start3A_116 = tpu.memref_slice %arg6[%dma_start3A_114, %add3A_113, %dma_start3A_115] : memref<2x256x64xf32, #tpu.memory_space<vmem>> -> memref<1x1x64xf32, #tpu.memory_space<vmem>>
      %dma_start3A_117 = tpu.memref_squeeze %dma_start3A_116 : memref<1x1x64xf32, #tpu.memory_space<vmem>> -> memref<1x64xf32, #tpu.memory_space<vmem>>
      %dma_start3A_118 = arith.constant 0 : i32
      %dma_start3A_119 = tpu.memref_slice %arg3[%squeeze3A_109, %dma_start3A_118] : memref<1000000x64xf32, #tpu.memory_space<hbm>> -> memref<1x64xf32, #tpu.memory_space<hbm>>
      %dma_start3A_120 = arith.constant 0 : i32
      %dma_start3A_121 = tpu.memref_slice %arg6[%dma_start3A_114, %add3A_113, %dma_start3A_120] : memref<2x256x64xf32, #tpu.memory_space<vmem>> -> memref<1x1x64xf32, #tpu.memory_space<vmem>>
      %dma_start3A_122 = tpu.memref_squeeze %dma_start3A_121 : memref<1x1x64xf32, #tpu.memory_space<vmem>> -> memref<1x64xf32, #tpu.memory_space<vmem>>
      %dma_start3A_123 = arith.constant 0 : i32
      %dma_start3A_124 = tpu.memref_slice %arg3[%squeeze3A_109, %dma_start3A_123] : memref<1000000x64xf32, #tpu.memory_space<hbm>> -> memref<1x64xf32, #tpu.memory_space<hbm>>
      tpu.enqueue_dma source(%dma_start3A_124 : memref<1x64xf32, #tpu.memory_space<hbm>>) target(%dma_start3A_122 : memref<1x64xf32, #tpu.memory_space<vmem>>) target_semaphore(%arg8 : memref<!tpu.dma_semaphore, #tpu.memory_space<semaphore_mem>>)
      %slice3A_125 = vector.extract_strided_slice %get3A_59 {offsets = [4], sizes = [1], strides = [1]} : vector<16xi32> to vector<1xi32>
      %squeeze3A_126 = vector.extract %slice3A_125[0] : i32 from vector<1xi32>
      %mul3A_127 = arith.constant 16 : i32
      %mul3A_128 = arith.muli %scan3A_54, %mul3A_127 : i32
      %add3A_129 = arith.constant 4 : i32
      %add3A_130 = arith.addi %mul3A_128, %add3A_129 : i32
      %dma_start3A_131 = arith.constant 1 : i32
      %dma_start3A_132 = arith.constant 0 : i32
      %dma_start3A_133 = tpu.memref_slice %arg6[%dma_start3A_131, %add3A_130, %dma_start3A_132] : memref<2x256x64xf32, #tpu.memory_space<vmem>> -> memref<1x1x64xf32, #tpu.memory_space<vmem>>
      %dma_start3A_134 = tpu.memref_squeeze %dma_start3A_133 : memref<1x1x64xf32, #tpu.memory_space<vmem>> -> memref<1x64xf32, #tpu.memory_space<vmem>>
      %dma_start3A_135 = arith.constant 0 : i32
      %dma_start3A_136 = tpu.memref_slice %arg3[%squeeze3A_126, %dma_start3A_135] : memref<1000000x64xf32, #tpu.memory_space<hbm>> -> memref<1x64xf32, #tpu.memory_space<hbm>>
      %dma_start3A_137 = arith.constant 0 : i32
      %dma_start3A_138 = tpu.memref_slice %arg6[%dma_start3A_131, %add3A_130, %dma_start3A_137] : memref<2x256x64xf32, #tpu.memory_space<vmem>> -> memref<1x1x64xf32, #tpu.memory_space<vmem>>
      %dma_start3A_139 = tpu.memref_squeeze %dma_start3A_138 : memref<1x1x64xf32, #tpu.memory_space<vmem>> -> memref<1x64xf32, #tpu.memory_space<vmem>>
      %dma_start3A_140 = arith.constant 0 : i32
      %dma_start3A_141 = tpu.memref_slice %arg3[%squeeze3A_126, %dma_start3A_140] : memref<1000000x64xf32, #tpu.memory_space<hbm>> -> memref<1x64xf32, #tpu.memory_space<hbm>>
      tpu.enqueue_dma source(%dma_start3A_141 : memref<1x64xf32, #tpu.memory_space<hbm>>) target(%dma_start3A_139 : memref<1x64xf32, #tpu.memory_space<vmem>>) target_semaphore(%arg8 : memref<!tpu.dma_semaphore, #tpu.memory_space<semaphore_mem>>)
      %slice3A_142 = vector.extract_strided_slice %get3A_59 {offsets = [5], sizes = [1], strides = [1]} : vector<16xi32> to vector<1xi32>
      %squeeze3A_143 = vector.extract %slice3A_142[0] : i32 from vector<1xi32>
      %mul3A_144 = arith.constant 16 : i32
      %mul3A_145 = arith.muli %scan3A_54, %mul3A_144 : i32
      %add3A_146 = arith.constant 5 : i32
      %add3A_147 = arith.addi %mul3A_145, %add3A_146 : i32
      %dma_start3A_148 = arith.constant 1 : i32
      %dma_start3A_149 = arith.constant 0 : i32
      %dma_start3A_150 = tpu.memref_slice %arg6[%dma_start3A_148, %add3A_147, %dma_start3A_149] : memref<2x256x64xf32, #tpu.memory_space<vmem>> -> memref<1x1x64xf32, #tpu.memory_space<vmem>>
      %dma_start3A_151 = tpu.memref_squeeze %dma_start3A_150 : memref<1x1x64xf32, #tpu.memory_space<vmem>> -> memref<1x64xf32, #tpu.memory_space<vmem>>
      %dma_start3A_152 = arith.constant 0 : i32
      %dma_start3A_153 = tpu.memref_slice %arg3[%squeeze3A_143, %dma_start3A_152] : memref<1000000x64xf32, #tpu.memory_space<hbm>> -> memref<1x64xf32, #tpu.memory_space<hbm>>
      %dma_start3A_154 = arith.constant 0 : i32
      %dma_start3A_155 = tpu.memref_slice %arg6[%dma_start3A_148, %add3A_147, %dma_start3A_154] : memref<2x256x64xf32, #tpu.memory_space<vmem>> -> memref<1x1x64xf32, #tpu.memory_space<vmem>>
      %dma_start3A_156 = tpu.memref_squeeze %dma_start3A_155 : memref<1x1x64xf32, #tpu.memory_space<vmem>> -> memref<1x64xf32, #tpu.memory_space<vmem>>
      %dma_start3A_157 = arith.constant 0 : i32
      %dma_start3A_158 = tpu.memref_slice %arg3[%squeeze3A_143, %dma_start3A_157] : memref<1000000x64xf32, #tpu.memory_space<hbm>> -> memref<1x64xf32, #tpu.memory_space<hbm>>
      tpu.enqueue_dma source(%dma_start3A_158 : memref<1x64xf32, #tpu.memory_space<hbm>>) target(%dma_start3A_156 : memref<1x64xf32, #tpu.memory_space<vmem>>) target_semaphore(%arg8 : memref<!tpu.dma_semaphore, #tpu.memory_space<semaphore_mem>>)
      %slice3A_159 = vector.extract_strided_slice %get3A_59 {offsets = [6], sizes = [1], strides = [1]} : vector<16xi32> to vector<1xi32>
      %squeeze3A_160 = vector.extract %slice3A_159[0] : i32 from vector<1xi32>
      %mul3A_161 = arith.constant 16 : i32
      %mul3A_162 = arith.muli %scan3A_54, %mul3A_161 : i32
      %add3A_163 = arith.constant 6 : i32
      %add3A_164 = arith.addi %mul3A_162, %add3A_163 : i32
      %dma_start3A_165 = arith.constant 1 : i32
      %dma_start3A_166 = arith.constant 0 : i32
      %dma_start3A_167 = tpu.memref_slice %arg6[%dma_start3A_165, %add3A_164, %dma_start3A_166] : memref<2x256x64xf32, #tpu.memory_space<vmem>> -> memref<1x1x64xf32, #tpu.memory_space<vmem>>
      %dma_start3A_168 = tpu.memref_squeeze %dma_start3A_167 : memref<1x1x64xf32, #tpu.memory_space<vmem>> -> memref<1x64xf32, #tpu.memory_space<vmem>>
      %dma_start3A_169 = arith.constant 0 : i32
      %dma_start3A_170 = tpu.memref_slice %arg3[%squeeze3A_160, %dma_start3A_169] : memref<1000000x64xf32, #tpu.memory_space<hbm>> -> memref<1x64xf32, #tpu.memory_space<hbm>>
      %dma_start3A_171 = arith.constant 0 : i32
      %dma_start3A_172 = tpu.memref_slice %arg6[%dma_start3A_165, %add3A_164, %dma_start3A_171] : memref<2x256x64xf32, #tpu.memory_space<vmem>> -> memref<1x1x64xf32, #tpu.memory_space<vmem>>
      %dma_start3A_173 = tpu.memref_squeeze %dma_start3A_172 : memref<1x1x64xf32, #tpu.memory_space<vmem>> -> memref<1x64xf32, #tpu.memory_space<vmem>>
      %dma_start3A_174 = arith.constant 0 : i32
      %dma_start3A_175 = tpu.memref_slice %arg3[%squeeze3A_160, %dma_start3A_174] : memref<1000000x64xf32, #tpu.memory_space<hbm>> -> memref<1x64xf32, #tpu.memory_space<hbm>>
      tpu.enqueue_dma source(%dma_start3A_175 : memref<1x64xf32, #tpu.memory_space<hbm>>) target(%dma_start3A_173 : memref<1x64xf32, #tpu.memory_space<vmem>>) target_semaphore(%arg8 : memref<!tpu.dma_semaphore, #tpu.memory_space<semaphore_mem>>)
      %slice3A_176 = vector.extract_strided_slice %get3A_59 {offsets = [7], sizes = [1], strides = [1]} : vector<16xi32> to vector<1xi32>
      %squeeze3A_177 = vector.extract %slice3A_176[0] : i32 from vector<1xi32>
      %mul3A_178 = arith.constant 16 : i32
      %mul3A_179 = arith.muli %scan3A_54, %mul3A_178 : i32
      %add3A_180 = arith.constant 7 : i32
      %add3A_181 = arith.addi %mul3A_179, %add3A_180 : i32
      %dma_start3A_182 = arith.constant 1 : i32
      %dma_start3A_183 = arith.constant 0 : i32
      %dma_start3A_184 = tpu.memref_slice %arg6[%dma_start3A_182, %add3A_181, %dma_start3A_183] : memref<2x256x64xf32, #tpu.memory_space<vmem>> -> memref<1x1x64xf32, #tpu.memory_space<vmem>>
      %dma_start3A_185 = tpu.memref_squeeze %dma_start3A_184 : memref<1x1x64xf32, #tpu.memory_space<vmem>> -> memref<1x64xf32, #tpu.memory_space<vmem>>
      %dma_start3A_186 = arith.constant 0 : i32
      %dma_start3A_187 = tpu.memref_slice %arg3[%squeeze3A_177, %dma_start3A_186] : memref<1000000x64xf32, #tpu.memory_space<hbm>> -> memref<1x64xf32, #tpu.memory_space<hbm>>
      %dma_start3A_188 = arith.constant 0 : i32
      %dma_start3A_189 = tpu.memref_slice %arg6[%dma_start3A_182, %add3A_181, %dma_start3A_188] : memref<2x256x64xf32, #tpu.memory_space<vmem>> -> memref<1x1x64xf32, #tpu.memory_space<vmem>>
      %dma_start3A_190 = tpu.memref_squeeze %dma_start3A_189 : memref<1x1x64xf32, #tpu.memory_space<vmem>> -> memref<1x64xf32, #tpu.memory_space<vmem>>
      %dma_start3A_191 = arith.constant 0 : i32
      %dma_start3A_192 = tpu.memref_slice %arg3[%squeeze3A_177, %dma_start3A_191] : memref<1000000x64xf32, #tpu.memory_space<hbm>> -> memref<1x64xf32, #tpu.memory_space<hbm>>
      tpu.enqueue_dma source(%dma_start3A_192 : memref<1x64xf32, #tpu.memory_space<hbm>>) target(%dma_start3A_190 : memref<1x64xf32, #tpu.memory_space<vmem>>) target_semaphore(%arg8 : memref<!tpu.dma_semaphore, #tpu.memory_space<semaphore_mem>>)
      %slice3A_193 = vector.extract_strided_slice %get3A_59 {offsets = [8], sizes = [1], strides = [1]} : vector<16xi32> to vector<1xi32>
      %squeeze3A_194 = vector.extract %slice3A_193[0] : i32 from vector<1xi32>
      %mul3A_195 = arith.constant 16 : i32
      %mul3A_196 = arith.muli %scan3A_54, %mul3A_195 : i32
      %add3A_197 = arith.constant 8 : i32
      %add3A_198 = arith.addi %mul3A_196, %add3A_197 : i32
      %dma_start3A_199 = arith.constant 1 : i32
      %dma_start3A_200 = arith.constant 0 : i32
      %dma_start3A_201 = tpu.memref_slice %arg6[%dma_start3A_199, %add3A_198, %dma_start3A_200] : memref<2x256x64xf32, #tpu.memory_space<vmem>> -> memref<1x1x64xf32, #tpu.memory_space<vmem>>
      %dma_start3A_202 = tpu.memref_squeeze %dma_start3A_201 : memref<1x1x64xf32, #tpu.memory_space<vmem>> -> memref<1x64xf32, #tpu.memory_space<vmem>>
      %dma_start3A_203 = arith.constant 0 : i32
      %dma_start3A_204 = tpu.memref_slice %arg3[%squeeze3A_194, %dma_start3A_203] : memref<1000000x64xf32, #tpu.memory_space<hbm>> -> memref<1x64xf32, #tpu.memory_space<hbm>>
      %dma_start3A_205 = arith.constant 0 : i32
      %dma_start3A_206 = tpu.memref_slice %arg6[%dma_start3A_199, %add3A_198, %dma_start3A_205] : memref<2x256x64xf32, #tpu.memory_space<vmem>> -> memref<1x1x64xf32, #tpu.memory_space<vmem>>
      %dma_start3A_207 = tpu.memref_squeeze %dma_start3A_206 : memref<1x1x64xf32, #tpu.memory_space<vmem>> -> memref<1x64xf32, #tpu.memory_space<vmem>>
      %dma_start3A_208 = arith.constant 0 : i32
      %dma_start3A_209 = tpu.memref_slice %arg3[%squeeze3A_194, %dma_start3A_208] : memref<1000000x64xf32, #tpu.memory_space<hbm>> -> memref<1x64xf32, #tpu.memory_space<hbm>>
      tpu.enqueue_dma source(%dma_start3A_209 : memref<1x64xf32, #tpu.memory_space<hbm>>) target(%dma_start3A_207 : memref<1x64xf32, #tpu.memory_space<vmem>>) target_semaphore(%arg8 : memref<!tpu.dma_semaphore, #tpu.memory_space<semaphore_mem>>)
      %slice3A_210 = vector.extract_strided_slice %get3A_59 {offsets = [9], sizes = [1], strides = [1]} : vector<16xi32> to vector<1xi32>
      %squeeze3A_211 = vector.extract %slice3A_210[0] : i32 from vector<1xi32>
      %mul3A_212 = arith.constant 16 : i32
      %mul3A_213 = arith.muli %scan3A_54, %mul3A_212 : i32
      %add3A_214 = arith.constant 9 : i32
      %add3A_215 = arith.addi %mul3A_213, %add3A_214 : i32
      %dma_start3A_216 = arith.constant 1 : i32
      %dma_start3A_217 = arith.constant 0 : i32
      %dma_start3A_218 = tpu.memref_slice %arg6[%dma_start3A_216, %add3A_215, %dma_start3A_217] : memref<2x256x64xf32, #tpu.memory_space<vmem>> -> memref<1x1x64xf32, #tpu.memory_space<vmem>>
      %dma_start3A_219 = tpu.memref_squeeze %dma_start3A_218 : memref<1x1x64xf32, #tpu.memory_space<vmem>> -> memref<1x64xf32, #tpu.memory_space<vmem>>
      %dma_start3A_220 = arith.constant 0 : i32
      %dma_start3A_221 = tpu.memref_slice %arg3[%squeeze3A_211, %dma_start3A_220] : memref<1000000x64xf32, #tpu.memory_space<hbm>> -> memref<1x64xf32, #tpu.memory_space<hbm>>
      %dma_start3A_222 = arith.constant 0 : i32
      %dma_start3A_223 = tpu.memref_slice %arg6[%dma_start3A_216, %add3A_215, %dma_start3A_222] : memref<2x256x64xf32, #tpu.memory_space<vmem>> -> memref<1x1x64xf32, #tpu.memory_space<vmem>>
      %dma_start3A_224 = tpu.memref_squeeze %dma_start3A_223 : memref<1x1x64xf32, #tpu.memory_space<vmem>> -> memref<1x64xf32, #tpu.memory_space<vmem>>
      %dma_start3A_225 = arith.constant 0 : i32
      %dma_start3A_226 = tpu.memref_slice %arg3[%squeeze3A_211, %dma_start3A_225] : memref<1000000x64xf32, #tpu.memory_space<hbm>> -> memref<1x64xf32, #tpu.memory_space<hbm>>
      tpu.enqueue_dma source(%dma_start3A_226 : memref<1x64xf32, #tpu.memory_space<hbm>>) target(%dma_start3A_224 : memref<1x64xf32, #tpu.memory_space<vmem>>) target_semaphore(%arg8 : memref<!tpu.dma_semaphore, #tpu.memory_space<semaphore_mem>>)
      %slice3A_227 = vector.extract_strided_slice %get3A_59 {offsets = [10], sizes = [1], strides = [1]} : vector<16xi32> to vector<1xi32>
      %squeeze3A_228 = vector.extract %slice3A_227[0] : i32 from vector<1xi32>
      %mul3A_229 = arith.constant 16 : i32
      %mul3A_230 = arith.muli %scan3A_54, %mul3A_229 : i32
      %add3A_231 = arith.constant 10 : i32
      %add3A_232 = arith.addi %mul3A_230, %add3A_231 : i32
      %dma_start3A_233 = arith.constant 1 : i32
      %dma_start3A_234 = arith.constant 0 : i32
      %dma_start3A_235 = tpu.memref_slice %arg6[%dma_start3A_233, %add3A_232, %dma_start3A_234] : memref<2x256x64xf32, #tpu.memory_space<vmem>> -> memref<1x1x64xf32, #tpu.memory_space<vmem>>
      %dma_start3A_236 = tpu.memref_squeeze %dma_start3A_235 : memref<1x1x64xf32, #tpu.memory_space<vmem>> -> memref<1x64xf32, #tpu.memory_space<vmem>>
      %dma_start3A_237 = arith.constant 0 : i32
      %dma_start3A_238 = tpu.memref_slice %arg3[%squeeze3A_228, %dma_start3A_237] : memref<1000000x64xf32, #tpu.memory_space<hbm>> -> memref<1x64xf32, #tpu.memory_space<hbm>>
      %dma_start3A_239 = arith.constant 0 : i32
      %dma_start3A_240 = tpu.memref_slice %arg6[%dma_start3A_233, %add3A_232, %dma_start3A_239] : memref<2x256x64xf32, #tpu.memory_space<vmem>> -> memref<1x1x64xf32, #tpu.memory_space<vmem>>
      %dma_start3A_241 = tpu.memref_squeeze %dma_start3A_240 : memref<1x1x64xf32, #tpu.memory_space<vmem>> -> memref<1x64xf32, #tpu.memory_space<vmem>>
      %dma_start3A_242 = arith.constant 0 : i32
      %dma_start3A_243 = tpu.memref_slice %arg3[%squeeze3A_228, %dma_start3A_242] : memref<1000000x64xf32, #tpu.memory_space<hbm>> -> memref<1x64xf32, #tpu.memory_space<hbm>>
      tpu.enqueue_dma source(%dma_start3A_243 : memref<1x64xf32, #tpu.memory_space<hbm>>) target(%dma_start3A_241 : memref<1x64xf32, #tpu.memory_space<vmem>>) target_semaphore(%arg8 : memref<!tpu.dma_semaphore, #tpu.memory_space<semaphore_mem>>)
      %slice3A_244 = vector.extract_strided_slice %get3A_59 {offsets = [11], sizes = [1], strides = [1]} : vector<16xi32> to vector<1xi32>
      %squeeze3A_245 = vector.extract %slice3A_244[0] : i32 from vector<1xi32>
      %mul3A_246 = arith.constant 16 : i32
      %mul3A_247 = arith.muli %scan3A_54, %mul3A_246 : i32
      %add3A_248 = arith.constant 11 : i32
      %add3A_249 = arith.addi %mul3A_247, %add3A_248 : i32
      %dma_start3A_250 = arith.constant 1 : i32
      %dma_start3A_251 = arith.constant 0 : i32
      %dma_start3A_252 = tpu.memref_slice %arg6[%dma_start3A_250, %add3A_249, %dma_start3A_251] : memref<2x256x64xf32, #tpu.memory_space<vmem>> -> memref<1x1x64xf32, #tpu.memory_space<vmem>>
      %dma_start3A_253 = tpu.memref_squeeze %dma_start3A_252 : memref<1x1x64xf32, #tpu.memory_space<vmem>> -> memref<1x64xf32, #tpu.memory_space<vmem>>
      %dma_start3A_254 = arith.constant 0 : i32
      %dma_start3A_255 = tpu.memref_slice %arg3[%squeeze3A_245, %dma_start3A_254] : memref<1000000x64xf32, #tpu.memory_space<hbm>> -> memref<1x64xf32, #tpu.memory_space<hbm>>
      %dma_start3A_256 = arith.constant 0 : i32
      %dma_start3A_257 = tpu.memref_slice %arg6[%dma_start3A_250, %add3A_249, %dma_start3A_256] : memref<2x256x64xf32, #tpu.memory_space<vmem>> -> memref<1x1x64xf32, #tpu.memory_space<vmem>>
      %dma_start3A_258 = tpu.memref_squeeze %dma_start3A_257 : memref<1x1x64xf32, #tpu.memory_space<vmem>> -> memref<1x64xf32, #tpu.memory_space<vmem>>
      %dma_start3A_259 = arith.constant 0 : i32
      %dma_start3A_260 = tpu.memref_slice %arg3[%squeeze3A_245, %dma_start3A_259] : memref<1000000x64xf32, #tpu.memory_space<hbm>> -> memref<1x64xf32, #tpu.memory_space<hbm>>
      tpu.enqueue_dma source(%dma_start3A_260 : memref<1x64xf32, #tpu.memory_space<hbm>>) target(%dma_start3A_258 : memref<1x64xf32, #tpu.memory_space<vmem>>) target_semaphore(%arg8 : memref<!tpu.dma_semaphore, #tpu.memory_space<semaphore_mem>>)
      %slice3A_261 = vector.extract_strided_slice %get3A_59 {offsets = [12], sizes = [1], strides = [1]} : vector<16xi32> to vector<1xi32>
      %squeeze3A_262 = vector.extract %slice3A_261[0] : i32 from vector<1xi32>
      %mul3A_263 = arith.constant 16 : i32
      %mul3A_264 = arith.muli %scan3A_54, %mul3A_263 : i32
      %add3A_265 = arith.constant 12 : i32
      %add3A_266 = arith.addi %mul3A_264, %add3A_265 : i32
      %dma_start3A_267 = arith.constant 1 : i32
      %dma_start3A_268 = arith.constant 0 : i32
      %dma_start3A_269 = tpu.memref_slice %arg6[%dma_start3A_267, %add3A_266, %dma_start3A_268] : memref<2x256x64xf32, #tpu.memory_space<vmem>> -> memref<1x1x64xf32, #tpu.memory_space<vmem>>
      %dma_start3A_270 = tpu.memref_squeeze %dma_start3A_269 : memref<1x1x64xf32, #tpu.memory_space<vmem>> -> memref<1x64xf32, #tpu.memory_space<vmem>>
      %dma_start3A_271 = arith.constant 0 : i32
      %dma_start3A_272 = tpu.memref_slice %arg3[%squeeze3A_262, %dma_start3A_271] : memref<1000000x64xf32, #tpu.memory_space<hbm>> -> memref<1x64xf32, #tpu.memory_space<hbm>>
      %dma_start3A_273 = arith.constant 0 : i32
      %dma_start3A_274 = tpu.memref_slice %arg6[%dma_start3A_267, %add3A_266, %dma_start3A_273] : memref<2x256x64xf32, #tpu.memory_space<vmem>> -> memref<1x1x64xf32, #tpu.memory_space<vmem>>
      %dma_start3A_275 = tpu.memref_squeeze %dma_start3A_274 : memref<1x1x64xf32, #tpu.memory_space<vmem>> -> memref<1x64xf32, #tpu.memory_space<vmem>>
      %dma_start3A_276 = arith.constant 0 : i32
      %dma_start3A_277 = tpu.memref_slice %arg3[%squeeze3A_262, %dma_start3A_276] : memref<1000000x64xf32, #tpu.memory_space<hbm>> -> memref<1x64xf32, #tpu.memory_space<hbm>>
      tpu.enqueue_dma source(%dma_start3A_277 : memref<1x64xf32, #tpu.memory_space<hbm>>) target(%dma_start3A_275 : memref<1x64xf32, #tpu.memory_space<vmem>>) target_semaphore(%arg8 : memref<!tpu.dma_semaphore, #tpu.memory_space<semaphore_mem>>)
      %slice3A_278 = vector.extract_strided_slice %get3A_59 {offsets = [13], sizes = [1], strides = [1]} : vector<16xi32> to vector<1xi32>
      %squeeze3A_279 = vector.extract %slice3A_278[0] : i32 from vector<1xi32>
      %mul3A_280 = arith.constant 16 : i32
      %mul3A_281 = arith.muli %scan3A_54, %mul3A_280 : i32
      %add3A_282 = arith.constant 13 : i32
      %add3A_283 = arith.addi %mul3A_281, %add3A_282 : i32
      %dma_start3A_284 = arith.constant 1 : i32
      %dma_start3A_285 = arith.constant 0 : i32
      %dma_start3A_286 = tpu.memref_slice %arg6[%dma_start3A_284, %add3A_283, %dma_start3A_285] : memref<2x256x64xf32, #tpu.memory_space<vmem>> -> memref<1x1x64xf32, #tpu.memory_space<vmem>>
      %dma_start3A_287 = tpu.memref_squeeze %dma_start3A_286 : memref<1x1x64xf32, #tpu.memory_space<vmem>> -> memref<1x64xf32, #tpu.memory_space<vmem>>
      %dma_start3A_288 = arith.constant 0 : i32
      %dma_start3A_289 = tpu.memref_slice %arg3[%squeeze3A_279, %dma_start3A_288] : memref<1000000x64xf32, #tpu.memory_space<hbm>> -> memref<1x64xf32, #tpu.memory_space<hbm>>
      %dma_start3A_290 = arith.constant 0 : i32
      %dma_start3A_291 = tpu.memref_slice %arg6[%dma_start3A_284, %add3A_283, %dma_start3A_290] : memref<2x256x64xf32, #tpu.memory_space<vmem>> -> memref<1x1x64xf32, #tpu.memory_space<vmem>>
      %dma_start3A_292 = tpu.memref_squeeze %dma_start3A_291 : memref<1x1x64xf32, #tpu.memory_space<vmem>> -> memref<1x64xf32, #tpu.memory_space<vmem>>
      %dma_start3A_293 = arith.constant 0 : i32
      %dma_start3A_294 = tpu.memref_slice %arg3[%squeeze3A_279, %dma_start3A_293] : memref<1000000x64xf32, #tpu.memory_space<hbm>> -> memref<1x64xf32, #tpu.memory_space<hbm>>
      tpu.enqueue_dma source(%dma_start3A_294 : memref<1x64xf32, #tpu.memory_space<hbm>>) target(%dma_start3A_292 : memref<1x64xf32, #tpu.memory_space<vmem>>) target_semaphore(%arg8 : memref<!tpu.dma_semaphore, #tpu.memory_space<semaphore_mem>>)
      %slice3A_295 = vector.extract_strided_slice %get3A_59 {offsets = [14], sizes = [1], strides = [1]} : vector<16xi32> to vector<1xi32>
      %squeeze3A_296 = vector.extract %slice3A_295[0] : i32 from vector<1xi32>
      %mul3A_297 = arith.constant 16 : i32
      %mul3A_298 = arith.muli %scan3A_54, %mul3A_297 : i32
      %add3A_299 = arith.constant 14 : i32
      %add3A_300 = arith.addi %mul3A_298, %add3A_299 : i32
      %dma_start3A_301 = arith.constant 1 : i32
      %dma_start3A_302 = arith.constant 0 : i32
      %dma_start3A_303 = tpu.memref_slice %arg6[%dma_start3A_301, %add3A_300, %dma_start3A_302] : memref<2x256x64xf32, #tpu.memory_space<vmem>> -> memref<1x1x64xf32, #tpu.memory_space<vmem>>
      %dma_start3A_304 = tpu.memref_squeeze %dma_start3A_303 : memref<1x1x64xf32, #tpu.memory_space<vmem>> -> memref<1x64xf32, #tpu.memory_space<vmem>>
      %dma_start3A_305 = arith.constant 0 : i32
      %dma_start3A_306 = tpu.memref_slice %arg3[%squeeze3A_296, %dma_start3A_305] : memref<1000000x64xf32, #tpu.memory_space<hbm>> -> memref<1x64xf32, #tpu.memory_space<hbm>>
      %dma_start3A_307 = arith.constant 0 : i32
      %dma_start3A_308 = tpu.memref_slice %arg6[%dma_start3A_301, %add3A_300, %dma_start3A_307] : memref<2x256x64xf32, #tpu.memory_space<vmem>> -> memref<1x1x64xf32, #tpu.memory_space<vmem>>
      %dma_start3A_309 = tpu.memref_squeeze %dma_start3A_308 : memref<1x1x64xf32, #tpu.memory_space<vmem>> -> memref<1x64xf32, #tpu.memory_space<vmem>>
      %dma_start3A_310 = arith.constant 0 : i32
      %dma_start3A_311 = tpu.memref_slice %arg3[%squeeze3A_296, %dma_start3A_310] : memref<1000000x64xf32, #tpu.memory_space<hbm>> -> memref<1x64xf32, #tpu.memory_space<hbm>>
      tpu.enqueue_dma source(%dma_start3A_311 : memref<1x64xf32, #tpu.memory_space<hbm>>) target(%dma_start3A_309 : memref<1x64xf32, #tpu.memory_space<vmem>>) target_semaphore(%arg8 : memref<!tpu.dma_semaphore, #tpu.memory_space<semaphore_mem>>)
      %slice3A_312 = vector.extract_strided_slice %get3A_59 {offsets = [15], sizes = [1], strides = [1]} : vector<16xi32> to vector<1xi32>
      %squeeze3A_313 = vector.extract %slice3A_312[0] : i32 from vector<1xi32>
      %mul3A_314 = arith.constant 16 : i32
      %mul3A_315 = arith.muli %scan3A_54, %mul3A_314 : i32
      %add3A_316 = arith.constant 15 : i32
      %add3A_317 = arith.addi %mul3A_315, %add3A_316 : i32
      %dma_start3A_318 = arith.constant 1 : i32
      %dma_start3A_319 = arith.constant 0 : i32
      %dma_start3A_320 = tpu.memref_slice %arg6[%dma_start3A_318, %add3A_317, %dma_start3A_319] : memref<2x256x64xf32, #tpu.memory_space<vmem>> -> memref<1x1x64xf32, #tpu.memory_space<vmem>>
      %dma_start3A_321 = tpu.memref_squeeze %dma_start3A_320 : memref<1x1x64xf32, #tpu.memory_space<vmem>> -> memref<1x64xf32, #tpu.memory_space<vmem>>
      %dma_start3A_322 = arith.constant 0 : i32
      %dma_start3A_323 = tpu.memref_slice %arg3[%squeeze3A_313, %dma_start3A_322] : memref<1000000x64xf32, #tpu.memory_space<hbm>> -> memref<1x64xf32, #tpu.memory_space<hbm>>
      %dma_start3A_324 = arith.constant 0 : i32
      %dma_start3A_325 = tpu.memref_slice %arg6[%dma_start3A_318, %add3A_317, %dma_start3A_324] : memref<2x256x64xf32, #tpu.memory_space<vmem>> -> memref<1x1x64xf32, #tpu.memory_space<vmem>>
      %dma_start3A_326 = tpu.memref_squeeze %dma_start3A_325 : memref<1x1x64xf32, #tpu.memory_space<vmem>> -> memref<1x64xf32, #tpu.memory_space<vmem>>
      %dma_start3A_327 = arith.constant 0 : i32
      %dma_start3A_328 = tpu.memref_slice %arg3[%squeeze3A_313, %dma_start3A_327] : memref<1000000x64xf32, #tpu.memory_space<hbm>> -> memref<1x64xf32, #tpu.memory_space<hbm>>
      tpu.enqueue_dma source(%dma_start3A_328 : memref<1x64xf32, #tpu.memory_space<hbm>>) target(%dma_start3A_326 : memref<1x64xf32, #tpu.memory_space<vmem>>) target_semaphore(%arg8 : memref<!tpu.dma_semaphore, #tpu.memory_space<semaphore_mem>>)
    }
    %scan3A_13 = arith.constant 16 : i32
    %scan3A_14 = arith.constant 0 : i32
    %scan3A_15 = arith.constant 0 : i32
    %scan3A_16 = arith.constant 19 : i32
    %scan3A_17 = arith.addi %scan3A_15, %scan3A_16 : i32
    %scan3A_18 = arith.constant 1 : i32
    scf.for %scan3A_54 = %scan3A_15 to %scan3A_17 step %scan3A_18  : i32 {
      %mul3A_55 = arith.constant 2 : i32
      %mul3A_56 = arith.muli %mul3A_55, %scan3A_54 : i32
      %dma_wait3A_57 = arith.constant 0 : i32
      %dma_wait3A_58 = arith.constant 0 : i32
      %dma_wait3A_59 = arith.constant 0 : i32
      %dma_wait3A_60 = tpu.memref_slice %arg6[%dma_wait3A_57, %dma_wait3A_58, %dma_wait3A_59] : memref<2x256x64xf32, #tpu.memory_space<vmem>> -> memref<1x256x64xf32, #tpu.memory_space<vmem>>
      %dma_wait3A_61 = tpu.memref_squeeze %dma_wait3A_60 : memref<1x256x64xf32, #tpu.memory_space<vmem>> -> memref<256x64xf32, #tpu.memory_space<vmem>>
      %dma_wait3A_62 = arith.constant 0 : i32
      %dma_wait3A_63 = arith.constant 0 : i32
      %dma_wait3A_64 = tpu.memref_slice %arg4[%dma_wait3A_62, %dma_wait3A_63] : memref<327680x64xf32, #tpu.memory_space<hbm>> -> memref<256x64xf32, #tpu.memory_space<hbm>>
      %dma_wait3A_65 = arith.constant 0 : i32
      %dma_wait3A_66 = arith.constant 0 : i32
      %dma_wait3A_67 = tpu.memref_slice %arg6[%dma_wait3A_57, %dma_wait3A_65, %dma_wait3A_66] : memref<2x256x64xf32, #tpu.memory_space<vmem>> -> memref<1x256x64xf32, #tpu.memory_space<vmem>>
      %dma_wait3A_68 = tpu.memref_squeeze %dma_wait3A_67 : memref<1x256x64xf32, #tpu.memory_space<vmem>> -> memref<256x64xf32, #tpu.memory_space<vmem>>
      %dma_wait3A_69 = arith.constant 0 : i32
      %dma_wait3A_70 = arith.constant 0 : i32
      %dma_wait3A_71 = tpu.memref_slice %arg4[%dma_wait3A_69, %dma_wait3A_70] : memref<327680x64xf32, #tpu.memory_space<hbm>> -> memref<256x64xf32, #tpu.memory_space<hbm>>
      tpu.wait_dma2 semaphore(%arg7 : memref<!tpu.dma_semaphore, #tpu.memory_space<semaphore_mem>>) src(%dma_wait3A_71 : memref<256x64xf32, #tpu.memory_space<hbm>>) dst(%dma_wait3A_68 : memref<256x64xf32, #tpu.memory_space<vmem>>)
      %mul3A_72 = arith.constant 256 : i32
      %mul3A_73 = arith.muli %mul3A_56, %mul3A_72 : i32
      %add3A_74 = arith.addi %mul3A_2, %mul3A_73 : i32
      %run_scoped3A_75 = arith.constant 0 : i32
      "tpu.region"() ({
        %run_scoped3A_119 = tpu.sem_alloc : memref<!tpu.dma_semaphore, #tpu.memory_space<semaphore_mem>>
        %dma_start3A = arith.constant 0 : i32
        %dma_start3A_120 = arith.constant 0 : i32
        %dma_start3A_121 = tpu.memref_slice %arg6[%run_scoped3A_75, %dma_start3A, %dma_start3A_120] : memref<2x256x64xf32, #tpu.memory_space<vmem>> -> memref<1x256x64xf32, #tpu.memory_space<vmem>>
        %dma_start3A_122 = tpu.memref_squeeze %dma_start3A_121 : memref<1x256x64xf32, #tpu.memory_space<vmem>> -> memref<256x64xf32, #tpu.memory_space<vmem>>
        %dma_start3A_123 = arith.constant 0 : i32
        %dma_start3A_124 = tpu.memref_slice %arg4[%add3A_74, %dma_start3A_123] : memref<327680x64xf32, #tpu.memory_space<hbm>> -> memref<256x64xf32, #tpu.memory_space<hbm>>
        %dma_start3A_125 = arith.constant 0 : i32
        %dma_start3A_126 = tpu.memref_slice %arg4[%add3A_74, %dma_start3A_125] : memref<327680x64xf32, #tpu.memory_space<hbm>> -> memref<256x64xf32, #tpu.memory_space<hbm>>
        %dma_start3A_127 = arith.constant 0 : i32
        %dma_start3A_128 = arith.constant 0 : i32
        %dma_start3A_129 = tpu.memref_slice %arg6[%run_scoped3A_75, %dma_start3A_127, %dma_start3A_128] : memref<2x256x64xf32, #tpu.memory_space<vmem>> -> memref<1x256x64xf32, #tpu.memory_space<vmem>>
        %dma_start3A_130 = tpu.memref_squeeze %dma_start3A_129 : memref<1x256x64xf32, #tpu.memory_space<vmem>> -> memref<256x64xf32, #tpu.memory_space<vmem>>
        tpu.enqueue_dma source(%dma_start3A_130 : memref<256x64xf32, #tpu.memory_space<vmem>>) target(%dma_start3A_126 : memref<256x64xf32, #tpu.memory_space<hbm>>) target_semaphore(%run_scoped3A_119 : memref<!tpu.dma_semaphore, #tpu.memory_space<semaphore_mem>>)
        %dma_wait3A_131 = arith.constant 0 : i32
        %dma_wait3A_132 = arith.constant 0 : i32
        %dma_wait3A_133 = tpu.memref_slice %arg6[%run_scoped3A_75, %dma_wait3A_131, %dma_wait3A_132] : memref<2x256x64xf32, #tpu.memory_space<vmem>> -> memref<1x256x64xf32, #tpu.memory_space<vmem>>
        %dma_wait3A_134 = tpu.memref_squeeze %dma_wait3A_133 : memref<1x256x64xf32, #tpu.memory_space<vmem>> -> memref<256x64xf32, #tpu.memory_space<vmem>>
        %dma_wait3A_135 = arith.constant 0 : i32
        %dma_wait3A_136 = tpu.memref_slice %arg4[%add3A_74, %dma_wait3A_135] : memref<327680x64xf32, #tpu.memory_space<hbm>> -> memref<256x64xf32, #tpu.memory_space<hbm>>
        %dma_wait3A_137 = arith.constant 0 : i32
        %dma_wait3A_138 = tpu.memref_slice %arg4[%add3A_74, %dma_wait3A_137] : memref<327680x64xf32, #tpu.memory_space<hbm>> -> memref<256x64xf32, #tpu.memory_space<hbm>>
        %dma_wait3A_139 = arith.constant 0 : i32
        %dma_wait3A_140 = arith.constant 0 : i32
        %dma_wait3A_141 = tpu.memref_slice %arg6[%run_scoped3A_75, %dma_wait3A_139, %dma_wait3A_140] : memref<2x256x64xf32, #tpu.memory_space<vmem>> -> memref<1x256x64xf32, #tpu.memory_space<vmem>>
        %dma_wait3A_142 = tpu.memref_squeeze %dma_wait3A_141 : memref<1x256x64xf32, #tpu.memory_space<vmem>> -> memref<256x64xf32, #tpu.memory_space<vmem>>
        tpu.wait_dma2 semaphore(%run_scoped3A_119 : memref<!tpu.dma_semaphore, #tpu.memory_space<semaphore_mem>>) src(%dma_wait3A_142 : memref<256x64xf32, #tpu.memory_space<vmem>>) dst(%dma_wait3A_138 : memref<256x64xf32, #tpu.memory_space<hbm>>)
        tpu.yield
      }) : () -> ()
      %mul3A_76 = arith.constant 2 : i32
      %mul3A_77 = arith.muli %mul3A_76, %scan3A_54 : i32
      %add3A_78 = arith.constant 2 : i32
      %add3A_79 = arith.addi %mul3A_77, %add3A_78 : i32
      %scan3A_80 = arith.constant 0 : i32
      %scan3A_81 = arith.constant 0 : i32
      %scan3A_82 = arith.constant 16 : i32
      %scan3A_83 = arith.addi %scan3A_81, %scan3A_82 : i32
      %scan3A_84 = arith.constant 1 : i32
      scf.for %scan3A_119 = %scan3A_81 to %scan3A_83 step %scan3A_84  : i32 {
        %mul3A_120 = arith.constant 256 : i32
        %mul3A_121 = arith.muli %add3A_79, %mul3A_120 : i32
        %mul3A_122 = arith.constant 16 : i32
        %mul3A_123 = arith.muli %scan3A_119, %mul3A_122 : i32
        %add3A_124 = arith.addi %mul3A_121, %mul3A_123 : i32
        %get3A = arith.index_cast %add3A_124 : i32 to index
        %get3A_125 = tpu.vector_load %arg5[%get3A] {strides = array<i32>} : memref<10240xi32, #tpu.memory_space<vmem>>, vector<16xi32>,
        %slice3A = vector.extract_strided_slice %get3A_125 {offsets = [0], sizes = [1], strides = [1]} : vector<16xi32> to vector<1xi32>
        %squeeze3A = vector.extract %slice3A[0] : i32 from vector<1xi32>
        %mul3A_126 = arith.constant 16 : i32
        %mul3A_127 = arith.muli %scan3A_119, %mul3A_126 : i32
        %add3A_128 = arith.constant 0 : i32
        %add3A_129 = arith.addi %mul3A_127, %add3A_128 : i32
        %dma_start3A = arith.constant 0 : i32
        %dma_start3A_130 = arith.constant 0 : i32
        %dma_start3A_131 = tpu.memref_slice %arg6[%dma_start3A, %add3A_129, %dma_start3A_130] : memref<2x256x64xf32, #tpu.memory_space<vmem>> -> memref<1x1x64xf32, #tpu.memory_space<vmem>>
        %dma_start3A_132 = tpu.memref_squeeze %dma_start3A_131 : memref<1x1x64xf32, #tpu.memory_space<vmem>> -> memref<1x64xf32, #tpu.memory_space<vmem>>
        %dma_start3A_133 = arith.constant 0 : i32
        %dma_start3A_134 = tpu.memref_slice %arg3[%squeeze3A, %dma_start3A_133] : memref<1000000x64xf32, #tpu.memory_space<hbm>> -> memref<1x64xf32, #tpu.memory_space<hbm>>
        %dma_start3A_135 = arith.constant 0 : i32
        %dma_start3A_136 = tpu.memref_slice %arg6[%dma_start3A, %add3A_129, %dma_start3A_135] : memref<2x256x64xf32, #tpu.memory_space<vmem>> -> memref<1x1x64xf32, #tpu.memory_space<vmem>>
        %dma_start3A_137 = tpu.memref_squeeze %dma_start3A_136 : memref<1x1x64xf32, #tpu.memory_space<vmem>> -> memref<1x64xf32, #tpu.memory_space<vmem>>
        %dma_start3A_138 = arith.constant 0 : i32
        %dma_start3A_139 = tpu.memref_slice %arg3[%squeeze3A, %dma_start3A_138] : memref<1000000x64xf32, #tpu.memory_space<hbm>> -> memref<1x64xf32, #tpu.memory_space<hbm>>
        tpu.enqueue_dma source(%dma_start3A_139 : memref<1x64xf32, #tpu.memory_space<hbm>>) target(%dma_start3A_137 : memref<1x64xf32, #tpu.memory_space<vmem>>) target_semaphore(%arg7 : memref<!tpu.dma_semaphore, #tpu.memory_space<semaphore_mem>>)
        %slice3A_140 = vector.extract_strided_slice %get3A_125 {offsets = [1], sizes = [1], strides = [1]} : vector<16xi32> to vector<1xi32>
        %squeeze3A_141 = vector.extract %slice3A_140[0] : i32 from vector<1xi32>
        %mul3A_142 = arith.constant 16 : i32
        %mul3A_143 = arith.muli %scan3A_119, %mul3A_142 : i32
        %add3A_144 = arith.constant 1 : i32
        %add3A_145 = arith.addi %mul3A_143, %add3A_144 : i32
        %dma_start3A_146 = arith.constant 0 : i32
        %dma_start3A_147 = arith.constant 0 : i32
        %dma_start3A_148 = tpu.memref_slice %arg6[%dma_start3A_146, %add3A_145, %dma_start3A_147] : memref<2x256x64xf32, #tpu.memory_space<vmem>> -> memref<1x1x64xf32, #tpu.memory_space<vmem>>
        %dma_start3A_149 = tpu.memref_squeeze %dma_start3A_148 : memref<1x1x64xf32, #tpu.memory_space<vmem>> -> memref<1x64xf32, #tpu.memory_space<vmem>>
        %dma_start3A_150 = arith.constant 0 : i32
        %dma_start3A_151 = tpu.memref_slice %arg3[%squeeze3A_141, %dma_start3A_150] : memref<1000000x64xf32, #tpu.memory_space<hbm>> -> memref<1x64xf32, #tpu.memory_space<hbm>>
        %dma_start3A_152 = arith.constant 0 : i32
        %dma_start3A_153 = tpu.memref_slice %arg6[%dma_start3A_146, %add3A_145, %dma_start3A_152] : memref<2x256x64xf32, #tpu.memory_space<vmem>> -> memref<1x1x64xf32, #tpu.memory_space<vmem>>
        %dma_start3A_154 = tpu.memref_squeeze %dma_start3A_153 : memref<1x1x64xf32, #tpu.memory_space<vmem>> -> memref<1x64xf32, #tpu.memory_space<vmem>>
        %dma_start3A_155 = arith.constant 0 : i32
        %dma_start3A_156 = tpu.memref_slice %arg3[%squeeze3A_141, %dma_start3A_155] : memref<1000000x64xf32, #tpu.memory_space<hbm>> -> memref<1x64xf32, #tpu.memory_space<hbm>>
        tpu.enqueue_dma source(%dma_start3A_156 : memref<1x64xf32, #tpu.memory_space<hbm>>) target(%dma_start3A_154 : memref<1x64xf32, #tpu.memory_space<vmem>>) target_semaphore(%arg7 : memref<!tpu.dma_semaphore, #tpu.memory_space<semaphore_mem>>)
        %slice3A_157 = vector.extract_strided_slice %get3A_125 {offsets = [2], sizes = [1], strides = [1]} : vector<16xi32> to vector<1xi32>
        %squeeze3A_158 = vector.extract %slice3A_157[0] : i32 from vector<1xi32>
        %mul3A_159 = arith.constant 16 : i32
        %mul3A_160 = arith.muli %scan3A_119, %mul3A_159 : i32
        %add3A_161 = arith.constant 2 : i32
        %add3A_162 = arith.addi %mul3A_160, %add3A_161 : i32
        %dma_start3A_163 = arith.constant 0 : i32
        %dma_start3A_164 = arith.constant 0 : i32
        %dma_start3A_165 = tpu.memref_slice %arg6[%dma_start3A_163, %add3A_162, %dma_start3A_164] : memref<2x256x64xf32, #tpu.memory_space<vmem>> -> memref<1x1x64xf32, #tpu.memory_space<vmem>>
        %dma_start3A_166 = tpu.memref_squeeze %dma_start3A_165 : memref<1x1x64xf32, #tpu.memory_space<vmem>> -> memref<1x64xf32, #tpu.memory_space<vmem>>
        %dma_start3A_167 = arith.constant 0 : i32
        %dma_start3A_168 = tpu.memref_slice %arg3[%squeeze3A_158, %dma_start3A_167] : memref<1000000x64xf32, #tpu.memory_space<hbm>> -> memref<1x64xf32, #tpu.memory_space<hbm>>
        %dma_start3A_169 = arith.constant 0 : i32
        %dma_start3A_170 = tpu.memref_slice %arg6[%dma_start3A_163, %add3A_162, %dma_start3A_169] : memref<2x256x64xf32, #tpu.memory_space<vmem>> -> memref<1x1x64xf32, #tpu.memory_space<vmem>>
        %dma_start3A_171 = tpu.memref_squeeze %dma_start3A_170 : memref<1x1x64xf32, #tpu.memory_space<vmem>> -> memref<1x64xf32, #tpu.memory_space<vmem>>
        %dma_start3A_172 = arith.constant 0 : i32
        %dma_start3A_173 = tpu.memref_slice %arg3[%squeeze3A_158, %dma_start3A_172] : memref<1000000x64xf32, #tpu.memory_space<hbm>> -> memref<1x64xf32, #tpu.memory_space<hbm>>
        tpu.enqueue_dma source(%dma_start3A_173 : memref<1x64xf32, #tpu.memory_space<hbm>>) target(%dma_start3A_171 : memref<1x64xf32, #tpu.memory_space<vmem>>) target_semaphore(%arg7 : memref<!tpu.dma_semaphore, #tpu.memory_space<semaphore_mem>>)
        %slice3A_174 = vector.extract_strided_slice %get3A_125 {offsets = [3], sizes = [1], strides = [1]} : vector<16xi32> to vector<1xi32>
        %squeeze3A_175 = vector.extract %slice3A_174[0] : i32 from vector<1xi32>
        %mul3A_176 = arith.constant 16 : i32
        %mul3A_177 = arith.muli %scan3A_119, %mul3A_176 : i32
        %add3A_178 = arith.constant 3 : i32
        %add3A_179 = arith.addi %mul3A_177, %add3A_178 : i32
        %dma_start3A_180 = arith.constant 0 : i32
        %dma_start3A_181 = arith.constant 0 : i32
        %dma_start3A_182 = tpu.memref_slice %arg6[%dma_start3A_180, %add3A_179, %dma_start3A_181] : memref<2x256x64xf32, #tpu.memory_space<vmem>> -> memref<1x1x64xf32, #tpu.memory_space<vmem>>
        %dma_start3A_183 = tpu.memref_squeeze %dma_start3A_182 : memref<1x1x64xf32, #tpu.memory_space<vmem>> -> memref<1x64xf32, #tpu.memory_space<vmem>>
        %dma_start3A_184 = arith.constant 0 : i32
        %dma_start3A_185 = tpu.memref_slice %arg3[%squeeze3A_175, %dma_start3A_184] : memref<1000000x64xf32, #tpu.memory_space<hbm>> -> memref<1x64xf32, #tpu.memory_space<hbm>>
        %dma_start3A_186 = arith.constant 0 : i32
        %dma_start3A_187 = tpu.memref_slice %arg6[%dma_start3A_180, %add3A_179, %dma_start3A_186] : memref<2x256x64xf32, #tpu.memory_space<vmem>> -> memref<1x1x64xf32, #tpu.memory_space<vmem>>
        %dma_start3A_188 = tpu.memref_squeeze %dma_start3A_187 : memref<1x1x64xf32, #tpu.memory_space<vmem>> -> memref<1x64xf32, #tpu.memory_space<vmem>>
        %dma_start3A_189 = arith.constant 0 : i32
        %dma_start3A_190 = tpu.memref_slice %arg3[%squeeze3A_175, %dma_start3A_189] : memref<1000000x64xf32, #tpu.memory_space<hbm>> -> memref<1x64xf32, #tpu.memory_space<hbm>>
        tpu.enqueue_dma source(%dma_start3A_190 : memref<1x64xf32, #tpu.memory_space<hbm>>) target(%dma_start3A_188 : memref<1x64xf32, #tpu.memory_space<vmem>>) target_semaphore(%arg7 : memref<!tpu.dma_semaphore, #tpu.memory_space<semaphore_mem>>)
        %slice3A_191 = vector.extract_strided_slice %get3A_125 {offsets = [4], sizes = [1], strides = [1]} : vector<16xi32> to vector<1xi32>
        %squeeze3A_192 = vector.extract %slice3A_191[0] : i32 from vector<1xi32>
        %mul3A_193 = arith.constant 16 : i32
        %mul3A_194 = arith.muli %scan3A_119, %mul3A_193 : i32
        %add3A_195 = arith.constant 4 : i32
        %add3A_196 = arith.addi %mul3A_194, %add3A_195 : i32
        %dma_start3A_197 = arith.constant 0 : i32
        %dma_start3A_198 = arith.constant 0 : i32
        %dma_start3A_199 = tpu.memref_slice %arg6[%dma_start3A_197, %add3A_196, %dma_start3A_198] : memref<2x256x64xf32, #tpu.memory_space<vmem>> -> memref<1x1x64xf32, #tpu.memory_space<vmem>>
        %dma_start3A_200 = tpu.memref_squeeze %dma_start3A_199 : memref<1x1x64xf32, #tpu.memory_space<vmem>> -> memref<1x64xf32, #tpu.memory_space<vmem>>
        %dma_start3A_201 = arith.constant 0 : i32
        %dma_start3A_202 = tpu.memref_slice %arg3[%squeeze3A_192, %dma_start3A_201] : memref<1000000x64xf32, #tpu.memory_space<hbm>> -> memref<1x64xf32, #tpu.memory_space<hbm>>
        %dma_start3A_203 = arith.constant 0 : i32
        %dma_start3A_204 = tpu.memref_slice %arg6[%dma_start3A_197, %add3A_196, %dma_start3A_203] : memref<2x256x64xf32, #tpu.memory_space<vmem>> -> memref<1x1x64xf32, #tpu.memory_space<vmem>>
        %dma_start3A_205 = tpu.memref_squeeze %dma_start3A_204 : memref<1x1x64xf32, #tpu.memory_space<vmem>> -> memref<1x64xf32, #tpu.memory_space<vmem>>
        %dma_start3A_206 = arith.constant 0 : i32
        %dma_start3A_207 = tpu.memref_slice %arg3[%squeeze3A_192, %dma_start3A_206] : memref<1000000x64xf32, #tpu.memory_space<hbm>> -> memref<1x64xf32, #tpu.memory_space<hbm>>
        tpu.enqueue_dma source(%dma_start3A_207 : memref<1x64xf32, #tpu.memory_space<hbm>>) target(%dma_start3A_205 : memref<1x64xf32, #tpu.memory_space<vmem>>) target_semaphore(%arg7 : memref<!tpu.dma_semaphore, #tpu.memory_space<semaphore_mem>>)
        %slice3A_208 = vector.extract_strided_slice %get3A_125 {offsets = [5], sizes = [1], strides = [1]} : vector<16xi32> to vector<1xi32>
        %squeeze3A_209 = vector.extract %slice3A_208[0] : i32 from vector<1xi32>
        %mul3A_210 = arith.constant 16 : i32
        %mul3A_211 = arith.muli %scan3A_119, %mul3A_210 : i32
        %add3A_212 = arith.constant 5 : i32
        %add3A_213 = arith.addi %mul3A_211, %add3A_212 : i32
        %dma_start3A_214 = arith.constant 0 : i32
        %dma_start3A_215 = arith.constant 0 : i32
        %dma_start3A_216 = tpu.memref_slice %arg6[%dma_start3A_214, %add3A_213, %dma_start3A_215] : memref<2x256x64xf32, #tpu.memory_space<vmem>> -> memref<1x1x64xf32, #tpu.memory_space<vmem>>
        %dma_start3A_217 = tpu.memref_squeeze %dma_start3A_216 : memref<1x1x64xf32, #tpu.memory_space<vmem>> -> memref<1x64xf32, #tpu.memory_space<vmem>>
        %dma_start3A_218 = arith.constant 0 : i32
        %dma_start3A_219 = tpu.memref_slice %arg3[%squeeze3A_209, %dma_start3A_218] : memref<1000000x64xf32, #tpu.memory_space<hbm>> -> memref<1x64xf32, #tpu.memory_space<hbm>>
        %dma_start3A_220 = arith.constant 0 : i32
        %dma_start3A_221 = tpu.memref_slice %arg6[%dma_start3A_214, %add3A_213, %dma_start3A_220] : memref<2x256x64xf32, #tpu.memory_space<vmem>> -> memref<1x1x64xf32, #tpu.memory_space<vmem>>
        %dma_start3A_222 = tpu.memref_squeeze %dma_start3A_221 : memref<1x1x64xf32, #tpu.memory_space<vmem>> -> memref<1x64xf32, #tpu.memory_space<vmem>>
        %dma_start3A_223 = arith.constant 0 : i32
        %dma_start3A_224 = tpu.memref_slice %arg3[%squeeze3A_209, %dma_start3A_223] : memref<1000000x64xf32, #tpu.memory_space<hbm>> -> memref<1x64xf32, #tpu.memory_space<hbm>>
        tpu.enqueue_dma source(%dma_start3A_224 : memref<1x64xf32, #tpu.memory_space<hbm>>) target(%dma_start3A_222 : memref<1x64xf32, #tpu.memory_space<vmem>>) target_semaphore(%arg7 : memref<!tpu.dma_semaphore, #tpu.memory_space<semaphore_mem>>)
        %slice3A_225 = vector.extract_strided_slice %get3A_125 {offsets = [6], sizes = [1], strides = [1]} : vector<16xi32> to vector<1xi32>
        %squeeze3A_226 = vector.extract %slice3A_225[0] : i32 from vector<1xi32>
        %mul3A_227 = arith.constant 16 : i32
        %mul3A_228 = arith.muli %scan3A_119, %mul3A_227 : i32
        %add3A_229 = arith.constant 6 : i32
        %add3A_230 = arith.addi %mul3A_228, %add3A_229 : i32
        %dma_start3A_231 = arith.constant 0 : i32
        %dma_start3A_232 = arith.constant 0 : i32
        %dma_start3A_233 = tpu.memref_slice %arg6[%dma_start3A_231, %add3A_230, %dma_start3A_232] : memref<2x256x64xf32, #tpu.memory_space<vmem>> -> memref<1x1x64xf32, #tpu.memory_space<vmem>>
        %dma_start3A_234 = tpu.memref_squeeze %dma_start3A_233 : memref<1x1x64xf32, #tpu.memory_space<vmem>> -> memref<1x64xf32, #tpu.memory_space<vmem>>
        %dma_start3A_235 = arith.constant 0 : i32
        %dma_start3A_236 = tpu.memref_slice %arg3[%squeeze3A_226, %dma_start3A_235] : memref<1000000x64xf32, #tpu.memory_space<hbm>> -> memref<1x64xf32, #tpu.memory_space<hbm>>
        %dma_start3A_237 = arith.constant 0 : i32
        %dma_start3A_238 = tpu.memref_slice %arg6[%dma_start3A_231, %add3A_230, %dma_start3A_237] : memref<2x256x64xf32, #tpu.memory_space<vmem>> -> memref<1x1x64xf32, #tpu.memory_space<vmem>>
        %dma_start3A_239 = tpu.memref_squeeze %dma_start3A_238 : memref<1x1x64xf32, #tpu.memory_space<vmem>> -> memref<1x64xf32, #tpu.memory_space<vmem>>
        %dma_start3A_240 = arith.constant 0 : i32
        %dma_start3A_241 = tpu.memref_slice %arg3[%squeeze3A_226, %dma_start3A_240] : memref<1000000x64xf32, #tpu.memory_space<hbm>> -> memref<1x64xf32, #tpu.memory_space<hbm>>
        tpu.enqueue_dma source(%dma_start3A_241 : memref<1x64xf32, #tpu.memory_space<hbm>>) target(%dma_start3A_239 : memref<1x64xf32, #tpu.memory_space<vmem>>) target_semaphore(%arg7 : memref<!tpu.dma_semaphore, #tpu.memory_space<semaphore_mem>>)
        %slice3A_242 = vector.extract_strided_slice %get3A_125 {offsets = [7], sizes = [1], strides = [1]} : vector<16xi32> to vector<1xi32>
        %squeeze3A_243 = vector.extract %slice3A_242[0] : i32 from vector<1xi32>
        %mul3A_244 = arith.constant 16 : i32
        %mul3A_245 = arith.muli %scan3A_119, %mul3A_244 : i32
        %add3A_246 = arith.constant 7 : i32
        %add3A_247 = arith.addi %mul3A_245, %add3A_246 : i32
        %dma_start3A_248 = arith.constant 0 : i32
        %dma_start3A_249 = arith.constant 0 : i32
        %dma_start3A_250 = tpu.memref_slice %arg6[%dma_start3A_248, %add3A_247, %dma_start3A_249] : memref<2x256x64xf32, #tpu.memory_space<vmem>> -> memref<1x1x64xf32, #tpu.memory_space<vmem>>
        %dma_start3A_251 = tpu.memref_squeeze %dma_start3A_250 : memref<1x1x64xf32, #tpu.memory_space<vmem>> -> memref<1x64xf32, #tpu.memory_space<vmem>>
        %dma_start3A_252 = arith.constant 0 : i32
        %dma_start3A_253 = tpu.memref_slice %arg3[%squeeze3A_243, %dma_start3A_252] : memref<1000000x64xf32, #tpu.memory_space<hbm>> -> memref<1x64xf32, #tpu.memory_space<hbm>>
        %dma_start3A_254 = arith.constant 0 : i32
        %dma_start3A_255 = tpu.memref_slice %arg6[%dma_start3A_248, %add3A_247, %dma_start3A_254] : memref<2x256x64xf32, #tpu.memory_space<vmem>> -> memref<1x1x64xf32, #tpu.memory_space<vmem>>
        %dma_start3A_256 = tpu.memref_squeeze %dma_start3A_255 : memref<1x1x64xf32, #tpu.memory_space<vmem>> -> memref<1x64xf32, #tpu.memory_space<vmem>>
        %dma_start3A_257 = arith.constant 0 : i32
        %dma_start3A_258 = tpu.memref_slice %arg3[%squeeze3A_243, %dma_start3A_257] : memref<1000000x64xf32, #tpu.memory_space<hbm>> -> memref<1x64xf32, #tpu.memory_space<hbm>>
        tpu.enqueue_dma source(%dma_start3A_258 : memref<1x64xf32, #tpu.memory_space<hbm>>) target(%dma_start3A_256 : memref<1x64xf32, #tpu.memory_space<vmem>>) target_semaphore(%arg7 : memref<!tpu.dma_semaphore, #tpu.memory_space<semaphore_mem>>)
        %slice3A_259 = vector.extract_strided_slice %get3A_125 {offsets = [8], sizes = [1], strides = [1]} : vector<16xi32> to vector<1xi32>
        %squeeze3A_260 = vector.extract %slice3A_259[0] : i32 from vector<1xi32>
        %mul3A_261 = arith.constant 16 : i32
        %mul3A_262 = arith.muli %scan3A_119, %mul3A_261 : i32
        %add3A_263 = arith.constant 8 : i32
        %add3A_264 = arith.addi %mul3A_262, %add3A_263 : i32
        %dma_start3A_265 = arith.constant 0 : i32
        %dma_start3A_266 = arith.constant 0 : i32
        %dma_start3A_267 = tpu.memref_slice %arg6[%dma_start3A_265, %add3A_264, %dma_start3A_266] : memref<2x256x64xf32, #tpu.memory_space<vmem>> -> memref<1x1x64xf32, #tpu.memory_space<vmem>>
        %dma_start3A_268 = tpu.memref_squeeze %dma_start3A_267 : memref<1x1x64xf32, #tpu.memory_space<vmem>> -> memref<1x64xf32, #tpu.memory_space<vmem>>
        %dma_start3A_269 = arith.constant 0 : i32
        %dma_start3A_270 = tpu.memref_slice %arg3[%squeeze3A_260, %dma_start3A_269] : memref<1000000x64xf32, #tpu.memory_space<hbm>> -> memref<1x64xf32, #tpu.memory_space<hbm>>
        %dma_start3A_271 = arith.constant 0 : i32
        %dma_start3A_272 = tpu.memref_slice %arg6[%dma_start3A_265, %add3A_264, %dma_start3A_271] : memref<2x256x64xf32, #tpu.memory_space<vmem>> -> memref<1x1x64xf32, #tpu.memory_space<vmem>>
        %dma_start3A_273 = tpu.memref_squeeze %dma_start3A_272 : memref<1x1x64xf32, #tpu.memory_space<vmem>> -> memref<1x64xf32, #tpu.memory_space<vmem>>
        %dma_start3A_274 = arith.constant 0 : i32
        %dma_start3A_275 = tpu.memref_slice %arg3[%squeeze3A_260, %dma_start3A_274] : memref<1000000x64xf32, #tpu.memory_space<hbm>> -> memref<1x64xf32, #tpu.memory_space<hbm>>
        tpu.enqueue_dma source(%dma_start3A_275 : memref<1x64xf32, #tpu.memory_space<hbm>>) target(%dma_start3A_273 : memref<1x64xf32, #tpu.memory_space<vmem>>) target_semaphore(%arg7 : memref<!tpu.dma_semaphore, #tpu.memory_space<semaphore_mem>>)
        %slice3A_276 = vector.extract_strided_slice %get3A_125 {offsets = [9], sizes = [1], strides = [1]} : vector<16xi32> to vector<1xi32>
        %squeeze3A_277 = vector.extract %slice3A_276[0] : i32 from vector<1xi32>
        %mul3A_278 = arith.constant 16 : i32
        %mul3A_279 = arith.muli %scan3A_119, %mul3A_278 : i32
        %add3A_280 = arith.constant 9 : i32
        %add3A_281 = arith.addi %mul3A_279, %add3A_280 : i32
        %dma_start3A_282 = arith.constant 0 : i32
        %dma_start3A_283 = arith.constant 0 : i32
        %dma_start3A_284 = tpu.memref_slice %arg6[%dma_start3A_282, %add3A_281, %dma_start3A_283] : memref<2x256x64xf32, #tpu.memory_space<vmem>> -> memref<1x1x64xf32, #tpu.memory_space<vmem>>
        %dma_start3A_285 = tpu.memref_squeeze %dma_start3A_284 : memref<1x1x64xf32, #tpu.memory_space<vmem>> -> memref<1x64xf32, #tpu.memory_space<vmem>>
        %dma_start3A_286 = arith.constant 0 : i32
        %dma_start3A_287 = tpu.memref_slice %arg3[%squeeze3A_277, %dma_start3A_286] : memref<1000000x64xf32, #tpu.memory_space<hbm>> -> memref<1x64xf32, #tpu.memory_space<hbm>>
        %dma_start3A_288 = arith.constant 0 : i32
        %dma_start3A_289 = tpu.memref_slice %arg6[%dma_start3A_282, %add3A_281, %dma_start3A_288] : memref<2x256x64xf32, #tpu.memory_space<vmem>> -> memref<1x1x64xf32, #tpu.memory_space<vmem>>
        %dma_start3A_290 = tpu.memref_squeeze %dma_start3A_289 : memref<1x1x64xf32, #tpu.memory_space<vmem>> -> memref<1x64xf32, #tpu.memory_space<vmem>>
        %dma_start3A_291 = arith.constant 0 : i32
        %dma_start3A_292 = tpu.memref_slice %arg3[%squeeze3A_277, %dma_start3A_291] : memref<1000000x64xf32, #tpu.memory_space<hbm>> -> memref<1x64xf32, #tpu.memory_space<hbm>>
        tpu.enqueue_dma source(%dma_start3A_292 : memref<1x64xf32, #tpu.memory_space<hbm>>) target(%dma_start3A_290 : memref<1x64xf32, #tpu.memory_space<vmem>>) target_semaphore(%arg7 : memref<!tpu.dma_semaphore, #tpu.memory_space<semaphore_mem>>)
        %slice3A_293 = vector.extract_strided_slice %get3A_125 {offsets = [10], sizes = [1], strides = [1]} : vector<16xi32> to vector<1xi32>
        %squeeze3A_294 = vector.extract %slice3A_293[0] : i32 from vector<1xi32>
        %mul3A_295 = arith.constant 16 : i32
        %mul3A_296 = arith.muli %scan3A_119, %mul3A_295 : i32
        %add3A_297 = arith.constant 10 : i32
        %add3A_298 = arith.addi %mul3A_296, %add3A_297 : i32
        %dma_start3A_299 = arith.constant 0 : i32
        %dma_start3A_300 = arith.constant 0 : i32
        %dma_start3A_301 = tpu.memref_slice %arg6[%dma_start3A_299, %add3A_298, %dma_start3A_300] : memref<2x256x64xf32, #tpu.memory_space<vmem>> -> memref<1x1x64xf32, #tpu.memory_space<vmem>>
        %dma_start3A_302 = tpu.memref_squeeze %dma_start3A_301 : memref<1x1x64xf32, #tpu.memory_space<vmem>> -> memref<1x64xf32, #tpu.memory_space<vmem>>
        %dma_start3A_303 = arith.constant 0 : i32
        %dma_start3A_304 = tpu.memref_slice %arg3[%squeeze3A_294, %dma_start3A_303] : memref<1000000x64xf32, #tpu.memory_space<hbm>> -> memref<1x64xf32, #tpu.memory_space<hbm>>
        %dma_start3A_305 = arith.constant 0 : i32
        %dma_start3A_306 = tpu.memref_slice %arg6[%dma_start3A_299, %add3A_298, %dma_start3A_305] : memref<2x256x64xf32, #tpu.memory_space<vmem>> -> memref<1x1x64xf32, #tpu.memory_space<vmem>>
        %dma_start3A_307 = tpu.memref_squeeze %dma_start3A_306 : memref<1x1x64xf32, #tpu.memory_space<vmem>> -> memref<1x64xf32, #tpu.memory_space<vmem>>
        %dma_start3A_308 = arith.constant 0 : i32
        %dma_start3A_309 = tpu.memref_slice %arg3[%squeeze3A_294, %dma_start3A_308] : memref<1000000x64xf32, #tpu.memory_space<hbm>> -> memref<1x64xf32, #tpu.memory_space<hbm>>
        tpu.enqueue_dma source(%dma_start3A_309 : memref<1x64xf32, #tpu.memory_space<hbm>>) target(%dma_start3A_307 : memref<1x64xf32, #tpu.memory_space<vmem>>) target_semaphore(%arg7 : memref<!tpu.dma_semaphore, #tpu.memory_space<semaphore_mem>>)
        %slice3A_310 = vector.extract_strided_slice %get3A_125 {offsets = [11], sizes = [1], strides = [1]} : vector<16xi32> to vector<1xi32>
        %squeeze3A_311 = vector.extract %slice3A_310[0] : i32 from vector<1xi32>
        %mul3A_312 = arith.constant 16 : i32
        %mul3A_313 = arith.muli %scan3A_119, %mul3A_312 : i32
        %add3A_314 = arith.constant 11 : i32
        %add3A_315 = arith.addi %mul3A_313, %add3A_314 : i32
        %dma_start3A_316 = arith.constant 0 : i32
        %dma_start3A_317 = arith.constant 0 : i32
        %dma_start3A_318 = tpu.memref_slice %arg6[%dma_start3A_316, %add3A_315, %dma_start3A_317] : memref<2x256x64xf32, #tpu.memory_space<vmem>> -> memref<1x1x64xf32, #tpu.memory_space<vmem>>
        %dma_start3A_319 = tpu.memref_squeeze %dma_start3A_318 : memref<1x1x64xf32, #tpu.memory_space<vmem>> -> memref<1x64xf32, #tpu.memory_space<vmem>>
        %dma_start3A_320 = arith.constant 0 : i32
        %dma_start3A_321 = tpu.memref_slice %arg3[%squeeze3A_311, %dma_start3A_320] : memref<1000000x64xf32, #tpu.memory_space<hbm>> -> memref<1x64xf32, #tpu.memory_space<hbm>>
        %dma_start3A_322 = arith.constant 0 : i32
        %dma_start3A_323 = tpu.memref_slice %arg6[%dma_start3A_316, %add3A_315, %dma_start3A_322] : memref<2x256x64xf32, #tpu.memory_space<vmem>> -> memref<1x1x64xf32, #tpu.memory_space<vmem>>
        %dma_start3A_324 = tpu.memref_squeeze %dma_start3A_323 : memref<1x1x64xf32, #tpu.memory_space<vmem>> -> memref<1x64xf32, #tpu.memory_space<vmem>>
        %dma_start3A_325 = arith.constant 0 : i32
        %dma_start3A_326 = tpu.memref_slice %arg3[%squeeze3A_311, %dma_start3A_325] : memref<1000000x64xf32, #tpu.memory_space<hbm>> -> memref<1x64xf32, #tpu.memory_space<hbm>>
        tpu.enqueue_dma source(%dma_start3A_326 : memref<1x64xf32, #tpu.memory_space<hbm>>) target(%dma_start3A_324 : memref<1x64xf32, #tpu.memory_space<vmem>>) target_semaphore(%arg7 : memref<!tpu.dma_semaphore, #tpu.memory_space<semaphore_mem>>)
        %slice3A_327 = vector.extract_strided_slice %get3A_125 {offsets = [12], sizes = [1], strides = [1]} : vector<16xi32> to vector<1xi32>
        %squeeze3A_328 = vector.extract %slice3A_327[0] : i32 from vector<1xi32>
        %mul3A_329 = arith.constant 16 : i32
        %mul3A_330 = arith.muli %scan3A_119, %mul3A_329 : i32
        %add3A_331 = arith.constant 12 : i32
        %add3A_332 = arith.addi %mul3A_330, %add3A_331 : i32
        %dma_start3A_333 = arith.constant 0 : i32
        %dma_start3A_334 = arith.constant 0 : i32
        %dma_start3A_335 = tpu.memref_slice %arg6[%dma_start3A_333, %add3A_332, %dma_start3A_334] : memref<2x256x64xf32, #tpu.memory_space<vmem>> -> memref<1x1x64xf32, #tpu.memory_space<vmem>>
        %dma_start3A_336 = tpu.memref_squeeze %dma_start3A_335 : memref<1x1x64xf32, #tpu.memory_space<vmem>> -> memref<1x64xf32, #tpu.memory_space<vmem>>
        %dma_start3A_337 = arith.constant 0 : i32
        %dma_start3A_338 = tpu.memref_slice %arg3[%squeeze3A_328, %dma_start3A_337] : memref<1000000x64xf32, #tpu.memory_space<hbm>> -> memref<1x64xf32, #tpu.memory_space<hbm>>
        %dma_start3A_339 = arith.constant 0 : i32
        %dma_start3A_340 = tpu.memref_slice %arg6[%dma_start3A_333, %add3A_332, %dma_start3A_339] : memref<2x256x64xf32, #tpu.memory_space<vmem>> -> memref<1x1x64xf32, #tpu.memory_space<vmem>>
        %dma_start3A_341 = tpu.memref_squeeze %dma_start3A_340 : memref<1x1x64xf32, #tpu.memory_space<vmem>> -> memref<1x64xf32, #tpu.memory_space<vmem>>
        %dma_start3A_342 = arith.constant 0 : i32
        %dma_start3A_343 = tpu.memref_slice %arg3[%squeeze3A_328, %dma_start3A_342] : memref<1000000x64xf32, #tpu.memory_space<hbm>> -> memref<1x64xf32, #tpu.memory_space<hbm>>
        tpu.enqueue_dma source(%dma_start3A_343 : memref<1x64xf32, #tpu.memory_space<hbm>>) target(%dma_start3A_341 : memref<1x64xf32, #tpu.memory_space<vmem>>) target_semaphore(%arg7 : memref<!tpu.dma_semaphore, #tpu.memory_space<semaphore_mem>>)
        %slice3A_344 = vector.extract_strided_slice %get3A_125 {offsets = [13], sizes = [1], strides = [1]} : vector<16xi32> to vector<1xi32>
        %squeeze3A_345 = vector.extract %slice3A_344[0] : i32 from vector<1xi32>
        %mul3A_346 = arith.constant 16 : i32
        %mul3A_347 = arith.muli %scan3A_119, %mul3A_346 : i32
        %add3A_348 = arith.constant 13 : i32
        %add3A_349 = arith.addi %mul3A_347, %add3A_348 : i32
        %dma_start3A_350 = arith.constant 0 : i32
        %dma_start3A_351 = arith.constant 0 : i32
        %dma_start3A_352 = tpu.memref_slice %arg6[%dma_start3A_350, %add3A_349, %dma_start3A_351] : memref<2x256x64xf32, #tpu.memory_space<vmem>> -> memref<1x1x64xf32, #tpu.memory_space<vmem>>
        %dma_start3A_353 = tpu.memref_squeeze %dma_start3A_352 : memref<1x1x64xf32, #tpu.memory_space<vmem>> -> memref<1x64xf32, #tpu.memory_space<vmem>>
        %dma_start3A_354 = arith.constant 0 : i32
        %dma_start3A_355 = tpu.memref_slice %arg3[%squeeze3A_345, %dma_start3A_354] : memref<1000000x64xf32, #tpu.memory_space<hbm>> -> memref<1x64xf32, #tpu.memory_space<hbm>>
        %dma_start3A_356 = arith.constant 0 : i32
        %dma_start3A_357 = tpu.memref_slice %arg6[%dma_start3A_350, %add3A_349, %dma_start3A_356] : memref<2x256x64xf32, #tpu.memory_space<vmem>> -> memref<1x1x64xf32, #tpu.memory_space<vmem>>
        %dma_start3A_358 = tpu.memref_squeeze %dma_start3A_357 : memref<1x1x64xf32, #tpu.memory_space<vmem>> -> memref<1x64xf32, #tpu.memory_space<vmem>>
        %dma_start3A_359 = arith.constant 0 : i32
        %dma_start3A_360 = tpu.memref_slice %arg3[%squeeze3A_345, %dma_start3A_359] : memref<1000000x64xf32, #tpu.memory_space<hbm>> -> memref<1x64xf32, #tpu.memory_space<hbm>>
        tpu.enqueue_dma source(%dma_start3A_360 : memref<1x64xf32, #tpu.memory_space<hbm>>) target(%dma_start3A_358 : memref<1x64xf32, #tpu.memory_space<vmem>>) target_semaphore(%arg7 : memref<!tpu.dma_semaphore, #tpu.memory_space<semaphore_mem>>)
        %slice3A_361 = vector.extract_strided_slice %get3A_125 {offsets = [14], sizes = [1], strides = [1]} : vector<16xi32> to vector<1xi32>
        %squeeze3A_362 = vector.extract %slice3A_361[0] : i32 from vector<1xi32>
        %mul3A_363 = arith.constant 16 : i32
        %mul3A_364 = arith.muli %scan3A_119, %mul3A_363 : i32
        %add3A_365 = arith.constant 14 : i32
        %add3A_366 = arith.addi %mul3A_364, %add3A_365 : i32
        %dma_start3A_367 = arith.constant 0 : i32
        %dma_start3A_368 = arith.constant 0 : i32
        %dma_start3A_369 = tpu.memref_slice %arg6[%dma_start3A_367, %add3A_366, %dma_start3A_368] : memref<2x256x64xf32, #tpu.memory_space<vmem>> -> memref<1x1x64xf32, #tpu.memory_space<vmem>>
        %dma_start3A_370 = tpu.memref_squeeze %dma_start3A_369 : memref<1x1x64xf32, #tpu.memory_space<vmem>> -> memref<1x64xf32, #tpu.memory_space<vmem>>
        %dma_start3A_371 = arith.constant 0 : i32
        %dma_start3A_372 = tpu.memref_slice %arg3[%squeeze3A_362, %dma_start3A_371] : memref<1000000x64xf32, #tpu.memory_space<hbm>> -> memref<1x64xf32, #tpu.memory_space<hbm>>
        %dma_start3A_373 = arith.constant 0 : i32
        %dma_start3A_374 = tpu.memref_slice %arg6[%dma_start3A_367, %add3A_366, %dma_start3A_373] : memref<2x256x64xf32, #tpu.memory_space<vmem>> -> memref<1x1x64xf32, #tpu.memory_space<vmem>>
        %dma_start3A_375 = tpu.memref_squeeze %dma_start3A_374 : memref<1x1x64xf32, #tpu.memory_space<vmem>> -> memref<1x64xf32, #tpu.memory_space<vmem>>
        %dma_start3A_376 = arith.constant 0 : i32
        %dma_start3A_377 = tpu.memref_slice %arg3[%squeeze3A_362, %dma_start3A_376] : memref<1000000x64xf32, #tpu.memory_space<hbm>> -> memref<1x64xf32, #tpu.memory_space<hbm>>
        tpu.enqueue_dma source(%dma_start3A_377 : memref<1x64xf32, #tpu.memory_space<hbm>>) target(%dma_start3A_375 : memref<1x64xf32, #tpu.memory_space<vmem>>) target_semaphore(%arg7 : memref<!tpu.dma_semaphore, #tpu.memory_space<semaphore_mem>>)
        %slice3A_378 = vector.extract_strided_slice %get3A_125 {offsets = [15], sizes = [1], strides = [1]} : vector<16xi32> to vector<1xi32>
        %squeeze3A_379 = vector.extract %slice3A_378[0] : i32 from vector<1xi32>
        %mul3A_380 = arith.constant 16 : i32
        %mul3A_381 = arith.muli %scan3A_119, %mul3A_380 : i32
        %add3A_382 = arith.constant 15 : i32
        %add3A_383 = arith.addi %mul3A_381, %add3A_382 : i32
        %dma_start3A_384 = arith.constant 0 : i32
        %dma_start3A_385 = arith.constant 0 : i32
        %dma_start3A_386 = tpu.memref_slice %arg6[%dma_start3A_384, %add3A_383, %dma_start3A_385] : memref<2x256x64xf32, #tpu.memory_space<vmem>> -> memref<1x1x64xf32, #tpu.memory_space<vmem>>
        %dma_start3A_387 = tpu.memref_squeeze %dma_start3A_386 : memref<1x1x64xf32, #tpu.memory_space<vmem>> -> memref<1x64xf32, #tpu.memory_space<vmem>>
        %dma_start3A_388 = arith.constant 0 : i32
        %dma_start3A_389 = tpu.memref_slice %arg3[%squeeze3A_379, %dma_start3A_388] : memref<1000000x64xf32, #tpu.memory_space<hbm>> -> memref<1x64xf32, #tpu.memory_space<hbm>>
        %dma_start3A_390 = arith.constant 0 : i32
        %dma_start3A_391 = tpu.memref_slice %arg6[%dma_start3A_384, %add3A_383, %dma_start3A_390] : memref<2x256x64xf32, #tpu.memory_space<vmem>> -> memref<1x1x64xf32, #tpu.memory_space<vmem>>
        %dma_start3A_392 = tpu.memref_squeeze %dma_start3A_391 : memref<1x1x64xf32, #tpu.memory_space<vmem>> -> memref<1x64xf32, #tpu.memory_space<vmem>>
        %dma_start3A_393 = arith.constant 0 : i32
        %dma_start3A_394 = tpu.memref_slice %arg3[%squeeze3A_379, %dma_start3A_393] : memref<1000000x64xf32, #tpu.memory_space<hbm>> -> memref<1x64xf32, #tpu.memory_space<hbm>>
        tpu.enqueue_dma source(%dma_start3A_394 : memref<1x64xf32, #tpu.memory_space<hbm>>) target(%dma_start3A_392 : memref<1x64xf32, #tpu.memory_space<vmem>>) target_semaphore(%arg7 : memref<!tpu.dma_semaphore, #tpu.memory_space<semaphore_mem>>)
      }
      %scan3A_85 = arith.constant 16 : i32
      %mul3A_86 = arith.constant 2 : i32
      %mul3A_87 = arith.muli %mul3A_86, %scan3A_54 : i32
      %add3A_88 = arith.constant 1 : i32
      %add3A_89 = arith.addi %mul3A_87, %add3A_88 : i32
      %dma_wait3A_90 = arith.constant 1 : i32
      %dma_wait3A_91 = arith.constant 0 : i32
      %dma_wait3A_92 = arith.constant 0 : i32
      %dma_wait3A_93 = tpu.memref_slice %arg6[%dma_wait3A_90, %dma_wait3A_91, %dma_wait3A_92] : memref<2x256x64xf32, #tpu.memory_space<vmem>> -> memref<1x256x64xf32, #tpu.memory_space<vmem>>
      %dma_wait3A_94 = tpu.memref_squeeze %dma_wait3A_93 : memref<1x256x64xf32, #tpu.memory_space<vmem>> -> memref<256x64xf32, #tpu.memory_space<vmem>>
      %dma_wait3A_95 = arith.constant 0 : i32
      %dma_wait3A_96 = arith.constant 0 : i32
      %dma_wait3A_97 = tpu.memref_slice %arg4[%dma_wait3A_95, %dma_wait3A_96] : memref<327680x64xf32, #tpu.memory_space<hbm>> -> memref<256x64xf32, #tpu.memory_space<hbm>>
      %dma_wait3A_98 = arith.constant 0 : i32
      %dma_wait3A_99 = arith.constant 0 : i32
      %dma_wait3A_100 = tpu.memref_slice %arg6[%dma_wait3A_90, %dma_wait3A_98, %dma_wait3A_99] : memref<2x256x64xf32, #tpu.memory_space<vmem>> -> memref<1x256x64xf32, #tpu.memory_space<vmem>>
      %dma_wait3A_101 = tpu.memref_squeeze %dma_wait3A_100 : memref<1x256x64xf32, #tpu.memory_space<vmem>> -> memref<256x64xf32, #tpu.memory_space<vmem>>
      %dma_wait3A_102 = arith.constant 0 : i32
      %dma_wait3A_103 = arith.constant 0 : i32
      %dma_wait3A_104 = tpu.memref_slice %arg4[%dma_wait3A_102, %dma_wait3A_103] : memref<327680x64xf32, #tpu.memory_space<hbm>> -> memref<256x64xf32, #tpu.memory_space<hbm>>
      tpu.wait_dma2 semaphore(%arg8 : memref<!tpu.dma_semaphore, #tpu.memory_space<semaphore_mem>>) src(%dma_wait3A_104 : memref<256x64xf32, #tpu.memory_space<hbm>>) dst(%dma_wait3A_101 : memref<256x64xf32, #tpu.memory_space<vmem>>)
      %mul3A_105 = arith.constant 256 : i32
      %mul3A_106 = arith.muli %add3A_89, %mul3A_105 : i32
      %add3A_107 = arith.addi %mul3A_2, %mul3A_106 : i32
      %run_scoped3A_108 = arith.constant 1 : i32
      "tpu.region"() ({
        %run_scoped3A_119 = tpu.sem_alloc : memref<!tpu.dma_semaphore, #tpu.memory_space<semaphore_mem>>
        %dma_start3A = arith.constant 0 : i32
        %dma_start3A_120 = arith.constant 0 : i32
        %dma_start3A_121 = tpu.memref_slice %arg6[%run_scoped3A_108, %dma_start3A, %dma_start3A_120] : memref<2x256x64xf32, #tpu.memory_space<vmem>> -> memref<1x256x64xf32, #tpu.memory_space<vmem>>
        %dma_start3A_122 = tpu.memref_squeeze %dma_start3A_121 : memref<1x256x64xf32, #tpu.memory_space<vmem>> -> memref<256x64xf32, #tpu.memory_space<vmem>>
        %dma_start3A_123 = arith.constant 0 : i32
        %dma_start3A_124 = tpu.memref_slice %arg4[%add3A_107, %dma_start3A_123] : memref<327680x64xf32, #tpu.memory_space<hbm>> -> memref<256x64xf32, #tpu.memory_space<hbm>>
        %dma_start3A_125 = arith.constant 0 : i32
        %dma_start3A_126 = tpu.memref_slice %arg4[%add3A_107, %dma_start3A_125] : memref<327680x64xf32, #tpu.memory_space<hbm>> -> memref<256x64xf32, #tpu.memory_space<hbm>>
        %dma_start3A_127 = arith.constant 0 : i32
        %dma_start3A_128 = arith.constant 0 : i32
        %dma_start3A_129 = tpu.memref_slice %arg6[%run_scoped3A_108, %dma_start3A_127, %dma_start3A_128] : memref<2x256x64xf32, #tpu.memory_space<vmem>> -> memref<1x256x64xf32, #tpu.memory_space<vmem>>
        %dma_start3A_130 = tpu.memref_squeeze %dma_start3A_129 : memref<1x256x64xf32, #tpu.memory_space<vmem>> -> memref<256x64xf32, #tpu.memory_space<vmem>>
        tpu.enqueue_dma source(%dma_start3A_130 : memref<256x64xf32, #tpu.memory_space<vmem>>) target(%dma_start3A_126 : memref<256x64xf32, #tpu.memory_space<hbm>>) target_semaphore(%run_scoped3A_119 : memref<!tpu.dma_semaphore, #tpu.memory_space<semaphore_mem>>)
        %dma_wait3A_131 = arith.constant 0 : i32
        %dma_wait3A_132 = arith.constant 0 : i32
        %dma_wait3A_133 = tpu.memref_slice %arg6[%run_scoped3A_108, %dma_wait3A_131, %dma_wait3A_132] : memref<2x256x64xf32, #tpu.memory_space<vmem>> -> memref<1x256x64xf32, #tpu.memory_space<vmem>>
        %dma_wait3A_134 = tpu.memref_squeeze %dma_wait3A_133 : memref<1x256x64xf32, #tpu.memory_space<vmem>> -> memref<256x64xf32, #tpu.memory_space<vmem>>
        %dma_wait3A_135 = arith.constant 0 : i32
        %dma_wait3A_136 = tpu.memref_slice %arg4[%add3A_107, %dma_wait3A_135] : memref<327680x64xf32, #tpu.memory_space<hbm>> -> memref<256x64xf32, #tpu.memory_space<hbm>>
        %dma_wait3A_137 = arith.constant 0 : i32
        %dma_wait3A_138 = tpu.memref_slice %arg4[%add3A_107, %dma_wait3A_137] : memref<327680x64xf32, #tpu.memory_space<hbm>> -> memref<256x64xf32, #tpu.memory_space<hbm>>
        %dma_wait3A_139 = arith.constant 0 : i32
        %dma_wait3A_140 = arith.constant 0 : i32
        %dma_wait3A_141 = tpu.memref_slice %arg6[%run_scoped3A_108, %dma_wait3A_139, %dma_wait3A_140] : memref<2x256x64xf32, #tpu.memory_space<vmem>> -> memref<1x256x64xf32, #tpu.memory_space<vmem>>
        %dma_wait3A_142 = tpu.memref_squeeze %dma_wait3A_141 : memref<1x256x64xf32, #tpu.memory_space<vmem>> -> memref<256x64xf32, #tpu.memory_space<vmem>>
        tpu.wait_dma2 semaphore(%run_scoped3A_119 : memref<!tpu.dma_semaphore, #tpu.memory_space<semaphore_mem>>) src(%dma_wait3A_142 : memref<256x64xf32, #tpu.memory_space<vmem>>) dst(%dma_wait3A_138 : memref<256x64xf32, #tpu.memory_space<hbm>>)
        tpu.yield
      }) : () -> ()
      %mul3A_109 = arith.constant 2 : i32
      %mul3A_110 = arith.muli %mul3A_109, %scan3A_54 : i32
      %add3A_111 = arith.constant 3 : i32
      %add3A_112 = arith.addi %mul3A_110, %add3A_111 : i32
      %scan3A_113 = arith.constant 0 : i32
      %scan3A_114 = arith.constant 0 : i32
      %scan3A_115 = arith.constant 16 : i32
      %scan3A_116 = arith.addi %scan3A_114, %scan3A_115 : i32
      %scan3A_117 = arith.constant 1 : i32
      scf.for %scan3A_119 = %scan3A_114 to %scan3A_116 step %scan3A_117  : i32 {
        %mul3A_120 = arith.constant 256 : i32
        %mul3A_121 = arith.muli %add3A_112, %mul3A_120 : i32
        %mul3A_122 = arith.constant 16 : i32
        %mul3A_123 = arith.muli %scan3A_119, %mul3A_122 : i32
        %add3A_124 = arith.addi %mul3A_121, %mul3A_123 : i32
        %get3A = arith.index_cast %add3A_124 : i32 to index
        %get3A_125 = tpu.vector_load %arg5[%get3A] {strides = array<i32>} : memref<10240xi32, #tpu.memory_space<vmem>>, vector<16xi32>,
        %slice3A = vector.extract_strided_slice %get3A_125 {offsets = [0], sizes = [1], strides = [1]} : vector<16xi32> to vector<1xi32>
        %squeeze3A = vector.extract %slice3A[0] : i32 from vector<1xi32>
        %mul3A_126 = arith.constant 16 : i32
        %mul3A_127 = arith.muli %scan3A_119, %mul3A_126 : i32
        %add3A_128 = arith.constant 0 : i32
        %add3A_129 = arith.addi %mul3A_127, %add3A_128 : i32
        %dma_start3A = arith.constant 1 : i32
        %dma_start3A_130 = arith.constant 0 : i32
        %dma_start3A_131 = tpu.memref_slice %arg6[%dma_start3A, %add3A_129, %dma_start3A_130] : memref<2x256x64xf32, #tpu.memory_space<vmem>> -> memref<1x1x64xf32, #tpu.memory_space<vmem>>
        %dma_start3A_132 = tpu.memref_squeeze %dma_start3A_131 : memref<1x1x64xf32, #tpu.memory_space<vmem>> -> memref<1x64xf32, #tpu.memory_space<vmem>>
        %dma_start3A_133 = arith.constant 0 : i32
        %dma_start3A_134 = tpu.memref_slice %arg3[%squeeze3A, %dma_start3A_133] : memref<1000000x64xf32, #tpu.memory_space<hbm>> -> memref<1x64xf32, #tpu.memory_space<hbm>>
        %dma_start3A_135 = arith.constant 0 : i32
        %dma_start3A_136 = tpu.memref_slice %arg6[%dma_start3A, %add3A_129, %dma_start3A_135] : memref<2x256x64xf32, #tpu.memory_space<vmem>> -> memref<1x1x64xf32, #tpu.memory_space<vmem>>
        %dma_start3A_137 = tpu.memref_squeeze %dma_start3A_136 : memref<1x1x64xf32, #tpu.memory_space<vmem>> -> memref<1x64xf32, #tpu.memory_space<vmem>>
        %dma_start3A_138 = arith.constant 0 : i32
        %dma_start3A_139 = tpu.memref_slice %arg3[%squeeze3A, %dma_start3A_138] : memref<1000000x64xf32, #tpu.memory_space<hbm>> -> memref<1x64xf32, #tpu.memory_space<hbm>>
        tpu.enqueue_dma source(%dma_start3A_139 : memref<1x64xf32, #tpu.memory_space<hbm>>) target(%dma_start3A_137 : memref<1x64xf32, #tpu.memory_space<vmem>>) target_semaphore(%arg8 : memref<!tpu.dma_semaphore, #tpu.memory_space<semaphore_mem>>)
        %slice3A_140 = vector.extract_strided_slice %get3A_125 {offsets = [1], sizes = [1], strides = [1]} : vector<16xi32> to vector<1xi32>
        %squeeze3A_141 = vector.extract %slice3A_140[0] : i32 from vector<1xi32>
        %mul3A_142 = arith.constant 16 : i32
        %mul3A_143 = arith.muli %scan3A_119, %mul3A_142 : i32
        %add3A_144 = arith.constant 1 : i32
        %add3A_145 = arith.addi %mul3A_143, %add3A_144 : i32
        %dma_start3A_146 = arith.constant 1 : i32
        %dma_start3A_147 = arith.constant 0 : i32
        %dma_start3A_148 = tpu.memref_slice %arg6[%dma_start3A_146, %add3A_145, %dma_start3A_147] : memref<2x256x64xf32, #tpu.memory_space<vmem>> -> memref<1x1x64xf32, #tpu.memory_space<vmem>>
        %dma_start3A_149 = tpu.memref_squeeze %dma_start3A_148 : memref<1x1x64xf32, #tpu.memory_space<vmem>> -> memref<1x64xf32, #tpu.memory_space<vmem>>
        %dma_start3A_150 = arith.constant 0 : i32
        %dma_start3A_151 = tpu.memref_slice %arg3[%squeeze3A_141, %dma_start3A_150] : memref<1000000x64xf32, #tpu.memory_space<hbm>> -> memref<1x64xf32, #tpu.memory_space<hbm>>
        %dma_start3A_152 = arith.constant 0 : i32
        %dma_start3A_153 = tpu.memref_slice %arg6[%dma_start3A_146, %add3A_145, %dma_start3A_152] : memref<2x256x64xf32, #tpu.memory_space<vmem>> -> memref<1x1x64xf32, #tpu.memory_space<vmem>>
        %dma_start3A_154 = tpu.memref_squeeze %dma_start3A_153 : memref<1x1x64xf32, #tpu.memory_space<vmem>> -> memref<1x64xf32, #tpu.memory_space<vmem>>
        %dma_start3A_155 = arith.constant 0 : i32
        %dma_start3A_156 = tpu.memref_slice %arg3[%squeeze3A_141, %dma_start3A_155] : memref<1000000x64xf32, #tpu.memory_space<hbm>> -> memref<1x64xf32, #tpu.memory_space<hbm>>
        tpu.enqueue_dma source(%dma_start3A_156 : memref<1x64xf32, #tpu.memory_space<hbm>>) target(%dma_start3A_154 : memref<1x64xf32, #tpu.memory_space<vmem>>) target_semaphore(%arg8 : memref<!tpu.dma_semaphore, #tpu.memory_space<semaphore_mem>>)
        %slice3A_157 = vector.extract_strided_slice %get3A_125 {offsets = [2], sizes = [1], strides = [1]} : vector<16xi32> to vector<1xi32>
        %squeeze3A_158 = vector.extract %slice3A_157[0] : i32 from vector<1xi32>
        %mul3A_159 = arith.constant 16 : i32
        %mul3A_160 = arith.muli %scan3A_119, %mul3A_159 : i32
        %add3A_161 = arith.constant 2 : i32
        %add3A_162 = arith.addi %mul3A_160, %add3A_161 : i32
        %dma_start3A_163 = arith.constant 1 : i32
        %dma_start3A_164 = arith.constant 0 : i32
        %dma_start3A_165 = tpu.memref_slice %arg6[%dma_start3A_163, %add3A_162, %dma_start3A_164] : memref<2x256x64xf32, #tpu.memory_space<vmem>> -> memref<1x1x64xf32, #tpu.memory_space<vmem>>
        %dma_start3A_166 = tpu.memref_squeeze %dma_start3A_165 : memref<1x1x64xf32, #tpu.memory_space<vmem>> -> memref<1x64xf32, #tpu.memory_space<vmem>>
        %dma_start3A_167 = arith.constant 0 : i32
        %dma_start3A_168 = tpu.memref_slice %arg3[%squeeze3A_158, %dma_start3A_167] : memref<1000000x64xf32, #tpu.memory_space<hbm>> -> memref<1x64xf32, #tpu.memory_space<hbm>>
        %dma_start3A_169 = arith.constant 0 : i32
        %dma_start3A_170 = tpu.memref_slice %arg6[%dma_start3A_163, %add3A_162, %dma_start3A_169] : memref<2x256x64xf32, #tpu.memory_space<vmem>> -> memref<1x1x64xf32, #tpu.memory_space<vmem>>
        %dma_start3A_171 = tpu.memref_squeeze %dma_start3A_170 : memref<1x1x64xf32, #tpu.memory_space<vmem>> -> memref<1x64xf32, #tpu.memory_space<vmem>>
        %dma_start3A_172 = arith.constant 0 : i32
        %dma_start3A_173 = tpu.memref_slice %arg3[%squeeze3A_158, %dma_start3A_172] : memref<1000000x64xf32, #tpu.memory_space<hbm>> -> memref<1x64xf32, #tpu.memory_space<hbm>>
        tpu.enqueue_dma source(%dma_start3A_173 : memref<1x64xf32, #tpu.memory_space<hbm>>) target(%dma_start3A_171 : memref<1x64xf32, #tpu.memory_space<vmem>>) target_semaphore(%arg8 : memref<!tpu.dma_semaphore, #tpu.memory_space<semaphore_mem>>)
        %slice3A_174 = vector.extract_strided_slice %get3A_125 {offsets = [3], sizes = [1], strides = [1]} : vector<16xi32> to vector<1xi32>
        %squeeze3A_175 = vector.extract %slice3A_174[0] : i32 from vector<1xi32>
        %mul3A_176 = arith.constant 16 : i32
        %mul3A_177 = arith.muli %scan3A_119, %mul3A_176 : i32
        %add3A_178 = arith.constant 3 : i32
        %add3A_179 = arith.addi %mul3A_177, %add3A_178 : i32
        %dma_start3A_180 = arith.constant 1 : i32
        %dma_start3A_181 = arith.constant 0 : i32
        %dma_start3A_182 = tpu.memref_slice %arg6[%dma_start3A_180, %add3A_179, %dma_start3A_181] : memref<2x256x64xf32, #tpu.memory_space<vmem>> -> memref<1x1x64xf32, #tpu.memory_space<vmem>>
        %dma_start3A_183 = tpu.memref_squeeze %dma_start3A_182 : memref<1x1x64xf32, #tpu.memory_space<vmem>> -> memref<1x64xf32, #tpu.memory_space<vmem>>
        %dma_start3A_184 = arith.constant 0 : i32
        %dma_start3A_185 = tpu.memref_slice %arg3[%squeeze3A_175, %dma_start3A_184] : memref<1000000x64xf32, #tpu.memory_space<hbm>> -> memref<1x64xf32, #tpu.memory_space<hbm>>
        %dma_start3A_186 = arith.constant 0 : i32
        %dma_start3A_187 = tpu.memref_slice %arg6[%dma_start3A_180, %add3A_179, %dma_start3A_186] : memref<2x256x64xf32, #tpu.memory_space<vmem>> -> memref<1x1x64xf32, #tpu.memory_space<vmem>>
        %dma_start3A_188 = tpu.memref_squeeze %dma_start3A_187 : memref<1x1x64xf32, #tpu.memory_space<vmem>> -> memref<1x64xf32, #tpu.memory_space<vmem>>
        %dma_start3A_189 = arith.constant 0 : i32
        %dma_start3A_190 = tpu.memref_slice %arg3[%squeeze3A_175, %dma_start3A_189] : memref<1000000x64xf32, #tpu.memory_space<hbm>> -> memref<1x64xf32, #tpu.memory_space<hbm>>
        tpu.enqueue_dma source(%dma_start3A_190 : memref<1x64xf32, #tpu.memory_space<hbm>>) target(%dma_start3A_188 : memref<1x64xf32, #tpu.memory_space<vmem>>) target_semaphore(%arg8 : memref<!tpu.dma_semaphore, #tpu.memory_space<semaphore_mem>>)
        %slice3A_191 = vector.extract_strided_slice %get3A_125 {offsets = [4], sizes = [1], strides = [1]} : vector<16xi32> to vector<1xi32>
        %squeeze3A_192 = vector.extract %slice3A_191[0] : i32 from vector<1xi32>
        %mul3A_193 = arith.constant 16 : i32
        %mul3A_194 = arith.muli %scan3A_119, %mul3A_193 : i32
        %add3A_195 = arith.constant 4 : i32
        %add3A_196 = arith.addi %mul3A_194, %add3A_195 : i32
        %dma_start3A_197 = arith.constant 1 : i32
        %dma_start3A_198 = arith.constant 0 : i32
        %dma_start3A_199 = tpu.memref_slice %arg6[%dma_start3A_197, %add3A_196, %dma_start3A_198] : memref<2x256x64xf32, #tpu.memory_space<vmem>> -> memref<1x1x64xf32, #tpu.memory_space<vmem>>
        %dma_start3A_200 = tpu.memref_squeeze %dma_start3A_199 : memref<1x1x64xf32, #tpu.memory_space<vmem>> -> memref<1x64xf32, #tpu.memory_space<vmem>>
        %dma_start3A_201 = arith.constant 0 : i32
        %dma_start3A_202 = tpu.memref_slice %arg3[%squeeze3A_192, %dma_start3A_201] : memref<1000000x64xf32, #tpu.memory_space<hbm>> -> memref<1x64xf32, #tpu.memory_space<hbm>>
        %dma_start3A_203 = arith.constant 0 : i32
        %dma_start3A_204 = tpu.memref_slice %arg6[%dma_start3A_197, %add3A_196, %dma_start3A_203] : memref<2x256x64xf32, #tpu.memory_space<vmem>> -> memref<1x1x64xf32, #tpu.memory_space<vmem>>
        %dma_start3A_205 = tpu.memref_squeeze %dma_start3A_204 : memref<1x1x64xf32, #tpu.memory_space<vmem>> -> memref<1x64xf32, #tpu.memory_space<vmem>>
        %dma_start3A_206 = arith.constant 0 : i32
        %dma_start3A_207 = tpu.memref_slice %arg3[%squeeze3A_192, %dma_start3A_206] : memref<1000000x64xf32, #tpu.memory_space<hbm>> -> memref<1x64xf32, #tpu.memory_space<hbm>>
        tpu.enqueue_dma source(%dma_start3A_207 : memref<1x64xf32, #tpu.memory_space<hbm>>) target(%dma_start3A_205 : memref<1x64xf32, #tpu.memory_space<vmem>>) target_semaphore(%arg8 : memref<!tpu.dma_semaphore, #tpu.memory_space<semaphore_mem>>)
        %slice3A_208 = vector.extract_strided_slice %get3A_125 {offsets = [5], sizes = [1], strides = [1]} : vector<16xi32> to vector<1xi32>
        %squeeze3A_209 = vector.extract %slice3A_208[0] : i32 from vector<1xi32>
        %mul3A_210 = arith.constant 16 : i32
        %mul3A_211 = arith.muli %scan3A_119, %mul3A_210 : i32
        %add3A_212 = arith.constant 5 : i32
        %add3A_213 = arith.addi %mul3A_211, %add3A_212 : i32
        %dma_start3A_214 = arith.constant 1 : i32
        %dma_start3A_215 = arith.constant 0 : i32
        %dma_start3A_216 = tpu.memref_slice %arg6[%dma_start3A_214, %add3A_213, %dma_start3A_215] : memref<2x256x64xf32, #tpu.memory_space<vmem>> -> memref<1x1x64xf32, #tpu.memory_space<vmem>>
        %dma_start3A_217 = tpu.memref_squeeze %dma_start3A_216 : memref<1x1x64xf32, #tpu.memory_space<vmem>> -> memref<1x64xf32, #tpu.memory_space<vmem>>
        %dma_start3A_218 = arith.constant 0 : i32
        %dma_start3A_219 = tpu.memref_slice %arg3[%squeeze3A_209, %dma_start3A_218] : memref<1000000x64xf32, #tpu.memory_space<hbm>> -> memref<1x64xf32, #tpu.memory_space<hbm>>
        %dma_start3A_220 = arith.constant 0 : i32
        %dma_start3A_221 = tpu.memref_slice %arg6[%dma_start3A_214, %add3A_213, %dma_start3A_220] : memref<2x256x64xf32, #tpu.memory_space<vmem>> -> memref<1x1x64xf32, #tpu.memory_space<vmem>>
        %dma_start3A_222 = tpu.memref_squeeze %dma_start3A_221 : memref<1x1x64xf32, #tpu.memory_space<vmem>> -> memref<1x64xf32, #tpu.memory_space<vmem>>
        %dma_start3A_223 = arith.constant 0 : i32
        %dma_start3A_224 = tpu.memref_slice %arg3[%squeeze3A_209, %dma_start3A_223] : memref<1000000x64xf32, #tpu.memory_space<hbm>> -> memref<1x64xf32, #tpu.memory_space<hbm>>
        tpu.enqueue_dma source(%dma_start3A_224 : memref<1x64xf32, #tpu.memory_space<hbm>>) target(%dma_start3A_222 : memref<1x64xf32, #tpu.memory_space<vmem>>) target_semaphore(%arg8 : memref<!tpu.dma_semaphore, #tpu.memory_space<semaphore_mem>>)
        %slice3A_225 = vector.extract_strided_slice %get3A_125 {offsets = [6], sizes = [1], strides = [1]} : vector<16xi32> to vector<1xi32>
        %squeeze3A_226 = vector.extract %slice3A_225[0] : i32 from vector<1xi32>
        %mul3A_227 = arith.constant 16 : i32
        %mul3A_228 = arith.muli %scan3A_119, %mul3A_227 : i32
        %add3A_229 = arith.constant 6 : i32
        %add3A_230 = arith.addi %mul3A_228, %add3A_229 : i32
        %dma_start3A_231 = arith.constant 1 : i32
        %dma_start3A_232 = arith.constant 0 : i32
        %dma_start3A_233 = tpu.memref_slice %arg6[%dma_start3A_231, %add3A_230, %dma_start3A_232] : memref<2x256x64xf32, #tpu.memory_space<vmem>> -> memref<1x1x64xf32, #tpu.memory_space<vmem>>
        %dma_start3A_234 = tpu.memref_squeeze %dma_start3A_233 : memref<1x1x64xf32, #tpu.memory_space<vmem>> -> memref<1x64xf32, #tpu.memory_space<vmem>>
        %dma_start3A_235 = arith.constant 0 : i32
        %dma_start3A_236 = tpu.memref_slice %arg3[%squeeze3A_226, %dma_start3A_235] : memref<1000000x64xf32, #tpu.memory_space<hbm>> -> memref<1x64xf32, #tpu.memory_space<hbm>>
        %dma_start3A_237 = arith.constant 0 : i32
        %dma_start3A_238 = tpu.memref_slice %arg6[%dma_start3A_231, %add3A_230, %dma_start3A_237] : memref<2x256x64xf32, #tpu.memory_space<vmem>> -> memref<1x1x64xf32, #tpu.memory_space<vmem>>
        %dma_start3A_239 = tpu.memref_squeeze %dma_start3A_238 : memref<1x1x64xf32, #tpu.memory_space<vmem>> -> memref<1x64xf32, #tpu.memory_space<vmem>>
        %dma_start3A_240 = arith.constant 0 : i32
        %dma_start3A_241 = tpu.memref_slice %arg3[%squeeze3A_226, %dma_start3A_240] : memref<1000000x64xf32, #tpu.memory_space<hbm>> -> memref<1x64xf32, #tpu.memory_space<hbm>>
        tpu.enqueue_dma source(%dma_start3A_241 : memref<1x64xf32, #tpu.memory_space<hbm>>) target(%dma_start3A_239 : memref<1x64xf32, #tpu.memory_space<vmem>>) target_semaphore(%arg8 : memref<!tpu.dma_semaphore, #tpu.memory_space<semaphore_mem>>)
        %slice3A_242 = vector.extract_strided_slice %get3A_125 {offsets = [7], sizes = [1], strides = [1]} : vector<16xi32> to vector<1xi32>
        %squeeze3A_243 = vector.extract %slice3A_242[0] : i32 from vector<1xi32>
        %mul3A_244 = arith.constant 16 : i32
        %mul3A_245 = arith.muli %scan3A_119, %mul3A_244 : i32
        %add3A_246 = arith.constant 7 : i32
        %add3A_247 = arith.addi %mul3A_245, %add3A_246 : i32
        %dma_start3A_248 = arith.constant 1 : i32
        %dma_start3A_249 = arith.constant 0 : i32
        %dma_start3A_250 = tpu.memref_slice %arg6[%dma_start3A_248, %add3A_247, %dma_start3A_249] : memref<2x256x64xf32, #tpu.memory_space<vmem>> -> memref<1x1x64xf32, #tpu.memory_space<vmem>>
        %dma_start3A_251 = tpu.memref_squeeze %dma_start3A_250 : memref<1x1x64xf32, #tpu.memory_space<vmem>> -> memref<1x64xf32, #tpu.memory_space<vmem>>
        %dma_start3A_252 = arith.constant 0 : i32
        %dma_start3A_253 = tpu.memref_slice %arg3[%squeeze3A_243, %dma_start3A_252] : memref<1000000x64xf32, #tpu.memory_space<hbm>> -> memref<1x64xf32, #tpu.memory_space<hbm>>
        %dma_start3A_254 = arith.constant 0 : i32
        %dma_start3A_255 = tpu.memref_slice %arg6[%dma_start3A_248, %add3A_247, %dma_start3A_254] : memref<2x256x64xf32, #tpu.memory_space<vmem>> -> memref<1x1x64xf32, #tpu.memory_space<vmem>>
        %dma_start3A_256 = tpu.memref_squeeze %dma_start3A_255 : memref<1x1x64xf32, #tpu.memory_space<vmem>> -> memref<1x64xf32, #tpu.memory_space<vmem>>
        %dma_start3A_257 = arith.constant 0 : i32
        %dma_start3A_258 = tpu.memref_slice %arg3[%squeeze3A_243, %dma_start3A_257] : memref<1000000x64xf32, #tpu.memory_space<hbm>> -> memref<1x64xf32, #tpu.memory_space<hbm>>
        tpu.enqueue_dma source(%dma_start3A_258 : memref<1x64xf32, #tpu.memory_space<hbm>>) target(%dma_start3A_256 : memref<1x64xf32, #tpu.memory_space<vmem>>) target_semaphore(%arg8 : memref<!tpu.dma_semaphore, #tpu.memory_space<semaphore_mem>>)
        %slice3A_259 = vector.extract_strided_slice %get3A_125 {offsets = [8], sizes = [1], strides = [1]} : vector<16xi32> to vector<1xi32>
        %squeeze3A_260 = vector.extract %slice3A_259[0] : i32 from vector<1xi32>
        %mul3A_261 = arith.constant 16 : i32
        %mul3A_262 = arith.muli %scan3A_119, %mul3A_261 : i32
        %add3A_263 = arith.constant 8 : i32
        %add3A_264 = arith.addi %mul3A_262, %add3A_263 : i32
        %dma_start3A_265 = arith.constant 1 : i32
        %dma_start3A_266 = arith.constant 0 : i32
        %dma_start3A_267 = tpu.memref_slice %arg6[%dma_start3A_265, %add3A_264, %dma_start3A_266] : memref<2x256x64xf32, #tpu.memory_space<vmem>> -> memref<1x1x64xf32, #tpu.memory_space<vmem>>
        %dma_start3A_268 = tpu.memref_squeeze %dma_start3A_267 : memref<1x1x64xf32, #tpu.memory_space<vmem>> -> memref<1x64xf32, #tpu.memory_space<vmem>>
        %dma_start3A_269 = arith.constant 0 : i32
        %dma_start3A_270 = tpu.memref_slice %arg3[%squeeze3A_260, %dma_start3A_269] : memref<1000000x64xf32, #tpu.memory_space<hbm>> -> memref<1x64xf32, #tpu.memory_space<hbm>>
        %dma_start3A_271 = arith.constant 0 : i32
        %dma_start3A_272 = tpu.memref_slice %arg6[%dma_start3A_265, %add3A_264, %dma_start3A_271] : memref<2x256x64xf32, #tpu.memory_space<vmem>> -> memref<1x1x64xf32, #tpu.memory_space<vmem>>
        %dma_start3A_273 = tpu.memref_squeeze %dma_start3A_272 : memref<1x1x64xf32, #tpu.memory_space<vmem>> -> memref<1x64xf32, #tpu.memory_space<vmem>>
        %dma_start3A_274 = arith.constant 0 : i32
        %dma_start3A_275 = tpu.memref_slice %arg3[%squeeze3A_260, %dma_start3A_274] : memref<1000000x64xf32, #tpu.memory_space<hbm>> -> memref<1x64xf32, #tpu.memory_space<hbm>>
        tpu.enqueue_dma source(%dma_start3A_275 : memref<1x64xf32, #tpu.memory_space<hbm>>) target(%dma_start3A_273 : memref<1x64xf32, #tpu.memory_space<vmem>>) target_semaphore(%arg8 : memref<!tpu.dma_semaphore, #tpu.memory_space<semaphore_mem>>)
        %slice3A_276 = vector.extract_strided_slice %get3A_125 {offsets = [9], sizes = [1], strides = [1]} : vector<16xi32> to vector<1xi32>
        %squeeze3A_277 = vector.extract %slice3A_276[0] : i32 from vector<1xi32>
        %mul3A_278 = arith.constant 16 : i32
        %mul3A_279 = arith.muli %scan3A_119, %mul3A_278 : i32
        %add3A_280 = arith.constant 9 : i32
        %add3A_281 = arith.addi %mul3A_279, %add3A_280 : i32
        %dma_start3A_282 = arith.constant 1 : i32
        %dma_start3A_283 = arith.constant 0 : i32
        %dma_start3A_284 = tpu.memref_slice %arg6[%dma_start3A_282, %add3A_281, %dma_start3A_283] : memref<2x256x64xf32, #tpu.memory_space<vmem>> -> memref<1x1x64xf32, #tpu.memory_space<vmem>>
        %dma_start3A_285 = tpu.memref_squeeze %dma_start3A_284 : memref<1x1x64xf32, #tpu.memory_space<vmem>> -> memref<1x64xf32, #tpu.memory_space<vmem>>
        %dma_start3A_286 = arith.constant 0 : i32
        %dma_start3A_287 = tpu.memref_slice %arg3[%squeeze3A_277, %dma_start3A_286] : memref<1000000x64xf32, #tpu.memory_space<hbm>> -> memref<1x64xf32, #tpu.memory_space<hbm>>
        %dma_start3A_288 = arith.constant 0 : i32
        %dma_start3A_289 = tpu.memref_slice %arg6[%dma_start3A_282, %add3A_281, %dma_start3A_288] : memref<2x256x64xf32, #tpu.memory_space<vmem>> -> memref<1x1x64xf32, #tpu.memory_space<vmem>>
        %dma_start3A_290 = tpu.memref_squeeze %dma_start3A_289 : memref<1x1x64xf32, #tpu.memory_space<vmem>> -> memref<1x64xf32, #tpu.memory_space<vmem>>
        %dma_start3A_291 = arith.constant 0 : i32
        %dma_start3A_292 = tpu.memref_slice %arg3[%squeeze3A_277, %dma_start3A_291] : memref<1000000x64xf32, #tpu.memory_space<hbm>> -> memref<1x64xf32, #tpu.memory_space<hbm>>
        tpu.enqueue_dma source(%dma_start3A_292 : memref<1x64xf32, #tpu.memory_space<hbm>>) target(%dma_start3A_290 : memref<1x64xf32, #tpu.memory_space<vmem>>) target_semaphore(%arg8 : memref<!tpu.dma_semaphore, #tpu.memory_space<semaphore_mem>>)
        %slice3A_293 = vector.extract_strided_slice %get3A_125 {offsets = [10], sizes = [1], strides = [1]} : vector<16xi32> to vector<1xi32>
        %squeeze3A_294 = vector.extract %slice3A_293[0] : i32 from vector<1xi32>
        %mul3A_295 = arith.constant 16 : i32
        %mul3A_296 = arith.muli %scan3A_119, %mul3A_295 : i32
        %add3A_297 = arith.constant 10 : i32
        %add3A_298 = arith.addi %mul3A_296, %add3A_297 : i32
        %dma_start3A_299 = arith.constant 1 : i32
        %dma_start3A_300 = arith.constant 0 : i32
        %dma_start3A_301 = tpu.memref_slice %arg6[%dma_start3A_299, %add3A_298, %dma_start3A_300] : memref<2x256x64xf32, #tpu.memory_space<vmem>> -> memref<1x1x64xf32, #tpu.memory_space<vmem>>
        %dma_start3A_302 = tpu.memref_squeeze %dma_start3A_301 : memref<1x1x64xf32, #tpu.memory_space<vmem>> -> memref<1x64xf32, #tpu.memory_space<vmem>>
        %dma_start3A_303 = arith.constant 0 : i32
        %dma_start3A_304 = tpu.memref_slice %arg3[%squeeze3A_294, %dma_start3A_303] : memref<1000000x64xf32, #tpu.memory_space<hbm>> -> memref<1x64xf32, #tpu.memory_space<hbm>>
        %dma_start3A_305 = arith.constant 0 : i32
        %dma_start3A_306 = tpu.memref_slice %arg6[%dma_start3A_299, %add3A_298, %dma_start3A_305] : memref<2x256x64xf32, #tpu.memory_space<vmem>> -> memref<1x1x64xf32, #tpu.memory_space<vmem>>
        %dma_start3A_307 = tpu.memref_squeeze %dma_start3A_306 : memref<1x1x64xf32, #tpu.memory_space<vmem>> -> memref<1x64xf32, #tpu.memory_space<vmem>>
        %dma_start3A_308 = arith.constant 0 : i32
        %dma_start3A_309 = tpu.memref_slice %arg3[%squeeze3A_294, %dma_start3A_308] : memref<1000000x64xf32, #tpu.memory_space<hbm>> -> memref<1x64xf32, #tpu.memory_space<hbm>>
        tpu.enqueue_dma source(%dma_start3A_309 : memref<1x64xf32, #tpu.memory_space<hbm>>) target(%dma_start3A_307 : memref<1x64xf32, #tpu.memory_space<vmem>>) target_semaphore(%arg8 : memref<!tpu.dma_semaphore, #tpu.memory_space<semaphore_mem>>)
        %slice3A_310 = vector.extract_strided_slice %get3A_125 {offsets = [11], sizes = [1], strides = [1]} : vector<16xi32> to vector<1xi32>
        %squeeze3A_311 = vector.extract %slice3A_310[0] : i32 from vector<1xi32>
        %mul3A_312 = arith.constant 16 : i32
        %mul3A_313 = arith.muli %scan3A_119, %mul3A_312 : i32
        %add3A_314 = arith.constant 11 : i32
        %add3A_315 = arith.addi %mul3A_313, %add3A_314 : i32
        %dma_start3A_316 = arith.constant 1 : i32
        %dma_start3A_317 = arith.constant 0 : i32
        %dma_start3A_318 = tpu.memref_slice %arg6[%dma_start3A_316, %add3A_315, %dma_start3A_317] : memref<2x256x64xf32, #tpu.memory_space<vmem>> -> memref<1x1x64xf32, #tpu.memory_space<vmem>>
        %dma_start3A_319 = tpu.memref_squeeze %dma_start3A_318 : memref<1x1x64xf32, #tpu.memory_space<vmem>> -> memref<1x64xf32, #tpu.memory_space<vmem>>
        %dma_start3A_320 = arith.constant 0 : i32
        %dma_start3A_321 = tpu.memref_slice %arg3[%squeeze3A_311, %dma_start3A_320] : memref<1000000x64xf32, #tpu.memory_space<hbm>> -> memref<1x64xf32, #tpu.memory_space<hbm>>
        %dma_start3A_322 = arith.constant 0 : i32
        %dma_start3A_323 = tpu.memref_slice %arg6[%dma_start3A_316, %add3A_315, %dma_start3A_322] : memref<2x256x64xf32, #tpu.memory_space<vmem>> -> memref<1x1x64xf32, #tpu.memory_space<vmem>>
        %dma_start3A_324 = tpu.memref_squeeze %dma_start3A_323 : memref<1x1x64xf32, #tpu.memory_space<vmem>> -> memref<1x64xf32, #tpu.memory_space<vmem>>
        %dma_start3A_325 = arith.constant 0 : i32
        %dma_start3A_326 = tpu.memref_slice %arg3[%squeeze3A_311, %dma_start3A_325] : memref<1000000x64xf32, #tpu.memory_space<hbm>> -> memref<1x64xf32, #tpu.memory_space<hbm>>
        tpu.enqueue_dma source(%dma_start3A_326 : memref<1x64xf32, #tpu.memory_space<hbm>>) target(%dma_start3A_324 : memref<1x64xf32, #tpu.memory_space<vmem>>) target_semaphore(%arg8 : memref<!tpu.dma_semaphore, #tpu.memory_space<semaphore_mem>>)
        %slice3A_327 = vector.extract_strided_slice %get3A_125 {offsets = [12], sizes = [1], strides = [1]} : vector<16xi32> to vector<1xi32>
        %squeeze3A_328 = vector.extract %slice3A_327[0] : i32 from vector<1xi32>
        %mul3A_329 = arith.constant 16 : i32
        %mul3A_330 = arith.muli %scan3A_119, %mul3A_329 : i32
        %add3A_331 = arith.constant 12 : i32
        %add3A_332 = arith.addi %mul3A_330, %add3A_331 : i32
        %dma_start3A_333 = arith.constant 1 : i32
        %dma_start3A_334 = arith.constant 0 : i32
        %dma_start3A_335 = tpu.memref_slice %arg6[%dma_start3A_333, %add3A_332, %dma_start3A_334] : memref<2x256x64xf32, #tpu.memory_space<vmem>> -> memref<1x1x64xf32, #tpu.memory_space<vmem>>
        %dma_start3A_336 = tpu.memref_squeeze %dma_start3A_335 : memref<1x1x64xf32, #tpu.memory_space<vmem>> -> memref<1x64xf32, #tpu.memory_space<vmem>>
        %dma_start3A_337 = arith.constant 0 : i32
        %dma_start3A_338 = tpu.memref_slice %arg3[%squeeze3A_328, %dma_start3A_337] : memref<1000000x64xf32, #tpu.memory_space<hbm>> -> memref<1x64xf32, #tpu.memory_space<hbm>>
        %dma_start3A_339 = arith.constant 0 : i32
        %dma_start3A_340 = tpu.memref_slice %arg6[%dma_start3A_333, %add3A_332, %dma_start3A_339] : memref<2x256x64xf32, #tpu.memory_space<vmem>> -> memref<1x1x64xf32, #tpu.memory_space<vmem>>
        %dma_start3A_341 = tpu.memref_squeeze %dma_start3A_340 : memref<1x1x64xf32, #tpu.memory_space<vmem>> -> memref<1x64xf32, #tpu.memory_space<vmem>>
        %dma_start3A_342 = arith.constant 0 : i32
        %dma_start3A_343 = tpu.memref_slice %arg3[%squeeze3A_328, %dma_start3A_342] : memref<1000000x64xf32, #tpu.memory_space<hbm>> -> memref<1x64xf32, #tpu.memory_space<hbm>>
        tpu.enqueue_dma source(%dma_start3A_343 : memref<1x64xf32, #tpu.memory_space<hbm>>) target(%dma_start3A_341 : memref<1x64xf32, #tpu.memory_space<vmem>>) target_semaphore(%arg8 : memref<!tpu.dma_semaphore, #tpu.memory_space<semaphore_mem>>)
        %slice3A_344 = vector.extract_strided_slice %get3A_125 {offsets = [13], sizes = [1], strides = [1]} : vector<16xi32> to vector<1xi32>
        %squeeze3A_345 = vector.extract %slice3A_344[0] : i32 from vector<1xi32>
        %mul3A_346 = arith.constant 16 : i32
        %mul3A_347 = arith.muli %scan3A_119, %mul3A_346 : i32
        %add3A_348 = arith.constant 13 : i32
        %add3A_349 = arith.addi %mul3A_347, %add3A_348 : i32
        %dma_start3A_350 = arith.constant 1 : i32
        %dma_start3A_351 = arith.constant 0 : i32
        %dma_start3A_352 = tpu.memref_slice %arg6[%dma_start3A_350, %add3A_349, %dma_start3A_351] : memref<2x256x64xf32, #tpu.memory_space<vmem>> -> memref<1x1x64xf32, #tpu.memory_space<vmem>>
        %dma_start3A_353 = tpu.memref_squeeze %dma_start3A_352 : memref<1x1x64xf32, #tpu.memory_space<vmem>> -> memref<1x64xf32, #tpu.memory_space<vmem>>
        %dma_start3A_354 = arith.constant 0 : i32
        %dma_start3A_355 = tpu.memref_slice %arg3[%squeeze3A_345, %dma_start3A_354] : memref<1000000x64xf32, #tpu.memory_space<hbm>> -> memref<1x64xf32, #tpu.memory_space<hbm>>
        %dma_start3A_356 = arith.constant 0 : i32
        %dma_start3A_357 = tpu.memref_slice %arg6[%dma_start3A_350, %add3A_349, %dma_start3A_356] : memref<2x256x64xf32, #tpu.memory_space<vmem>> -> memref<1x1x64xf32, #tpu.memory_space<vmem>>
        %dma_start3A_358 = tpu.memref_squeeze %dma_start3A_357 : memref<1x1x64xf32, #tpu.memory_space<vmem>> -> memref<1x64xf32, #tpu.memory_space<vmem>>
        %dma_start3A_359 = arith.constant 0 : i32
        %dma_start3A_360 = tpu.memref_slice %arg3[%squeeze3A_345, %dma_start3A_359] : memref<1000000x64xf32, #tpu.memory_space<hbm>> -> memref<1x64xf32, #tpu.memory_space<hbm>>
        tpu.enqueue_dma source(%dma_start3A_360 : memref<1x64xf32, #tpu.memory_space<hbm>>) target(%dma_start3A_358 : memref<1x64xf32, #tpu.memory_space<vmem>>) target_semaphore(%arg8 : memref<!tpu.dma_semaphore, #tpu.memory_space<semaphore_mem>>)
        %slice3A_361 = vector.extract_strided_slice %get3A_125 {offsets = [14], sizes = [1], strides = [1]} : vector<16xi32> to vector<1xi32>
        %squeeze3A_362 = vector.extract %slice3A_361[0] : i32 from vector<1xi32>
        %mul3A_363 = arith.constant 16 : i32
        %mul3A_364 = arith.muli %scan3A_119, %mul3A_363 : i32
        %add3A_365 = arith.constant 14 : i32
        %add3A_366 = arith.addi %mul3A_364, %add3A_365 : i32
        %dma_start3A_367 = arith.constant 1 : i32
        %dma_start3A_368 = arith.constant 0 : i32
        %dma_start3A_369 = tpu.memref_slice %arg6[%dma_start3A_367, %add3A_366, %dma_start3A_368] : memref<2x256x64xf32, #tpu.memory_space<vmem>> -> memref<1x1x64xf32, #tpu.memory_space<vmem>>
        %dma_start3A_370 = tpu.memref_squeeze %dma_start3A_369 : memref<1x1x64xf32, #tpu.memory_space<vmem>> -> memref<1x64xf32, #tpu.memory_space<vmem>>
        %dma_start3A_371 = arith.constant 0 : i32
        %dma_start3A_372 = tpu.memref_slice %arg3[%squeeze3A_362, %dma_start3A_371] : memref<1000000x64xf32, #tpu.memory_space<hbm>> -> memref<1x64xf32, #tpu.memory_space<hbm>>
        %dma_start3A_373 = arith.constant 0 : i32
        %dma_start3A_374 = tpu.memref_slice %arg6[%dma_start3A_367, %add3A_366, %dma_start3A_373] : memref<2x256x64xf32, #tpu.memory_space<vmem>> -> memref<1x1x64xf32, #tpu.memory_space<vmem>>
        %dma_start3A_375 = tpu.memref_squeeze %dma_start3A_374 : memref<1x1x64xf32, #tpu.memory_space<vmem>> -> memref<1x64xf32, #tpu.memory_space<vmem>>
        %dma_start3A_376 = arith.constant 0 : i32
        %dma_start3A_377 = tpu.memref_slice %arg3[%squeeze3A_362, %dma_start3A_376] : memref<1000000x64xf32, #tpu.memory_space<hbm>> -> memref<1x64xf32, #tpu.memory_space<hbm>>
        tpu.enqueue_dma source(%dma_start3A_377 : memref<1x64xf32, #tpu.memory_space<hbm>>) target(%dma_start3A_375 : memref<1x64xf32, #tpu.memory_space<vmem>>) target_semaphore(%arg8 : memref<!tpu.dma_semaphore, #tpu.memory_space<semaphore_mem>>)
        %slice3A_378 = vector.extract_strided_slice %get3A_125 {offsets = [15], sizes = [1], strides = [1]} : vector<16xi32> to vector<1xi32>
        %squeeze3A_379 = vector.extract %slice3A_378[0] : i32 from vector<1xi32>
        %mul3A_380 = arith.constant 16 : i32
        %mul3A_381 = arith.muli %scan3A_119, %mul3A_380 : i32
        %add3A_382 = arith.constant 15 : i32
        %add3A_383 = arith.addi %mul3A_381, %add3A_382 : i32
        %dma_start3A_384 = arith.constant 1 : i32
        %dma_start3A_385 = arith.constant 0 : i32
        %dma_start3A_386 = tpu.memref_slice %arg6[%dma_start3A_384, %add3A_383, %dma_start3A_385] : memref<2x256x64xf32, #tpu.memory_space<vmem>> -> memref<1x1x64xf32, #tpu.memory_space<vmem>>
        %dma_start3A_387 = tpu.memref_squeeze %dma_start3A_386 : memref<1x1x64xf32, #tpu.memory_space<vmem>> -> memref<1x64xf32, #tpu.memory_space<vmem>>
        %dma_start3A_388 = arith.constant 0 : i32
        %dma_start3A_389 = tpu.memref_slice %arg3[%squeeze3A_379, %dma_start3A_388] : memref<1000000x64xf32, #tpu.memory_space<hbm>> -> memref<1x64xf32, #tpu.memory_space<hbm>>
        %dma_start3A_390 = arith.constant 0 : i32
        %dma_start3A_391 = tpu.memref_slice %arg6[%dma_start3A_384, %add3A_383, %dma_start3A_390] : memref<2x256x64xf32, #tpu.memory_space<vmem>> -> memref<1x1x64xf32, #tpu.memory_space<vmem>>
        %dma_start3A_392 = tpu.memref_squeeze %dma_start3A_391 : memref<1x1x64xf32, #tpu.memory_space<vmem>> -> memref<1x64xf32, #tpu.memory_space<vmem>>
        %dma_start3A_393 = arith.constant 0 : i32
        %dma_start3A_394 = tpu.memref_slice %arg3[%squeeze3A_379, %dma_start3A_393] : memref<1000000x64xf32, #tpu.memory_space<hbm>> -> memref<1x64xf32, #tpu.memory_space<hbm>>
        tpu.enqueue_dma source(%dma_start3A_394 : memref<1x64xf32, #tpu.memory_space<hbm>>) target(%dma_start3A_392 : memref<1x64xf32, #tpu.memory_space<vmem>>) target_semaphore(%arg8 : memref<!tpu.dma_semaphore, #tpu.memory_space<semaphore_mem>>)
      }
      %scan3A_118 = arith.constant 16 : i32
    }
    %scan3A_19 = arith.constant 19 : i32
    %dma_wait3A = arith.constant 0 : i32
    %dma_wait3A_20 = arith.constant 0 : i32
    %dma_wait3A_21 = arith.constant 0 : i32
    %dma_wait3A_22 = tpu.memref_slice %arg6[%dma_wait3A, %dma_wait3A_20, %dma_wait3A_21] : memref<2x256x64xf32, #tpu.memory_space<vmem>> -> memref<1x256x64xf32, #tpu.memory_space<vmem>>
    %dma_wait3A_23 = tpu.memref_squeeze %dma_wait3A_22 : memref<1x256x64xf32, #tpu.memory_space<vmem>> -> memref<256x64xf32, #tpu.memory_space<vmem>>
    %dma_wait3A_24 = arith.constant 0 : i32
    %dma_wait3A_25 = arith.constant 0 : i32
    %dma_wait3A_26 = tpu.memref_slice %arg4[%dma_wait3A_24, %dma_wait3A_25] : memref<327680x64xf32, #tpu.memory_space<hbm>> -> memref<256x64xf32, #tpu.memory_space<hbm>>
    %dma_wait3A_27 = arith.constant 0 : i32
    %dma_wait3A_28 = arith.constant 0 : i32
    %dma_wait3A_29 = tpu.memref_slice %arg6[%dma_wait3A, %dma_wait3A_27, %dma_wait3A_28] : memref<2x256x64xf32, #tpu.memory_space<vmem>> -> memref<1x256x64xf32, #tpu.memory_space<vmem>>
    %dma_wait3A_30 = tpu.memref_squeeze %dma_wait3A_29 : memref<1x256x64xf32, #tpu.memory_space<vmem>> -> memref<256x64xf32, #tpu.memory_space<vmem>>
    %dma_wait3A_31 = arith.constant 0 : i32
    %dma_wait3A_32 = arith.constant 0 : i32
    %dma_wait3A_33 = tpu.memref_slice %arg4[%dma_wait3A_31, %dma_wait3A_32] : memref<327680x64xf32, #tpu.memory_space<hbm>> -> memref<256x64xf32, #tpu.memory_space<hbm>>
    tpu.wait_dma2 semaphore(%arg7 : memref<!tpu.dma_semaphore, #tpu.memory_space<semaphore_mem>>) src(%dma_wait3A_33 : memref<256x64xf32, #tpu.memory_space<hbm>>) dst(%dma_wait3A_30 : memref<256x64xf32, #tpu.memory_space<vmem>>)
    %add3A_34 = arith.constant 9728 : i32
    %add3A_35 = arith.addi %mul3A_2, %add3A_34 : i32
    %run_scoped3A = arith.constant 0 : i32
    "tpu.region"() ({
      %run_scoped3A_54 = tpu.sem_alloc : memref<!tpu.dma_semaphore, #tpu.memory_space<semaphore_mem>>
      %dma_start3A = arith.constant 0 : i32
      %dma_start3A_55 = arith.constant 0 : i32
      %dma_start3A_56 = tpu.memref_slice %arg6[%run_scoped3A, %dma_start3A, %dma_start3A_55] : memref<2x256x64xf32, #tpu.memory_space<vmem>> -> memref<1x256x64xf32, #tpu.memory_space<vmem>>
      %dma_start3A_57 = tpu.memref_squeeze %dma_start3A_56 : memref<1x256x64xf32, #tpu.memory_space<vmem>> -> memref<256x64xf32, #tpu.memory_space<vmem>>
      %dma_start3A_58 = arith.constant 0 : i32
      %dma_start3A_59 = tpu.memref_slice %arg4[%add3A_35, %dma_start3A_58] : memref<327680x64xf32, #tpu.memory_space<hbm>> -> memref<256x64xf32, #tpu.memory_space<hbm>>
      %dma_start3A_60 = arith.constant 0 : i32
      %dma_start3A_61 = tpu.memref_slice %arg4[%add3A_35, %dma_start3A_60] : memref<327680x64xf32, #tpu.memory_space<hbm>> -> memref<256x64xf32, #tpu.memory_space<hbm>>
      %dma_start3A_62 = arith.constant 0 : i32
      %dma_start3A_63 = arith.constant 0 : i32
      %dma_start3A_64 = tpu.memref_slice %arg6[%run_scoped3A, %dma_start3A_62, %dma_start3A_63] : memref<2x256x64xf32, #tpu.memory_space<vmem>> -> memref<1x256x64xf32, #tpu.memory_space<vmem>>
      %dma_start3A_65 = tpu.memref_squeeze %dma_start3A_64 : memref<1x256x64xf32, #tpu.memory_space<vmem>> -> memref<256x64xf32, #tpu.memory_space<vmem>>
      tpu.enqueue_dma source(%dma_start3A_65 : memref<256x64xf32, #tpu.memory_space<vmem>>) target(%dma_start3A_61 : memref<256x64xf32, #tpu.memory_space<hbm>>) target_semaphore(%run_scoped3A_54 : memref<!tpu.dma_semaphore, #tpu.memory_space<semaphore_mem>>)
      %dma_wait3A_66 = arith.constant 0 : i32
      %dma_wait3A_67 = arith.constant 0 : i32
      %dma_wait3A_68 = tpu.memref_slice %arg6[%run_scoped3A, %dma_wait3A_66, %dma_wait3A_67] : memref<2x256x64xf32, #tpu.memory_space<vmem>> -> memref<1x256x64xf32, #tpu.memory_space<vmem>>
      %dma_wait3A_69 = tpu.memref_squeeze %dma_wait3A_68 : memref<1x256x64xf32, #tpu.memory_space<vmem>> -> memref<256x64xf32, #tpu.memory_space<vmem>>
      %dma_wait3A_70 = arith.constant 0 : i32
      %dma_wait3A_71 = tpu.memref_slice %arg4[%add3A_35, %dma_wait3A_70] : memref<327680x64xf32, #tpu.memory_space<hbm>> -> memref<256x64xf32, #tpu.memory_space<hbm>>
      %dma_wait3A_72 = arith.constant 0 : i32
      %dma_wait3A_73 = tpu.memref_slice %arg4[%add3A_35, %dma_wait3A_72] : memref<327680x64xf32, #tpu.memory_space<hbm>> -> memref<256x64xf32, #tpu.memory_space<hbm>>
      %dma_wait3A_74 = arith.constant 0 : i32
      %dma_wait3A_75 = arith.constant 0 : i32
      %dma_wait3A_76 = tpu.memref_slice %arg6[%run_scoped3A, %dma_wait3A_74, %dma_wait3A_75] : memref<2x256x64xf32, #tpu.memory_space<vmem>> -> memref<1x256x64xf32, #tpu.memory_space<vmem>>
      %dma_wait3A_77 = tpu.memref_squeeze %dma_wait3A_76 : memref<1x256x64xf32, #tpu.memory_space<vmem>> -> memref<256x64xf32, #tpu.memory_space<vmem>>
      tpu.wait_dma2 semaphore(%run_scoped3A_54 : memref<!tpu.dma_semaphore, #tpu.memory_space<semaphore_mem>>) src(%dma_wait3A_77 : memref<256x64xf32, #tpu.memory_space<vmem>>) dst(%dma_wait3A_73 : memref<256x64xf32, #tpu.memory_space<hbm>>)
      tpu.yield
    }) : () -> ()
    %dma_wait3A_36 = arith.constant 1 : i32
    %dma_wait3A_37 = arith.constant 0 : i32
    %dma_wait3A_38 = arith.constant 0 : i32
    %dma_wait3A_39 = tpu.memref_slice %arg6[%dma_wait3A_36, %dma_wait3A_37, %dma_wait3A_38] : memref<2x256x64xf32, #tpu.memory_space<vmem>> -> memref<1x256x64xf32, #tpu.memory_space<vmem>>
    %dma_wait3A_40 = tpu.memref_squeeze %dma_wait3A_39 : memref<1x256x64xf32, #tpu.memory_space<vmem>> -> memref<256x64xf32, #tpu.memory_space<vmem>>
    %dma_wait3A_41 = arith.constant 0 : i32
    %dma_wait3A_42 = arith.constant 0 : i32
    %dma_wait3A_43 = tpu.memref_slice %arg4[%dma_wait3A_41, %dma_wait3A_42] : memref<327680x64xf32, #tpu.memory_space<hbm>> -> memref<256x64xf32, #tpu.memory_space<hbm>>
    %dma_wait3A_44 = arith.constant 0 : i32
    %dma_wait3A_45 = arith.constant 0 : i32
    %dma_wait3A_46 = tpu.memref_slice %arg6[%dma_wait3A_36, %dma_wait3A_44, %dma_wait3A_45] : memref<2x256x64xf32, #tpu.memory_space<vmem>> -> memref<1x256x64xf32, #tpu.memory_space<vmem>>
    %dma_wait3A_47 = tpu.memref_squeeze %dma_wait3A_46 : memref<1x256x64xf32, #tpu.memory_space<vmem>> -> memref<256x64xf32, #tpu.memory_space<vmem>>
    %dma_wait3A_48 = arith.constant 0 : i32
    %dma_wait3A_49 = arith.constant 0 : i32
    %dma_wait3A_50 = tpu.memref_slice %arg4[%dma_wait3A_48, %dma_wait3A_49] : memref<327680x64xf32, #tpu.memory_space<hbm>> -> memref<256x64xf32, #tpu.memory_space<hbm>>
    tpu.wait_dma2 semaphore(%arg8 : memref<!tpu.dma_semaphore, #tpu.memory_space<semaphore_mem>>) src(%dma_wait3A_50 : memref<256x64xf32, #tpu.memory_space<hbm>>) dst(%dma_wait3A_47 : memref<256x64xf32, #tpu.memory_space<vmem>>)
    %add3A_51 = arith.constant 9984 : i32
    %add3A_52 = arith.addi %mul3A_2, %add3A_51 : i32
    %run_scoped3A_53 = arith.constant 1 : i32
    "tpu.region"() ({
      %run_scoped3A_54 = tpu.sem_alloc : memref<!tpu.dma_semaphore, #tpu.memory_space<semaphore_mem>>
      %dma_start3A = arith.constant 0 : i32
      %dma_start3A_55 = arith.constant 0 : i32
      %dma_start3A_56 = tpu.memref_slice %arg6[%run_scoped3A_53, %dma_start3A, %dma_start3A_55] : memref<2x256x64xf32, #tpu.memory_space<vmem>> -> memref<1x256x64xf32, #tpu.memory_space<vmem>>
      %dma_start3A_57 = tpu.memref_squeeze %dma_start3A_56 : memref<1x256x64xf32, #tpu.memory_space<vmem>> -> memref<256x64xf32, #tpu.memory_space<vmem>>
      %dma_start3A_58 = arith.constant 0 : i32
      %dma_start3A_59 = tpu.memref_slice %arg4[%add3A_52, %dma_start3A_58] : memref<327680x64xf32, #tpu.memory_space<hbm>> -> memref<256x64xf32, #tpu.memory_space<hbm>>
      %dma_start3A_60 = arith.constant 0 : i32
      %dma_start3A_61 = tpu.memref_slice %arg4[%add3A_52, %dma_start3A_60] : memref<327680x64xf32, #tpu.memory_space<hbm>> -> memref<256x64xf32, #tpu.memory_space<hbm>>
      %dma_start3A_62 = arith.constant 0 : i32
      %dma_start3A_63 = arith.constant 0 : i32
      %dma_start3A_64 = tpu.memref_slice %arg6[%run_scoped3A_53, %dma_start3A_62, %dma_start3A_63] : memref<2x256x64xf32, #tpu.memory_space<vmem>> -> memref<1x256x64xf32, #tpu.memory_space<vmem>>
      %dma_start3A_65 = tpu.memref_squeeze %dma_start3A_64 : memref<1x256x64xf32, #tpu.memory_space<vmem>> -> memref<256x64xf32, #tpu.memory_space<vmem>>
      tpu.enqueue_dma source(%dma_start3A_65 : memref<256x64xf32, #tpu.memory_space<vmem>>) target(%dma_start3A_61 : memref<256x64xf32, #tpu.memory_space<hbm>>) target_semaphore(%run_scoped3A_54 : memref<!tpu.dma_semaphore, #tpu.memory_space<semaphore_mem>>)
      %dma_wait3A_66 = arith.constant 0 : i32
      %dma_wait3A_67 = arith.constant 0 : i32
      %dma_wait3A_68 = tpu.memref_slice %arg6[%run_scoped3A_53, %dma_wait3A_66, %dma_wait3A_67] : memref<2x256x64xf32, #tpu.memory_space<vmem>> -> memref<1x256x64xf32, #tpu.memory_space<vmem>>
      %dma_wait3A_69 = tpu.memref_squeeze %dma_wait3A_68 : memref<1x256x64xf32, #tpu.memory_space<vmem>> -> memref<256x64xf32, #tpu.memory_space<vmem>>
      %dma_wait3A_70 = arith.constant 0 : i32
      %dma_wait3A_71 = tpu.memref_slice %arg4[%add3A_52, %dma_wait3A_70] : memref<327680x64xf32, #tpu.memory_space<hbm>> -> memref<256x64xf32, #tpu.memory_space<hbm>>
      %dma_wait3A_72 = arith.constant 0 : i32
      %dma_wait3A_73 = tpu.memref_slice %arg4[%add3A_52, %dma_wait3A_72] : memref<327680x64xf32, #tpu.memory_space<hbm>> -> memref<256x64xf32, #tpu.memory_space<hbm>>
      %dma_wait3A_74 = arith.constant 0 : i32
      %dma_wait3A_75 = arith.constant 0 : i32
      %dma_wait3A_76 = tpu.memref_slice %arg6[%run_scoped3A_53, %dma_wait3A_74, %dma_wait3A_75] : memref<2x256x64xf32, #tpu.memory_space<vmem>> -> memref<1x256x64xf32, #tpu.memory_space<vmem>>
      %dma_wait3A_77 = tpu.memref_squeeze %dma_wait3A_76 : memref<1x256x64xf32, #tpu.memory_space<vmem>> -> memref<256x64xf32, #tpu.memory_space<vmem>>
      tpu.wait_dma2 semaphore(%run_scoped3A_54 : memref<!tpu.dma_semaphore, #tpu.memory_space<semaphore_mem>>) src(%dma_wait3A_77 : memref<256x64xf32, #tpu.memory_space<vmem>>) dst(%dma_wait3A_73 : memref<256x64xf32, #tpu.memory_space<hbm>>)
      tpu.yield
    }) : () -> ()
    return
  }
}

#map = affine_map<(d0, d1) -> (0, 0)>
module attributes {stable_mosaic.version = 14 : i64} {
  func.func @body(%arg0: i32, %arg1: i32, %arg2: memref<32x512xi32, #tpu.memory_space<hbm>>, %arg3: memref<1000000x64xf32, #tpu.memory_space<hbm>>, %arg4: memref<16384x64xf32, #tpu.memory_space<hbm>>, %arg5: memref<512xi32, #tpu.memory_space<vmem>>, %arg6: memref<512x64xf32, #tpu.memory_space<vmem>>, %arg7: memref<!tpu.dma_semaphore, #tpu.memory_space<semaphore_mem>>) attributes {dimension_semantics = [#tpu.dimension_semantics<core_parallel>, #tpu.dimension_semantics<subcore_parallel>], iteration_bounds = array<i64: 2, 16>, scalar_prefetch = 0 : i64, scratch_operands = 3 : i64, tpu.core_type = #tpu.core_type<sc_vector_subcore>, window_params = [{transform_indices = #map}, {transform_indices = #map}, {transform_indices = #map}]} {
    %mul3A = arith.constant 2 : i32
    %mul3A_0 = arith.muli %arg1, %mul3A : i32
    %add3A = arith.addi %mul3A_0, %arg0 : i32
    "tpu.region"() ({
      %run_scoped3A = tpu.sem_alloc : memref<!tpu.dma_semaphore, #tpu.memory_space<semaphore_mem>>
      %dma_start3A = arith.constant 0 : i32
      %dma_start3A_13 = tpu.memref_slice %arg2[%add3A, %dma_start3A] : memref<32x512xi32, #tpu.memory_space<hbm>> -> memref<1x512xi32, #tpu.memory_space<hbm>>
      %dma_start3A_14 = tpu.memref_squeeze %dma_start3A_13 : memref<1x512xi32, #tpu.memory_space<hbm>> -> memref<512xi32, #tpu.memory_space<hbm>>
      %dma_start3A_15 = arith.constant 0 : i32
      %dma_start3A_16 = tpu.memref_slice %arg2[%add3A, %dma_start3A_15] : memref<32x512xi32, #tpu.memory_space<hbm>> -> memref<1x512xi32, #tpu.memory_space<hbm>>
      %dma_start3A_17 = tpu.memref_squeeze %dma_start3A_16 : memref<1x512xi32, #tpu.memory_space<hbm>> -> memref<512xi32, #tpu.memory_space<hbm>>
      tpu.enqueue_dma source(%dma_start3A_17 : memref<512xi32, #tpu.memory_space<hbm>>) target(%arg5 : memref<512xi32, #tpu.memory_space<vmem>>) target_semaphore(%run_scoped3A : memref<!tpu.dma_semaphore, #tpu.memory_space<semaphore_mem>>)
      %dma_wait3A_18 = arith.constant 0 : i32
      %dma_wait3A_19 = tpu.memref_slice %arg2[%add3A, %dma_wait3A_18] : memref<32x512xi32, #tpu.memory_space<hbm>> -> memref<1x512xi32, #tpu.memory_space<hbm>>
      %dma_wait3A_20 = tpu.memref_squeeze %dma_wait3A_19 : memref<1x512xi32, #tpu.memory_space<hbm>> -> memref<512xi32, #tpu.memory_space<hbm>>
      %dma_wait3A_21 = arith.constant 0 : i32
      %dma_wait3A_22 = tpu.memref_slice %arg2[%add3A, %dma_wait3A_21] : memref<32x512xi32, #tpu.memory_space<hbm>> -> memref<1x512xi32, #tpu.memory_space<hbm>>
      %dma_wait3A_23 = tpu.memref_squeeze %dma_wait3A_22 : memref<1x512xi32, #tpu.memory_space<hbm>> -> memref<512xi32, #tpu.memory_space<hbm>>
      tpu.wait_dma2 semaphore(%run_scoped3A : memref<!tpu.dma_semaphore, #tpu.memory_space<semaphore_mem>>) src(%dma_wait3A_23 : memref<512xi32, #tpu.memory_space<hbm>>) dst(%arg5 : memref<512xi32, #tpu.memory_space<vmem>>)
      tpu.yield
    }) : () -> ()
    %scan3A = arith.constant 0 : i32
    %scan3A_1 = arith.constant 0 : i32
    %scan3A_2 = arith.constant 32 : i32
    %scan3A_3 = arith.addi %scan3A_1, %scan3A_2 : i32
    %scan3A_4 = arith.constant 1 : i32
    scf.for %scan3A_13 = %scan3A_1 to %scan3A_3 step %scan3A_4  : i32 {
      %mul3A_14 = arith.constant 16 : i32
      %mul3A_15 = arith.muli %scan3A_13, %mul3A_14 : i32
      %get3A = arith.index_cast %mul3A_15 : i32 to index
      %get3A_16 = tpu.vector_load %arg5[%get3A] {strides = array<i32>} : memref<512xi32, #tpu.memory_space<vmem>>, vector<16xi32>,
      %slice3A = vector.extract_strided_slice %get3A_16 {offsets = [0], sizes = [1], strides = [1]} : vector<16xi32> to vector<1xi32>
      %squeeze3A = vector.extract %slice3A[0] : i32 from vector<1xi32>
      %mul3A_17 = arith.constant 16 : i32
      %mul3A_18 = arith.muli %scan3A_13, %mul3A_17 : i32
      %add3A_19 = arith.constant 0 : i32
      %add3A_20 = arith.addi %mul3A_18, %add3A_19 : i32
      %dma_start3A = arith.constant 0 : i32
      %dma_start3A_21 = tpu.memref_slice %arg6[%add3A_20, %dma_start3A] : memref<512x64xf32, #tpu.memory_space<vmem>> -> memref<1x64xf32, #tpu.memory_space<vmem>>
      %dma_start3A_22 = arith.constant 0 : i32
      %dma_start3A_23 = tpu.memref_slice %arg3[%squeeze3A, %dma_start3A_22] : memref<1000000x64xf32, #tpu.memory_space<hbm>> -> memref<1x64xf32, #tpu.memory_space<hbm>>
      %dma_start3A_24 = arith.constant 0 : i32
      %dma_start3A_25 = tpu.memref_slice %arg6[%add3A_20, %dma_start3A_24] : memref<512x64xf32, #tpu.memory_space<vmem>> -> memref<1x64xf32, #tpu.memory_space<vmem>>
      %dma_start3A_26 = arith.constant 0 : i32
      %dma_start3A_27 = tpu.memref_slice %arg3[%squeeze3A, %dma_start3A_26] : memref<1000000x64xf32, #tpu.memory_space<hbm>> -> memref<1x64xf32, #tpu.memory_space<hbm>>
      tpu.enqueue_dma source(%dma_start3A_27 : memref<1x64xf32, #tpu.memory_space<hbm>>) target(%dma_start3A_25 : memref<1x64xf32, #tpu.memory_space<vmem>>) target_semaphore(%arg7 : memref<!tpu.dma_semaphore, #tpu.memory_space<semaphore_mem>>)
      %slice3A_28 = vector.extract_strided_slice %get3A_16 {offsets = [1], sizes = [1], strides = [1]} : vector<16xi32> to vector<1xi32>
      %squeeze3A_29 = vector.extract %slice3A_28[0] : i32 from vector<1xi32>
      %mul3A_30 = arith.constant 16 : i32
      %mul3A_31 = arith.muli %scan3A_13, %mul3A_30 : i32
      %add3A_32 = arith.constant 1 : i32
      %add3A_33 = arith.addi %mul3A_31, %add3A_32 : i32
      %dma_start3A_34 = arith.constant 0 : i32
      %dma_start3A_35 = tpu.memref_slice %arg6[%add3A_33, %dma_start3A_34] : memref<512x64xf32, #tpu.memory_space<vmem>> -> memref<1x64xf32, #tpu.memory_space<vmem>>
      %dma_start3A_36 = arith.constant 0 : i32
      %dma_start3A_37 = tpu.memref_slice %arg3[%squeeze3A_29, %dma_start3A_36] : memref<1000000x64xf32, #tpu.memory_space<hbm>> -> memref<1x64xf32, #tpu.memory_space<hbm>>
      %dma_start3A_38 = arith.constant 0 : i32
      %dma_start3A_39 = tpu.memref_slice %arg6[%add3A_33, %dma_start3A_38] : memref<512x64xf32, #tpu.memory_space<vmem>> -> memref<1x64xf32, #tpu.memory_space<vmem>>
      %dma_start3A_40 = arith.constant 0 : i32
      %dma_start3A_41 = tpu.memref_slice %arg3[%squeeze3A_29, %dma_start3A_40] : memref<1000000x64xf32, #tpu.memory_space<hbm>> -> memref<1x64xf32, #tpu.memory_space<hbm>>
      tpu.enqueue_dma source(%dma_start3A_41 : memref<1x64xf32, #tpu.memory_space<hbm>>) target(%dma_start3A_39 : memref<1x64xf32, #tpu.memory_space<vmem>>) target_semaphore(%arg7 : memref<!tpu.dma_semaphore, #tpu.memory_space<semaphore_mem>>)
      %slice3A_42 = vector.extract_strided_slice %get3A_16 {offsets = [2], sizes = [1], strides = [1]} : vector<16xi32> to vector<1xi32>
      %squeeze3A_43 = vector.extract %slice3A_42[0] : i32 from vector<1xi32>
      %mul3A_44 = arith.constant 16 : i32
      %mul3A_45 = arith.muli %scan3A_13, %mul3A_44 : i32
      %add3A_46 = arith.constant 2 : i32
      %add3A_47 = arith.addi %mul3A_45, %add3A_46 : i32
      %dma_start3A_48 = arith.constant 0 : i32
      %dma_start3A_49 = tpu.memref_slice %arg6[%add3A_47, %dma_start3A_48] : memref<512x64xf32, #tpu.memory_space<vmem>> -> memref<1x64xf32, #tpu.memory_space<vmem>>
      %dma_start3A_50 = arith.constant 0 : i32
      %dma_start3A_51 = tpu.memref_slice %arg3[%squeeze3A_43, %dma_start3A_50] : memref<1000000x64xf32, #tpu.memory_space<hbm>> -> memref<1x64xf32, #tpu.memory_space<hbm>>
      %dma_start3A_52 = arith.constant 0 : i32
      %dma_start3A_53 = tpu.memref_slice %arg6[%add3A_47, %dma_start3A_52] : memref<512x64xf32, #tpu.memory_space<vmem>> -> memref<1x64xf32, #tpu.memory_space<vmem>>
      %dma_start3A_54 = arith.constant 0 : i32
      %dma_start3A_55 = tpu.memref_slice %arg3[%squeeze3A_43, %dma_start3A_54] : memref<1000000x64xf32, #tpu.memory_space<hbm>> -> memref<1x64xf32, #tpu.memory_space<hbm>>
      tpu.enqueue_dma source(%dma_start3A_55 : memref<1x64xf32, #tpu.memory_space<hbm>>) target(%dma_start3A_53 : memref<1x64xf32, #tpu.memory_space<vmem>>) target_semaphore(%arg7 : memref<!tpu.dma_semaphore, #tpu.memory_space<semaphore_mem>>)
      %slice3A_56 = vector.extract_strided_slice %get3A_16 {offsets = [3], sizes = [1], strides = [1]} : vector<16xi32> to vector<1xi32>
      %squeeze3A_57 = vector.extract %slice3A_56[0] : i32 from vector<1xi32>
      %mul3A_58 = arith.constant 16 : i32
      %mul3A_59 = arith.muli %scan3A_13, %mul3A_58 : i32
      %add3A_60 = arith.constant 3 : i32
      %add3A_61 = arith.addi %mul3A_59, %add3A_60 : i32
      %dma_start3A_62 = arith.constant 0 : i32
      %dma_start3A_63 = tpu.memref_slice %arg6[%add3A_61, %dma_start3A_62] : memref<512x64xf32, #tpu.memory_space<vmem>> -> memref<1x64xf32, #tpu.memory_space<vmem>>
      %dma_start3A_64 = arith.constant 0 : i32
      %dma_start3A_65 = tpu.memref_slice %arg3[%squeeze3A_57, %dma_start3A_64] : memref<1000000x64xf32, #tpu.memory_space<hbm>> -> memref<1x64xf32, #tpu.memory_space<hbm>>
      %dma_start3A_66 = arith.constant 0 : i32
      %dma_start3A_67 = tpu.memref_slice %arg6[%add3A_61, %dma_start3A_66] : memref<512x64xf32, #tpu.memory_space<vmem>> -> memref<1x64xf32, #tpu.memory_space<vmem>>
      %dma_start3A_68 = arith.constant 0 : i32
      %dma_start3A_69 = tpu.memref_slice %arg3[%squeeze3A_57, %dma_start3A_68] : memref<1000000x64xf32, #tpu.memory_space<hbm>> -> memref<1x64xf32, #tpu.memory_space<hbm>>
      tpu.enqueue_dma source(%dma_start3A_69 : memref<1x64xf32, #tpu.memory_space<hbm>>) target(%dma_start3A_67 : memref<1x64xf32, #tpu.memory_space<vmem>>) target_semaphore(%arg7 : memref<!tpu.dma_semaphore, #tpu.memory_space<semaphore_mem>>)
      %slice3A_70 = vector.extract_strided_slice %get3A_16 {offsets = [4], sizes = [1], strides = [1]} : vector<16xi32> to vector<1xi32>
      %squeeze3A_71 = vector.extract %slice3A_70[0] : i32 from vector<1xi32>
      %mul3A_72 = arith.constant 16 : i32
      %mul3A_73 = arith.muli %scan3A_13, %mul3A_72 : i32
      %add3A_74 = arith.constant 4 : i32
      %add3A_75 = arith.addi %mul3A_73, %add3A_74 : i32
      %dma_start3A_76 = arith.constant 0 : i32
      %dma_start3A_77 = tpu.memref_slice %arg6[%add3A_75, %dma_start3A_76] : memref<512x64xf32, #tpu.memory_space<vmem>> -> memref<1x64xf32, #tpu.memory_space<vmem>>
      %dma_start3A_78 = arith.constant 0 : i32
      %dma_start3A_79 = tpu.memref_slice %arg3[%squeeze3A_71, %dma_start3A_78] : memref<1000000x64xf32, #tpu.memory_space<hbm>> -> memref<1x64xf32, #tpu.memory_space<hbm>>
      %dma_start3A_80 = arith.constant 0 : i32
      %dma_start3A_81 = tpu.memref_slice %arg6[%add3A_75, %dma_start3A_80] : memref<512x64xf32, #tpu.memory_space<vmem>> -> memref<1x64xf32, #tpu.memory_space<vmem>>
      %dma_start3A_82 = arith.constant 0 : i32
      %dma_start3A_83 = tpu.memref_slice %arg3[%squeeze3A_71, %dma_start3A_82] : memref<1000000x64xf32, #tpu.memory_space<hbm>> -> memref<1x64xf32, #tpu.memory_space<hbm>>
      tpu.enqueue_dma source(%dma_start3A_83 : memref<1x64xf32, #tpu.memory_space<hbm>>) target(%dma_start3A_81 : memref<1x64xf32, #tpu.memory_space<vmem>>) target_semaphore(%arg7 : memref<!tpu.dma_semaphore, #tpu.memory_space<semaphore_mem>>)
      %slice3A_84 = vector.extract_strided_slice %get3A_16 {offsets = [5], sizes = [1], strides = [1]} : vector<16xi32> to vector<1xi32>
      %squeeze3A_85 = vector.extract %slice3A_84[0] : i32 from vector<1xi32>
      %mul3A_86 = arith.constant 16 : i32
      %mul3A_87 = arith.muli %scan3A_13, %mul3A_86 : i32
      %add3A_88 = arith.constant 5 : i32
      %add3A_89 = arith.addi %mul3A_87, %add3A_88 : i32
      %dma_start3A_90 = arith.constant 0 : i32
      %dma_start3A_91 = tpu.memref_slice %arg6[%add3A_89, %dma_start3A_90] : memref<512x64xf32, #tpu.memory_space<vmem>> -> memref<1x64xf32, #tpu.memory_space<vmem>>
      %dma_start3A_92 = arith.constant 0 : i32
      %dma_start3A_93 = tpu.memref_slice %arg3[%squeeze3A_85, %dma_start3A_92] : memref<1000000x64xf32, #tpu.memory_space<hbm>> -> memref<1x64xf32, #tpu.memory_space<hbm>>
      %dma_start3A_94 = arith.constant 0 : i32
      %dma_start3A_95 = tpu.memref_slice %arg6[%add3A_89, %dma_start3A_94] : memref<512x64xf32, #tpu.memory_space<vmem>> -> memref<1x64xf32, #tpu.memory_space<vmem>>
      %dma_start3A_96 = arith.constant 0 : i32
      %dma_start3A_97 = tpu.memref_slice %arg3[%squeeze3A_85, %dma_start3A_96] : memref<1000000x64xf32, #tpu.memory_space<hbm>> -> memref<1x64xf32, #tpu.memory_space<hbm>>
      tpu.enqueue_dma source(%dma_start3A_97 : memref<1x64xf32, #tpu.memory_space<hbm>>) target(%dma_start3A_95 : memref<1x64xf32, #tpu.memory_space<vmem>>) target_semaphore(%arg7 : memref<!tpu.dma_semaphore, #tpu.memory_space<semaphore_mem>>)
      %slice3A_98 = vector.extract_strided_slice %get3A_16 {offsets = [6], sizes = [1], strides = [1]} : vector<16xi32> to vector<1xi32>
      %squeeze3A_99 = vector.extract %slice3A_98[0] : i32 from vector<1xi32>
      %mul3A_100 = arith.constant 16 : i32
      %mul3A_101 = arith.muli %scan3A_13, %mul3A_100 : i32
      %add3A_102 = arith.constant 6 : i32
      %add3A_103 = arith.addi %mul3A_101, %add3A_102 : i32
      %dma_start3A_104 = arith.constant 0 : i32
      %dma_start3A_105 = tpu.memref_slice %arg6[%add3A_103, %dma_start3A_104] : memref<512x64xf32, #tpu.memory_space<vmem>> -> memref<1x64xf32, #tpu.memory_space<vmem>>
      %dma_start3A_106 = arith.constant 0 : i32
      %dma_start3A_107 = tpu.memref_slice %arg3[%squeeze3A_99, %dma_start3A_106] : memref<1000000x64xf32, #tpu.memory_space<hbm>> -> memref<1x64xf32, #tpu.memory_space<hbm>>
      %dma_start3A_108 = arith.constant 0 : i32
      %dma_start3A_109 = tpu.memref_slice %arg6[%add3A_103, %dma_start3A_108] : memref<512x64xf32, #tpu.memory_space<vmem>> -> memref<1x64xf32, #tpu.memory_space<vmem>>
      %dma_start3A_110 = arith.constant 0 : i32
      %dma_start3A_111 = tpu.memref_slice %arg3[%squeeze3A_99, %dma_start3A_110] : memref<1000000x64xf32, #tpu.memory_space<hbm>> -> memref<1x64xf32, #tpu.memory_space<hbm>>
      tpu.enqueue_dma source(%dma_start3A_111 : memref<1x64xf32, #tpu.memory_space<hbm>>) target(%dma_start3A_109 : memref<1x64xf32, #tpu.memory_space<vmem>>) target_semaphore(%arg7 : memref<!tpu.dma_semaphore, #tpu.memory_space<semaphore_mem>>)
      %slice3A_112 = vector.extract_strided_slice %get3A_16 {offsets = [7], sizes = [1], strides = [1]} : vector<16xi32> to vector<1xi32>
      %squeeze3A_113 = vector.extract %slice3A_112[0] : i32 from vector<1xi32>
      %mul3A_114 = arith.constant 16 : i32
      %mul3A_115 = arith.muli %scan3A_13, %mul3A_114 : i32
      %add3A_116 = arith.constant 7 : i32
      %add3A_117 = arith.addi %mul3A_115, %add3A_116 : i32
      %dma_start3A_118 = arith.constant 0 : i32
      %dma_start3A_119 = tpu.memref_slice %arg6[%add3A_117, %dma_start3A_118] : memref<512x64xf32, #tpu.memory_space<vmem>> -> memref<1x64xf32, #tpu.memory_space<vmem>>
      %dma_start3A_120 = arith.constant 0 : i32
      %dma_start3A_121 = tpu.memref_slice %arg3[%squeeze3A_113, %dma_start3A_120] : memref<1000000x64xf32, #tpu.memory_space<hbm>> -> memref<1x64xf32, #tpu.memory_space<hbm>>
      %dma_start3A_122 = arith.constant 0 : i32
      %dma_start3A_123 = tpu.memref_slice %arg6[%add3A_117, %dma_start3A_122] : memref<512x64xf32, #tpu.memory_space<vmem>> -> memref<1x64xf32, #tpu.memory_space<vmem>>
      %dma_start3A_124 = arith.constant 0 : i32
      %dma_start3A_125 = tpu.memref_slice %arg3[%squeeze3A_113, %dma_start3A_124] : memref<1000000x64xf32, #tpu.memory_space<hbm>> -> memref<1x64xf32, #tpu.memory_space<hbm>>
      tpu.enqueue_dma source(%dma_start3A_125 : memref<1x64xf32, #tpu.memory_space<hbm>>) target(%dma_start3A_123 : memref<1x64xf32, #tpu.memory_space<vmem>>) target_semaphore(%arg7 : memref<!tpu.dma_semaphore, #tpu.memory_space<semaphore_mem>>)
      %slice3A_126 = vector.extract_strided_slice %get3A_16 {offsets = [8], sizes = [1], strides = [1]} : vector<16xi32> to vector<1xi32>
      %squeeze3A_127 = vector.extract %slice3A_126[0] : i32 from vector<1xi32>
      %mul3A_128 = arith.constant 16 : i32
      %mul3A_129 = arith.muli %scan3A_13, %mul3A_128 : i32
      %add3A_130 = arith.constant 8 : i32
      %add3A_131 = arith.addi %mul3A_129, %add3A_130 : i32
      %dma_start3A_132 = arith.constant 0 : i32
      %dma_start3A_133 = tpu.memref_slice %arg6[%add3A_131, %dma_start3A_132] : memref<512x64xf32, #tpu.memory_space<vmem>> -> memref<1x64xf32, #tpu.memory_space<vmem>>
      %dma_start3A_134 = arith.constant 0 : i32
      %dma_start3A_135 = tpu.memref_slice %arg3[%squeeze3A_127, %dma_start3A_134] : memref<1000000x64xf32, #tpu.memory_space<hbm>> -> memref<1x64xf32, #tpu.memory_space<hbm>>
      %dma_start3A_136 = arith.constant 0 : i32
      %dma_start3A_137 = tpu.memref_slice %arg6[%add3A_131, %dma_start3A_136] : memref<512x64xf32, #tpu.memory_space<vmem>> -> memref<1x64xf32, #tpu.memory_space<vmem>>
      %dma_start3A_138 = arith.constant 0 : i32
      %dma_start3A_139 = tpu.memref_slice %arg3[%squeeze3A_127, %dma_start3A_138] : memref<1000000x64xf32, #tpu.memory_space<hbm>> -> memref<1x64xf32, #tpu.memory_space<hbm>>
      tpu.enqueue_dma source(%dma_start3A_139 : memref<1x64xf32, #tpu.memory_space<hbm>>) target(%dma_start3A_137 : memref<1x64xf32, #tpu.memory_space<vmem>>) target_semaphore(%arg7 : memref<!tpu.dma_semaphore, #tpu.memory_space<semaphore_mem>>)
      %slice3A_140 = vector.extract_strided_slice %get3A_16 {offsets = [9], sizes = [1], strides = [1]} : vector<16xi32> to vector<1xi32>
      %squeeze3A_141 = vector.extract %slice3A_140[0] : i32 from vector<1xi32>
      %mul3A_142 = arith.constant 16 : i32
      %mul3A_143 = arith.muli %scan3A_13, %mul3A_142 : i32
      %add3A_144 = arith.constant 9 : i32
      %add3A_145 = arith.addi %mul3A_143, %add3A_144 : i32
      %dma_start3A_146 = arith.constant 0 : i32
      %dma_start3A_147 = tpu.memref_slice %arg6[%add3A_145, %dma_start3A_146] : memref<512x64xf32, #tpu.memory_space<vmem>> -> memref<1x64xf32, #tpu.memory_space<vmem>>
      %dma_start3A_148 = arith.constant 0 : i32
      %dma_start3A_149 = tpu.memref_slice %arg3[%squeeze3A_141, %dma_start3A_148] : memref<1000000x64xf32, #tpu.memory_space<hbm>> -> memref<1x64xf32, #tpu.memory_space<hbm>>
      %dma_start3A_150 = arith.constant 0 : i32
      %dma_start3A_151 = tpu.memref_slice %arg6[%add3A_145, %dma_start3A_150] : memref<512x64xf32, #tpu.memory_space<vmem>> -> memref<1x64xf32, #tpu.memory_space<vmem>>
      %dma_start3A_152 = arith.constant 0 : i32
      %dma_start3A_153 = tpu.memref_slice %arg3[%squeeze3A_141, %dma_start3A_152] : memref<1000000x64xf32, #tpu.memory_space<hbm>> -> memref<1x64xf32, #tpu.memory_space<hbm>>
      tpu.enqueue_dma source(%dma_start3A_153 : memref<1x64xf32, #tpu.memory_space<hbm>>) target(%dma_start3A_151 : memref<1x64xf32, #tpu.memory_space<vmem>>) target_semaphore(%arg7 : memref<!tpu.dma_semaphore, #tpu.memory_space<semaphore_mem>>)
      %slice3A_154 = vector.extract_strided_slice %get3A_16 {offsets = [10], sizes = [1], strides = [1]} : vector<16xi32> to vector<1xi32>
      %squeeze3A_155 = vector.extract %slice3A_154[0] : i32 from vector<1xi32>
      %mul3A_156 = arith.constant 16 : i32
      %mul3A_157 = arith.muli %scan3A_13, %mul3A_156 : i32
      %add3A_158 = arith.constant 10 : i32
      %add3A_159 = arith.addi %mul3A_157, %add3A_158 : i32
      %dma_start3A_160 = arith.constant 0 : i32
      %dma_start3A_161 = tpu.memref_slice %arg6[%add3A_159, %dma_start3A_160] : memref<512x64xf32, #tpu.memory_space<vmem>> -> memref<1x64xf32, #tpu.memory_space<vmem>>
      %dma_start3A_162 = arith.constant 0 : i32
      %dma_start3A_163 = tpu.memref_slice %arg3[%squeeze3A_155, %dma_start3A_162] : memref<1000000x64xf32, #tpu.memory_space<hbm>> -> memref<1x64xf32, #tpu.memory_space<hbm>>
      %dma_start3A_164 = arith.constant 0 : i32
      %dma_start3A_165 = tpu.memref_slice %arg6[%add3A_159, %dma_start3A_164] : memref<512x64xf32, #tpu.memory_space<vmem>> -> memref<1x64xf32, #tpu.memory_space<vmem>>
      %dma_start3A_166 = arith.constant 0 : i32
      %dma_start3A_167 = tpu.memref_slice %arg3[%squeeze3A_155, %dma_start3A_166] : memref<1000000x64xf32, #tpu.memory_space<hbm>> -> memref<1x64xf32, #tpu.memory_space<hbm>>
      tpu.enqueue_dma source(%dma_start3A_167 : memref<1x64xf32, #tpu.memory_space<hbm>>) target(%dma_start3A_165 : memref<1x64xf32, #tpu.memory_space<vmem>>) target_semaphore(%arg7 : memref<!tpu.dma_semaphore, #tpu.memory_space<semaphore_mem>>)
      %slice3A_168 = vector.extract_strided_slice %get3A_16 {offsets = [11], sizes = [1], strides = [1]} : vector<16xi32> to vector<1xi32>
      %squeeze3A_169 = vector.extract %slice3A_168[0] : i32 from vector<1xi32>
      %mul3A_170 = arith.constant 16 : i32
      %mul3A_171 = arith.muli %scan3A_13, %mul3A_170 : i32
      %add3A_172 = arith.constant 11 : i32
      %add3A_173 = arith.addi %mul3A_171, %add3A_172 : i32
      %dma_start3A_174 = arith.constant 0 : i32
      %dma_start3A_175 = tpu.memref_slice %arg6[%add3A_173, %dma_start3A_174] : memref<512x64xf32, #tpu.memory_space<vmem>> -> memref<1x64xf32, #tpu.memory_space<vmem>>
      %dma_start3A_176 = arith.constant 0 : i32
      %dma_start3A_177 = tpu.memref_slice %arg3[%squeeze3A_169, %dma_start3A_176] : memref<1000000x64xf32, #tpu.memory_space<hbm>> -> memref<1x64xf32, #tpu.memory_space<hbm>>
      %dma_start3A_178 = arith.constant 0 : i32
      %dma_start3A_179 = tpu.memref_slice %arg6[%add3A_173, %dma_start3A_178] : memref<512x64xf32, #tpu.memory_space<vmem>> -> memref<1x64xf32, #tpu.memory_space<vmem>>
      %dma_start3A_180 = arith.constant 0 : i32
      %dma_start3A_181 = tpu.memref_slice %arg3[%squeeze3A_169, %dma_start3A_180] : memref<1000000x64xf32, #tpu.memory_space<hbm>> -> memref<1x64xf32, #tpu.memory_space<hbm>>
      tpu.enqueue_dma source(%dma_start3A_181 : memref<1x64xf32, #tpu.memory_space<hbm>>) target(%dma_start3A_179 : memref<1x64xf32, #tpu.memory_space<vmem>>) target_semaphore(%arg7 : memref<!tpu.dma_semaphore, #tpu.memory_space<semaphore_mem>>)
      %slice3A_182 = vector.extract_strided_slice %get3A_16 {offsets = [12], sizes = [1], strides = [1]} : vector<16xi32> to vector<1xi32>
      %squeeze3A_183 = vector.extract %slice3A_182[0] : i32 from vector<1xi32>
      %mul3A_184 = arith.constant 16 : i32
      %mul3A_185 = arith.muli %scan3A_13, %mul3A_184 : i32
      %add3A_186 = arith.constant 12 : i32
      %add3A_187 = arith.addi %mul3A_185, %add3A_186 : i32
      %dma_start3A_188 = arith.constant 0 : i32
      %dma_start3A_189 = tpu.memref_slice %arg6[%add3A_187, %dma_start3A_188] : memref<512x64xf32, #tpu.memory_space<vmem>> -> memref<1x64xf32, #tpu.memory_space<vmem>>
      %dma_start3A_190 = arith.constant 0 : i32
      %dma_start3A_191 = tpu.memref_slice %arg3[%squeeze3A_183, %dma_start3A_190] : memref<1000000x64xf32, #tpu.memory_space<hbm>> -> memref<1x64xf32, #tpu.memory_space<hbm>>
      %dma_start3A_192 = arith.constant 0 : i32
      %dma_start3A_193 = tpu.memref_slice %arg6[%add3A_187, %dma_start3A_192] : memref<512x64xf32, #tpu.memory_space<vmem>> -> memref<1x64xf32, #tpu.memory_space<vmem>>
      %dma_start3A_194 = arith.constant 0 : i32
      %dma_start3A_195 = tpu.memref_slice %arg3[%squeeze3A_183, %dma_start3A_194] : memref<1000000x64xf32, #tpu.memory_space<hbm>> -> memref<1x64xf32, #tpu.memory_space<hbm>>
      tpu.enqueue_dma source(%dma_start3A_195 : memref<1x64xf32, #tpu.memory_space<hbm>>) target(%dma_start3A_193 : memref<1x64xf32, #tpu.memory_space<vmem>>) target_semaphore(%arg7 : memref<!tpu.dma_semaphore, #tpu.memory_space<semaphore_mem>>)
      %slice3A_196 = vector.extract_strided_slice %get3A_16 {offsets = [13], sizes = [1], strides = [1]} : vector<16xi32> to vector<1xi32>
      %squeeze3A_197 = vector.extract %slice3A_196[0] : i32 from vector<1xi32>
      %mul3A_198 = arith.constant 16 : i32
      %mul3A_199 = arith.muli %scan3A_13, %mul3A_198 : i32
      %add3A_200 = arith.constant 13 : i32
      %add3A_201 = arith.addi %mul3A_199, %add3A_200 : i32
      %dma_start3A_202 = arith.constant 0 : i32
      %dma_start3A_203 = tpu.memref_slice %arg6[%add3A_201, %dma_start3A_202] : memref<512x64xf32, #tpu.memory_space<vmem>> -> memref<1x64xf32, #tpu.memory_space<vmem>>
      %dma_start3A_204 = arith.constant 0 : i32
      %dma_start3A_205 = tpu.memref_slice %arg3[%squeeze3A_197, %dma_start3A_204] : memref<1000000x64xf32, #tpu.memory_space<hbm>> -> memref<1x64xf32, #tpu.memory_space<hbm>>
      %dma_start3A_206 = arith.constant 0 : i32
      %dma_start3A_207 = tpu.memref_slice %arg6[%add3A_201, %dma_start3A_206] : memref<512x64xf32, #tpu.memory_space<vmem>> -> memref<1x64xf32, #tpu.memory_space<vmem>>
      %dma_start3A_208 = arith.constant 0 : i32
      %dma_start3A_209 = tpu.memref_slice %arg3[%squeeze3A_197, %dma_start3A_208] : memref<1000000x64xf32, #tpu.memory_space<hbm>> -> memref<1x64xf32, #tpu.memory_space<hbm>>
      tpu.enqueue_dma source(%dma_start3A_209 : memref<1x64xf32, #tpu.memory_space<hbm>>) target(%dma_start3A_207 : memref<1x64xf32, #tpu.memory_space<vmem>>) target_semaphore(%arg7 : memref<!tpu.dma_semaphore, #tpu.memory_space<semaphore_mem>>)
      %slice3A_210 = vector.extract_strided_slice %get3A_16 {offsets = [14], sizes = [1], strides = [1]} : vector<16xi32> to vector<1xi32>
      %squeeze3A_211 = vector.extract %slice3A_210[0] : i32 from vector<1xi32>
      %mul3A_212 = arith.constant 16 : i32
      %mul3A_213 = arith.muli %scan3A_13, %mul3A_212 : i32
      %add3A_214 = arith.constant 14 : i32
      %add3A_215 = arith.addi %mul3A_213, %add3A_214 : i32
      %dma_start3A_216 = arith.constant 0 : i32
      %dma_start3A_217 = tpu.memref_slice %arg6[%add3A_215, %dma_start3A_216] : memref<512x64xf32, #tpu.memory_space<vmem>> -> memref<1x64xf32, #tpu.memory_space<vmem>>
      %dma_start3A_218 = arith.constant 0 : i32
      %dma_start3A_219 = tpu.memref_slice %arg3[%squeeze3A_211, %dma_start3A_218] : memref<1000000x64xf32, #tpu.memory_space<hbm>> -> memref<1x64xf32, #tpu.memory_space<hbm>>
      %dma_start3A_220 = arith.constant 0 : i32
      %dma_start3A_221 = tpu.memref_slice %arg6[%add3A_215, %dma_start3A_220] : memref<512x64xf32, #tpu.memory_space<vmem>> -> memref<1x64xf32, #tpu.memory_space<vmem>>
      %dma_start3A_222 = arith.constant 0 : i32
      %dma_start3A_223 = tpu.memref_slice %arg3[%squeeze3A_211, %dma_start3A_222] : memref<1000000x64xf32, #tpu.memory_space<hbm>> -> memref<1x64xf32, #tpu.memory_space<hbm>>
      tpu.enqueue_dma source(%dma_start3A_223 : memref<1x64xf32, #tpu.memory_space<hbm>>) target(%dma_start3A_221 : memref<1x64xf32, #tpu.memory_space<vmem>>) target_semaphore(%arg7 : memref<!tpu.dma_semaphore, #tpu.memory_space<semaphore_mem>>)
      %slice3A_224 = vector.extract_strided_slice %get3A_16 {offsets = [15], sizes = [1], strides = [1]} : vector<16xi32> to vector<1xi32>
      %squeeze3A_225 = vector.extract %slice3A_224[0] : i32 from vector<1xi32>
      %mul3A_226 = arith.constant 16 : i32
      %mul3A_227 = arith.muli %scan3A_13, %mul3A_226 : i32
      %add3A_228 = arith.constant 15 : i32
      %add3A_229 = arith.addi %mul3A_227, %add3A_228 : i32
      %dma_start3A_230 = arith.constant 0 : i32
      %dma_start3A_231 = tpu.memref_slice %arg6[%add3A_229, %dma_start3A_230] : memref<512x64xf32, #tpu.memory_space<vmem>> -> memref<1x64xf32, #tpu.memory_space<vmem>>
      %dma_start3A_232 = arith.constant 0 : i32
      %dma_start3A_233 = tpu.memref_slice %arg3[%squeeze3A_225, %dma_start3A_232] : memref<1000000x64xf32, #tpu.memory_space<hbm>> -> memref<1x64xf32, #tpu.memory_space<hbm>>
      %dma_start3A_234 = arith.constant 0 : i32
      %dma_start3A_235 = tpu.memref_slice %arg6[%add3A_229, %dma_start3A_234] : memref<512x64xf32, #tpu.memory_space<vmem>> -> memref<1x64xf32, #tpu.memory_space<vmem>>
      %dma_start3A_236 = arith.constant 0 : i32
      %dma_start3A_237 = tpu.memref_slice %arg3[%squeeze3A_225, %dma_start3A_236] : memref<1000000x64xf32, #tpu.memory_space<hbm>> -> memref<1x64xf32, #tpu.memory_space<hbm>>
      tpu.enqueue_dma source(%dma_start3A_237 : memref<1x64xf32, #tpu.memory_space<hbm>>) target(%dma_start3A_235 : memref<1x64xf32, #tpu.memory_space<vmem>>) target_semaphore(%arg7 : memref<!tpu.dma_semaphore, #tpu.memory_space<semaphore_mem>>)
    }
    %scan3A_5 = arith.constant 32 : i32
    %dma_wait3A = arith.constant 0 : i32
    %dma_wait3A_6 = arith.constant 0 : i32
    %dma_wait3A_7 = tpu.memref_slice %arg4[%dma_wait3A, %dma_wait3A_6] : memref<16384x64xf32, #tpu.memory_space<hbm>> -> memref<512x64xf32, #tpu.memory_space<hbm>>
    %dma_wait3A_8 = arith.constant 0 : i32
    %dma_wait3A_9 = arith.constant 0 : i32
    %dma_wait3A_10 = tpu.memref_slice %arg4[%dma_wait3A_8, %dma_wait3A_9] : memref<16384x64xf32, #tpu.memory_space<hbm>> -> memref<512x64xf32, #tpu.memory_space<hbm>>
    tpu.wait_dma2 semaphore(%arg7 : memref<!tpu.dma_semaphore, #tpu.memory_space<semaphore_mem>>) src(%dma_wait3A_10 : memref<512x64xf32, #tpu.memory_space<hbm>>) dst(%arg6 : memref<512x64xf32, #tpu.memory_space<vmem>>)
    %mul3A_11 = arith.constant 512 : i32
    %mul3A_12 = arith.muli %add3A, %mul3A_11 : i32
    "tpu.region"() ({
      %run_scoped3A = tpu.sem_alloc : memref<!tpu.dma_semaphore, #tpu.memory_space<semaphore_mem>>
      %dma_start3A = arith.constant 0 : i32
      %dma_start3A_13 = tpu.memref_slice %arg4[%mul3A_12, %dma_start3A] : memref<16384x64xf32, #tpu.memory_space<hbm>> -> memref<512x64xf32, #tpu.memory_space<hbm>>
      %dma_start3A_14 = arith.constant 0 : i32
      %dma_start3A_15 = tpu.memref_slice %arg4[%mul3A_12, %dma_start3A_14] : memref<16384x64xf32, #tpu.memory_space<hbm>> -> memref<512x64xf32, #tpu.memory_space<hbm>>
      tpu.enqueue_dma source(%arg6 : memref<512x64xf32, #tpu.memory_space<vmem>>) target(%dma_start3A_15 : memref<512x64xf32, #tpu.memory_space<hbm>>) target_semaphore(%run_scoped3A : memref<!tpu.dma_semaphore, #tpu.memory_space<semaphore_mem>>)
      %dma_wait3A_16 = arith.constant 0 : i32
      %dma_wait3A_17 = tpu.memref_slice %arg4[%mul3A_12, %dma_wait3A_16] : memref<16384x64xf32, #tpu.memory_space<hbm>> -> memref<512x64xf32, #tpu.memory_space<hbm>>
      %dma_wait3A_18 = arith.constant 0 : i32
      %dma_wait3A_19 = tpu.memref_slice %arg4[%mul3A_12, %dma_wait3A_18] : memref<16384x64xf32, #tpu.memory_space<hbm>> -> memref<512x64xf32, #tpu.memory_space<hbm>>
      tpu.wait_dma2 semaphore(%run_scoped3A : memref<!tpu.dma_semaphore, #tpu.memory_space<semaphore_mem>>) src(%arg6 : memref<512x64xf32, #tpu.memory_space<vmem>>) dst(%dma_wait3A_19 : memref<512x64xf32, #tpu.memory_space<hbm>>)
      tpu.yield
    }) : () -> ()
    return
  }
}

</mosaic_0001>

<sc_bundles>
// kernel: kernel.4.cloned.1.call-start
scs
__scs_entry_jumppad:
0x0: {  	(pc) =	sbr.rel $0x88, $3  }
0x1: {  	(tag) =	ssettag $0x0;
	lr =	simm.s32 $0x1  }
0x2: {  	[smem:$0x3F9D] =	sst lr;
	_ =	strace $0xD0000000  }
0x3: {  	_ = 	snop  }
0x4: {  	_ = 	snop  }
0x5: {  	_ = 	snop  }
0x6: {  	_ = 	snop  }
0x7: {  	_ = 	snop  }
__scs_overlays_trampoline_lowered:
0x8: {  	[smem:$0x3FAC] =	sst s0  }
0x9: {  	[smem:$0x3FAD] =	sst s1  }
0xa: {  	[smem:$0x3FAE] =	sst s2  }
0xb: {  	[smem:$0x3FAF] =	sst s3  }
0xc: {  	[smem:$0x3FB0] =	sst s4  }
0xd: {  	[smem:$0x3FB1] =	sst s5  }
0xe: {  	[smem:$0x3FB2] =	sst s6  }
0xf: {  	[smem:$0x3FB3] =	sst s7  }
0x10: {  	[smem:$0x3FB4] =	sst s8  }
0x11: {  	[smem:$0x3FB5] =	sst s9;
	s0 =	simm.s32 @!p0 $0x0  }
0x12: {  	s1 =	sld [smem:$0x3F9B];
	s0 =	simm.s32 @p0 $0x1  }
0x13: {  	[smem:$0x3FB6] =	sst s0;
	s0 =	simm.s32 @!p1 $0x0  }
0x14: {  	s2 =	sld [smem:$0x3F9A];
	s0 =	simm.s32 @p1 $0x1  }
0x15: {  	[smem:$0x3FB7] =	sst s0;
	s0 =	simm.s32 @!p2 $0x0  }
0x16: {  	s3 =	sld [smem:$0x3FDB];
	s0 =	simm.s32 @p2 $0x1  }
0x17: {  	s4 =	simm.s32 $0x1BF5;
	[smem:$0x3FB9] =	sst s0  }
0x18: {  	s0 =	sld [smem:$0x3F9C];
	_ =	swait.ge [sflag:s4], $0x0  }
0x19: {  	s7 =	sld [smem:$0x3F9D]  }
0x1a: {  	s8 =	sadd.s32 $0xFFFFE003, lr  }
0x1b: {  	s9 =	sadd.s32 $0xFFFFFEF7, lr;
	s5 =	simm.s32 $0xFFFFFFFF;
	p2 =	slt.u32 s8, $0xFFFFF086  }
0x1c: {  	p1 =	slt.u32 s9, $0xF7A;
	s5 =	simm.s32 @!p2 $0x0  }
0x1d: {  	s5 =	simm.s32 @p1 $0x1;
	p0 =	seq.s32 s7, s2  }
0x1e: {  	s7 =	smul.u32 @!p0 $0xF7A, s2;
	p2 =	seq.s32 @!p0 s5, $0x0  }
0x1f: {  	s9 =	smul.u32 $0xF7A, s1;
	s8 =	simm.s32 @!p0 $0x1BF5;
	p2 =	por !p2, p0  }
0x20: {  	[sflag:s8] =	ssyncset.s32 @!p0 $0xFFFFF086;
	s6 =	sadd.s32 @!p0 s3, s7;
	s7 =	simm.s32 @!p0 $0x108  }
0x21: {  	s3 =	sadd.s32 s3, s9;
	s6 =	sadd.s32 @!p0 $0x88, s6;
	s7 =	simm.s32 @p2 $0x1082  }
0x22: {  	[simem:s7], [sflag:s8] =	dma.local @!p0 [hbm:s6], $0xF7A  }
0x23: {  	s9 =	sor.u32 $0xD0000000, s2;
	s6 =	simm.s32 $0x108;
	_ =	swait.ge @!p0 [sflag:s8], $0x0  }
0x24: {  	s3 =	sadd.s32 $0x88, s3;
	s6 =	simm.s32 @!p1 $0x1082;
	[sflag:s4] =	ssyncset.s32 $0xFFFFF086  }
0x25: {  	[simem:s6], [sflag:s4] =	dma.local [hbm:s3], $0xF7A  }
0x26: {  	[smem:$0x3F9D] =	sst s1;
	(tag) =	ssettag s2;
	_ =	strace s9  }
0x27: {  	s1 =	sld [smem:$0x3FAD]  }
0x28: {  	s2 =	sld [smem:$0x3FAE]  }
0x29: {  	s4 =	sld [smem:$0x3FB0]  }
0x2a: {  	p0 =	seq.s32 s5, $0x0;
	s5 =	sld [smem:$0x3FB1]  }
0x2b: {  	s6 =	sld [smem:$0x3FB2]  }
0x2c: {  	s7 =	sld [smem:$0x3FB3]  }
0x2d: {  	s3 =	simm.s32 $0x108;
	s8 =	sld [smem:$0x3FB4]  }
0x2e: {  	s3 =	simm.s32 @!p0 $0x1082;
	s9 =	sld [smem:$0x3FB5]  }
0x2f: {  	lr =	sadd.s32 s0, s3;
	s0 =	sld [smem:$0x3FAC]  }
0x30: {  	s3 =	sld [smem:$0x3FAF]  }
0x31: {  	[smem:$0x3FB8] =	sst s10  }
0x32: {  	s10 =	sld [smem:$0x3FB6];
	_ =	sdelay $0x3  }
0x33: {  	p0 =	seq.s32 s10, $0x1;
	s10 =	sld [smem:$0x3FB8];
	_ =	sdelay $0x3  }
0x34: {  	[smem:$0x3FB8] =	sst s10  }
0x35: {  	s10 =	sld [smem:$0x3FB7];
	_ =	sdelay $0x3  }
0x36: {  	p1 =	seq.s32 s10, $0x1;
	s10 =	sld [smem:$0x3FB8];
	_ =	sdelay $0x3  }
0x37: {  	[smem:$0x3FB8] =	sst s10  }
0x38: {  	s10 =	sld [smem:$0x3FB9]  }
0x39: {  	_ = 	snop;
	(pc) =	sbr.ind lr, $3  }
0x3a: {  	_ = 	snop  }
0x3b: {  	_ = 	snop  }
0x3c: {  	p2 =	seq.s32 s10, $0x1;
	s10 =	sld [smem:$0x3FB8]  }
0x3d: {  	_ =	shalt  }
0x3e: {  	_ =	shalt  }
0x3f: {  	_ =	shalt  }
0x40: {  	_ =	shalt  }
0x41: {  	_ =	shalt  }
0x42: {  	_ =	shalt  }
0x43: {  	_ =	shalt  }
0x44: {  	_ =	shalt  }
0x45: {  	_ =	shalt  }
0x46: {  	_ =	shalt  }
0x47: {  	_ =	shalt  }
0x48: {  	_ =	shalt  }
0x49: {  	_ =	shalt  }
0x4a: {  	_ =	shalt  }
0x4b: {  	_ =	shalt  }
0x4c: {  	_ =	shalt  }
0x4d: {  	_ =	shalt  }
0x4e: {  	_ =	shalt  }
0x4f: {  	_ =	shalt  }
0x50: {  	_ =	shalt  }
0x51: {  	_ =	shalt  }
0x52: {  	_ =	shalt  }
0x53: {  	_ =	shalt  }
0x54: {  	_ =	shalt  }
0x55: {  	_ =	shalt  }
0x56: {  	_ =	shalt  }
0x57: {  	_ =	shalt  }
0x58: {  	_ =	shalt  }
0x59: {  	_ =	shalt  }
0x5a: {  	_ =	shalt  }
0x5b: {  	_ =	shalt  }
0x5c: {  	_ =	shalt  }
0x5d: {  	_ =	shalt  }
0x5e: {  	_ =	shalt  }
0x5f: {  	_ =	shalt  }
0x60: {  	_ =	shalt  }
0x61: {  	_ =	shalt  }
0x62: {  	_ =	shalt  }
0x63: {  	_ =	shalt  }
0x64: {  	_ =	shalt  }
0x65: {  	_ =	shalt  }
0x66: {  	_ =	shalt  }
0x67: {  	_ =	shalt  }
0x68: {  	_ =	shalt  }
0x69: {  	_ =	shalt  }
0x6a: {  	_ =	shalt  }
0x6b: {  	_ =	shalt  }
0x6c: {  	_ =	shalt  }
0x6d: {  	_ =	shalt  }
0x6e: {  	_ =	shalt  }
0x6f: {  	_ =	shalt  }
0x70: {  	_ =	shalt  }
0x71: {  	_ =	shalt  }
0x72: {  	_ =	shalt  }
0x73: {  	_ =	shalt  }
0x74: {  	_ =	shalt  }
0x75: {  	_ =	shalt  }
0x76: {  	_ =	shalt  }
0x77: {  	_ =	shalt  }
0x78: {  	_ =	shalt  }
0x79: {  	_ =	shalt  }
0x7a: {  	_ =	shalt  }
0x7b: {  	_ =	shalt  }
0x7c: {  	_ =	shalt  }
0x7d: {  	_ =	shalt  }
0x7e: {  	_ =	shalt  }
0x7f: {  	_ =	shalt  }
0x80: {  	_ =	shalt  }
0x81: {  	_ =	shalt  }
0x82: {  	_ =	shalt  }
0x83: {  	_ =	shalt  }
0x84: {  	_ =	shalt  }
0x85: {  	_ =	shalt  }
0x86: {  	_ =	shalt  }
0x87: {  	_ =	shalt  }
.Lfunc_end0:
.L_simem_size_0:
called_computation.1_lowered:
.L_overlay_start_0:
0x88: {  	s2 =	sld [smem:$0x3FD9]  }
0x89: {  	s3 =	sld [smem:$0x3FFE];
	_ =	sdelay $0x1  }
0x8a: {  	s1 =	srdreg.scid  }
0x8b: {  	s0 =	sand.u32 $0x1, s1  }
0x8c: {  	s17 =	sshll.u32 s0, $0xA;
	s2 =	sadd.s32 s3, s2  }
0x8d: {  	s2 =	sadd.s32 s2, s17  }
0x8e: {  	[smem:$0x3FC4] =	sst s2  }
0x8f: {  	_ = 	snop  }
0x90: {  	(tm) =	ssettm $0x1  }
0x91: {  	s18 =	sld [smem:$0x3FFB];
	_ =	sdelay $0x3  }
0x92: {  	_ =	strace s18  }
0x93: {  	s2 =	sld [smem:$0x3FFC];
	_ =	sdelay $0x3  }
0x94: {  	_ =	strace s2  }
0x95: {  	s2 =	sld [smem:$0x3FFD];
	_ =	sdelay $0x3  }
0x96: {  	_ =	strace s2  }
0x97: {  	_ =	strace $0x8FFFFFFF  }
0x98: {  	s19 =	sld [smem:$0x3FDB];
	_ =	sdelay $0x1  }
0x99: {  	s20 =	simm.s32 $_scs_section_size  }
0x9a: {  	s4 =	simm.s32 $_size__tile_overlayer_lowered;
	s5 =	simm.s32 $_tile_overlayer_lowered  }
0x9b: {  	s6 =	simm.s32 $0x1BFF;
	s21 =	sshll.u32 s5, $0x1;
	s3 =	sadd.s32 s20, s19  }
0x9c: {  	s22 =	simm.s32 $0x0;
	s4 =	sshll.u32 s4, $0x1;
	s5 =	sadd.s32 s21, s3  }
0x9d: {  	[timem:s22], [sflag:s6] =	dma.local [hbm:s5], s4  }
0x9e: {  	_ =	swait.ge [sflag:s6], s4  }
0x9f: {  	s4 =	ssub.s32 $0x0, s4;
	[sflag:s6] =	ssyncset.done $0x0  }
0xa0: {  	[sflag:s6] =	ssyncadd.s32 s4;
	_ =	sdelay $0x1  }
0xa1: {  	s23 =	simm.s32 $0x1B8B  }
0xa2: {  	_ =	swait.ge [sflag:s23], $0x1  }
0xa3: {  	[sflag:s23] =	ssyncset.done $0x0  }
0xa4: {  	[sflag:s23] =	ssyncadd.s32 $0xFFFFFFFF  }
0xa5: {  	s4 =	sld [smem:$0x0]  }
0xa6: {  	s5 =	sand.u32 $0xFFFFFFFE, s1  }
0xa7: {  	p0 =	sne.s32 s1, s5  }
0xa8: {  	s5 =	sshll.u32 @p0 s5, $0xE  }
0xa9: {  	s5 =	sadd.s32 @p0 $0x11B8D, s5;
	s6 =	sshll.u32 @p0 s4, $0x11  }
0xaa: {  	s5 =	sor.u32 @p0 s6, s5  }
0xab: {  	[sflag:s5] =	ssyncadd.remote.s32 @p0 $0x1;
	_ =	sdelay $0x1  }
0xac: {  	s5 =	simm.s32 @p0 $0x1B8D  }
0xad: {  	_ =	swait.eq @p0 [sflag:s5], $0x1  }
0xae: {  	[sflag:s5] =	ssyncadd.s32 @p0 $0xFFFFFFFF  }
0xaf: {  	s6 =	sshll.u32 @!p0 s1, $0xE  }
0xb0: {  	s6 =	sor.u32 @!p0 $0x4000, s6;
	s5 =	simm.s32 @!p0 $0x1B8D  }
0xb1: {  	s4 =	sshll.u32 @!p0 s4, $0x11;
	s6 =	sadd.s32 @!p0 $0x11B8D, s6;
	_ =	swait.eq @!p0 [sflag:s5], $0x1  }
0xb2: {  	s4 =	sor.u32 @!p0 s4, s6;
	[sflag:s5] =	ssyncadd.s32 @!p0 $0xFFFFFFFF  }
0xb3: {  	s25 =	simm.s32 $0x1B8E;
	s24 =	sld [smem:$0x3FFE];
	[sflag:s4] =	ssyncadd.remote.s32 @!p0 $0x1  }
0xb4: {  	s26 =	simm.s32 $execute0_lowered;
	[smem:$0x3FD2] =	sst s25  }
0xb5: {  	s5 =	sshll.u32 s26, $0x1;
	_ =	strace $0x80000049;
	[dreg:$0x1] =	wrdreg $0xFFFFFFFF  }
0xb6: {  	s28 =	simm.s32 $_size_execute0_lowered;
	s3 =	sadd.s32 s3, s5;
	[dreg:$0x0] =	wrdreg $0x0  }
0xb7: {  	s5 =	sshll.u32 s28, $0x1;
	[dreg:$0x2] =	wrdreg s3  }
0xb8: {  	[dreg:$0x3] =	wrdreg s5  }
0xb9: {  	[dreg:$0x4] =	wrdreg $0xC0  }
0xba: {  	_ =	task [dreg:s22], $0x5FFFF  }
0xbb: {  	[dreg:$0x1] =	wrdreg $0xFFFFFFFF  }
0xbc: {  	[dreg:$0x0] =	wrdreg $0x60  }
0xbd: {  	[dreg:$0x2] =	wrdreg s24  }
0xbe: {  	[dreg:$0x3] =	wrdreg $0x9  }
0xbf: {  	_ =	task.clear_ibuf [dreg:s22], $0x4FFFF;
	_ =	strace $0x90000049  }
0xc0: {  	s29 =	simm.s32 $0x9;
	_ =	strace $0x8000004B  }
0xc1: {  	_ =	swait.ge [sflag:s29], $0x1  }
0xc2: {  	[sflag:s29] =	ssyncadd.s32 $0xFFFFFFFF  }
0xc3: {  	_ =	strace $0x9000004B  }
0xc4: {  	_ =	sfence  }
0xc5: {  	s30 =	sld [smem:$0x0];
	_ =	sdelay $0x2  }
0xc6: {  	s31 =	sshll.u32 s1, $0xD;
	s1 =	sshrl.u32 s1, $0x2  }
0xc7: {  	s4 =	sand.u32 $0x4000, s31;
	s1 =	sadd.s32 s1, s30  }
0xc8: {  	s0 =	sor.u32 s4, s0;
	s1 =	sshll.u32 s1, $0x11  }
0xc9: {  	s0 =	sor.u32 s1, s0  }
0xca: {  	s0 =	sadd.s32 $0x8F2B, s0  }
0xcb: {  	[sflag:s0] =	ssyncadd.remote.s32 $0x1  }
0xcc: {  	_ =	sfence.sel $0xFFFF  }
0xcd: {  	[dreg:$0x0] =	wrdreg $0xFFFFFFFF;
	(pc) =	sbr.abs _section_cstart, $3  }
0xce: {  	[dreg:$0x1] =	wrdreg $0xFFFFFFFF  }
0xcf: {  	_ =	task.clear_ibuf [dreg:s22], $0x2FFFF;
	_ =	strace $0x9FFFFFFF  }
0xd0: {  	(tm) =	ssettm $0x7FFFFFFF  }
0xd1: {  	_ =	shalt  }
tec
execute0_lowered:
.L_overlay_start_1:
0x0: {  	(tag) =	ssettag $0x1  }
0x1: {  	s4 =	rddreg [dreg:$0x0];
	s2 =	simm.s32 $0x0;
	s0 =	stileid.u32  }
0x2: {  	s5 =	srdreg.scid;
	s10 =	simm.s32 $0x1;
	s11 =	simm.s32 $0x200  }
0x3: {  	s12 =	simm.s32 $0x0;
	[smem:$0x7FF] =	sst s2;
	s3 =	sshll.u32 s0, $0x7  }
0x4: {  	s5 =	sand.u32 $0x1, s5;
	s6 =	sshll.u32 s0, $0x1;
	s3 =	sand.u32 $0x600, s3  }
0x5: {  	_ =	strace $0x8000004A;
	s6 =	sor.u32 s5, s6;
	s5 =	ssub.s32 $0x2, s5  }
0x6: {  	s7 =	sadd.s32 s3, s4;
	s3 =	sadd.s32 $0x1443A00, s4;
	s8 =	sshll.u32 s6, $0x4  }
0x7: {  	s6 =	sshll.u32 s6, $0xD;
	s9 =	sshrl.u32 s5, $0x1;
	s8 =	sand.u32 $0x70, s8  }
0x8: {  	s6 =	sadd.s32 s6, s4;
	s9 =	ssub.s32 s5, s9;
	s31 =	sadd.s32 s8, s7  }
0x9: {  	s5 =	sadd.s32 $0x2385E00, s6;
	s6 =	smax.u32 s9, $0x1;
	s7 =	simm.s32 $0x80  }
0xa: {  	s8 =	simm.s32 $0x400;
	s9 =	simm.s32 $0x2;
	s4 =	sadd.s32 $0x1443200, s31  }
.LBB2_1:
0xb: {  	[tilespmem:s2], [sflag:$0x2] =	stream.strided.gather [hbm4b:s4+s7], $0x200, s8, s7, $0x38;
	[tilespmem:$0x10200] =	vst v63  }
0xc: {  	_ =	swait.ge [sflag:s9], $0x200  }
0xd: {  	[sflag:s9] =	ssyncset.done $0x0  }
0xe: {  	[sflag:s9] =	ssyncadd.s32 $0xFFFFFE00  }
0xf: {  	v0 =	vld [tilespmem:s2+$0x0];
	_ =	sdelay $0x4  }
0x10: {  	v0 =	vshll.u32 v0, $0x4  }
0x11: {  	(v2sf) =	vpush v0, $0x0  }
0x12: {  	(v2sf) =	vpush v0, $0x1  }
0x13: {  	(v2sf) =	vpush v0, $0x2;
	_ =	sdelay $0x1  }
0x14: {  	(v2sf) =	vpush v0, $0x4;
	_ =	sdelay $0x1  }
0x15: {  	(v2sf) =	vpush v0, $0x3  }
0x16: {  	(v2sf) =	vpush v0, $0x5  }
0x17: {  	s14 =	simm.s32 $0x2000;
	s13 =	simm.s32 $0x0;
	s15 =	simm.s32 $0x0;
	(v2sf) =	vpush v0, $0x6  }
.LBB2_2:
0x18: {  	p0 =	sne.s32 s14, $0x3E000  }
0x19: {  	s25 =	sadd.s32 $0x280, s13;
	s19 =	sadd.s32 $0x780, s13;
	s16 =	smov.u32 s14  }
0x1a: {  	s14 =	sadd.s32 $0x2000, s14;
	s22 =	sadd.s32 $0x580, s13;
	s17 =	sadd.s32 $0x800, s13;
	(v2sf) =	vpush v0, $0x7  }
0x1b: {  	s24 =	sadd.s32 $0x480, s13;
	s21 =	sadd.s32 $0x600, s13;
	s18 =	sadd.s32 $0x880, s13  }
0x1c: {  	s26 =	sadd.s32 $0x200, s13;
	s28 =	sadd.s32 $0x400, s13;
	(v2sf) =	vpush v0, $0x8  }
0x1d: {  	s29 =	sadd.s32 $0x500, s13;
	s15 =	sadd.s32 $0x10, s15  }
0x1e: {  	s30 =	sadd.s32 $0x300, s13;
	s20 =	sadd.s32 $0x700, s13;
	s23 =	spop (v2sf);
	(v2sf) =	vpush v0, $0x9  }
0x1f: {  	s31 =	sand.u32 $0x1FFFFFF0, s23;
	s23 =	sadd.s32 $0x680, s13;
	s0 =	spop (v2sf)  }
0x20: {  	s31 =	sadd.s32 s3, s31;
	s0 =	sand.u32 $0x1FFFFFF0, s0;
	s1 =	spop (v2sf);
	(v2sf) =	vpush v0, $0xA  }
0x21: {  	[tilespmem:s26], [sflag:$0x1] =	stream.linear.gather [hbm4b:s31+s2], $0x80, $0x38;
	[tilespmem:$0x10200] =	vst v63  }
0x22: {  	s0 =	sadd.s32 s3, s0;
	s26 =	sadd.s32 $0x380, s13;
	s31 =	spop (v2sf);
	(v2sf) =	vpush v0, $0xB  }
0x23: {  	[tilespmem:s25], [sflag:$0x1] =	stream.linear.gather [hbm4b:s0+s2], $0x80, $0x38;
	[tilespmem:$0x10200] =	vst v63  }
0x24: {  	s0 =	sand.u32 $0x1FFFFFF0, s1;
	s1 =	sand.u32 $0x1FFFFFF0, s31;
	s25 =	spop (v2sf);
	(v2sf) =	vpush v0, $0xC  }
0x25: {  	s0 =	sadd.s32 s3, s0;
	s25 =	sand.u32 $0x1FFFFFF0, s25;
	s31 =	spop (v2sf)  }
0x26: {  	[tilespmem:s30], [sflag:$0x1] =	stream.linear.gather [hbm4b:s0+s2], $0x80, $0x38;
	(v2sf) =	vpush v0, $0xD;
	[tilespmem:$0x10200] =	vst v63  }
0x27: {  	s0 =	sadd.s32 s3, s25;
	s25 =	sand.u32 $0x1FFFFFF0, s31;
	s30 =	spop (v2sf)  }
0x28: {  	[tilespmem:s26], [sflag:$0x1] =	stream.linear.gather [hbm4b:s0+s2], $0x80, $0x38;
	(v2sf) =	vpush v0, $0xE;
	[tilespmem:$0x10200] =	vst v63  }
0x29: {  	s0 =	sadd.s32 s3, s1;
	s1 =	sand.u32 $0x1FFFFFF0, s30;
	s26 =	spop (v2sf)  }
0x2a: {  	[tilespmem:s28], [sflag:$0x1] =	stream.linear.gather [hbm4b:s0+s2], $0x80, $0x38;
	(v2sf) =	vpush v0, $0xF;
	[tilespmem:$0x10200] =	vst v63  }
0x2b: {  	s0 =	sadd.s32 s3, s25;
	s25 =	sand.u32 $0x1FFFFFF0, s26;
	s26 =	spop (v2sf)  }
0x2c: {  	[tilespmem:s24], [sflag:$0x1] =	stream.linear.gather [hbm4b:s0+s2], $0x80, $0x38;
	[tilespmem:$0x10200] =	vst v63  }
0x2d: {  	s0 =	sadd.s32 s3, s1;
	s1 =	sand.u32 $0x1FFFFFF0, s26;
	s24 =	spop (v2sf)  }
0x2e: {  	[tilespmem:s29], [sflag:$0x1] =	stream.linear.gather [hbm4b:s0+s2], $0x80, $0x38;
	[tilespmem:$0x10200] =	vst v63  }
0x2f: {  	s0 =	sadd.s32 s3, s25;
	s24 =	sand.u32 $0x1FFFFFF0, s24;
	s25 =	spop (v2sf)  }
0x30: {  	[tilespmem:s22], [sflag:$0x1] =	stream.linear.gather [hbm4b:s0+s2], $0x80, $0x38;
	[tilespmem:$0x10200] =	vst v63  }
0x31: {  	s0 =	sadd.s32 s3, s1;
	s1 =	sand.u32 $0x1FFFFFF0, s25;
	s22 =	spop (v2sf)  }
0x32: {  	[tilespmem:s21], [sflag:$0x1] =	stream.linear.gather [hbm4b:s0+s2], $0x80, $0x38;
	[tilespmem:$0x10200] =	vst v63  }
0x33: {  	s0 =	sadd.s32 s3, s24;
	s21 =	sand.u32 $0x1FFFFFF0, s22;
	s22 =	spop (v2sf)  }
0x34: {  	[tilespmem:s23], [sflag:$0x1] =	stream.linear.gather [hbm4b:s0+s2], $0x80, $0x38;
	[tilespmem:$0x10200] =	vst v63  }
0x35: {  	s0 =	sadd.s32 s3, s1;
	s1 =	sand.u32 $0x1FFFFFF0, s22;
	s22 =	spop (v2sf)  }
0x36: {  	[tilespmem:s20], [sflag:$0x1] =	stream.linear.gather [hbm4b:s0+s2], $0x80, $0x38;
	[tilespmem:$0x10200] =	vst v63  }
0x37: {  	s0 =	sadd.s32 s3, s21;
	s20 =	sand.u32 $0x1FFFFFF0, s22;
	s21 =	spop (v2sf)  }
0x38: {  	[tilespmem:s19], [sflag:$0x1] =	stream.linear.gather [hbm4b:s0+s2], $0x80, $0x38;
	[tilespmem:$0x10200] =	vst v63  }
0x39: {  	s0 =	sadd.s32 s3, s1;
	s1 =	sand.u32 $0x1FFFFFF0, s21;
	s19 =	spop (v2sf)  }
0x3a: {  	[tilespmem:s17], [sflag:$0x1] =	stream.linear.gather [hbm4b:s0+s2], $0x80, $0x38;
	[tilespmem:$0x10200] =	vst v63  }
0x3b: {  	s0 =	sadd.s32 s3, s20;
	s17 =	sand.u32 $0x1FFFFFF0, s19  }
0x3c: {  	[tilespmem:s18], [sflag:$0x1] =	stream.linear.gather [hbm4b:s0+s2], $0x80, $0x38;
	[tilespmem:$0x10200] =	vst v63  }
0x3d: {  	s1 =	sadd.s32 s3, s1;
	s0 =	sadd.s32 $0x900, s13  }
0x3e: {  	[tilespmem:s0], [sflag:$0x1] =	stream.linear.gather [hbm4b:s1+s2], $0x80, $0x38;
	[tilespmem:$0x10200] =	vst v63  }
0x3f: {  	s0 =	sadd.s32 $0x980, s13;
	s1 =	sadd.s32 s3, s17  }
0x40: {  	[tilespmem:s0], [sflag:$0x1] =	stream.linear.gather [hbm4b:s1+s2], $0x80, $0x38;
	[tilespmem:$0x10200] =	vst v63  }
0x41: {  	v0 =	vld [tilespmem:s15+$0x0];
	_ =	sdelay $0x4  }
0x42: {  	v0 =	vshll.u32 v0, $0x4  }
0x43: {  	(v2sf) =	vpush v0, $0x0  }
0x44: {  	(v2sf) =	vpush v0, $0x1  }
0x45: {  	(v2sf) =	vpush v0, $0x2;
	_ =	sdelay $0x1  }
0x46: {  	(v2sf) =	vpush v0, $0x4  }
.Ltmp0:
0x47: {  	(pc) =	sbr.rel @p0 .LBB2_2-.Ltmp0, $3  }
0x48: {  	(v2sf) =	vpush v0, $0x3  }
0x49: {  	(v2sf) =	vpush v0, $0x5;
	_ =	sdelay $0x1  }
0x4a: {  	s13 =	sshra.s32 s16, $0x2;
	(v2sf) =	vpush v0, $0x6  }
0x4b: {  	_ =	sdelay $0x1  }
0x4c: {  	s0 =	sadd.s32 $0x280, s13;
	s16 =	sadd.s32 $0x780, s13  }
0x4d: {  	s1 =	sadd.s32 $0x580, s13;
	s14 =	sadd.s32 $0x800, s13;
	(v2sf) =	vpush v0, $0x7;
	s17 =	sadd.s32 $0x480, s13  }
0x4e: {  	s18 =	sadd.s32 $0x600, s13;
	s15 =	sadd.s32 $0x880, s13;
	s19 =	sadd.s32 $0x200, s13  }
0x4f: {  	s20 =	sadd.s32 $0x400, s13;
	s21 =	sadd.s32 $0x500, s13;
	(v2sf) =	vpush v0, $0x8;
	s22 =	spop (v2sf)  }
0x50: {  	s23 =	sadd.s32 $0x300, s13;
	s22 =	sand.u32 $0x1FFFFFF0, s22;
	s24 =	spop (v2sf)  }
0x51: {  	(v2sf) =	vpush v0, $0x9;
	s22 =	sadd.s32 s3, s22;
	s24 =	sand.u32 $0x1FFFFFF0, s24;
	s25 =	spop (v2sf)  }
0x52: {  	[tilespmem:s19], [sflag:$0x1] =	stream.linear.gather [hbm4b:s22+s2], $0x80, $0x38;
	[tilespmem:$0x10200] =	vst v63  }
0x53: {  	(v2sf) =	vpush v0, $0xA;
	s26 =	sadd.s32 s3, s24;
	s29 =	sand.u32 $0x1FFFFFF0, s25;
	s28 =	spop (v2sf)  }
0x54: {  	[tilespmem:s0], [sflag:$0x1] =	stream.linear.gather [hbm4b:s26+s2], $0x80, $0x38;
	[tilespmem:$0x10200] =	vst v63  }
0x55: {  	s19 =	sadd.s32 $0x700, s13;
	(v2sf) =	vpush v0, $0xB;
	s22 =	sadd.s32 s3, s29;
	s30 =	spop (v2sf)  }
0x56: {  	s0 =	sadd.s32 $0x680, s13;
	s26 =	sadd.s32 $0x380, s13;
	s25 =	sand.u32 $0x1FFFFFF0, s30  }
0x57: {  	(v2sf) =	vpush v0, $0xC;
	[tilespmem:s23], [sflag:$0x1] =	stream.linear.gather [hbm4b:s22+s2], $0x80, $0x38;
	[tilespmem:$0x10200] =	vst v63  }
0x58: {  	s31 =	sand.u32 $0x1FFFFFF0, s28;
	s28 =	spop (v2sf);
	s29 =	sadd.s32 s3, s25  }
0x59: {  	(v2sf) =	vpush v0, $0xD;
	[tilespmem:s26], [sflag:$0x1] =	stream.linear.gather [hbm4b:s29+s2], $0x80, $0x38;
	[tilespmem:$0x10200] =	vst v63  }
0x5a: {  	s22 =	sadd.s32 s3, s31;
	s23 =	sand.u32 $0x1FFFFFF0, s28;
	s30 =	spop (v2sf)  }
0x5b: {  	(v2sf) =	vpush v0, $0xE;
	[tilespmem:s20], [sflag:$0x1] =	stream.linear.gather [hbm4b:s22+s2], $0x80, $0x38;
	[tilespmem:$0x10200] =	vst v63  }
0x5c: {  	s23 =	sadd.s32 s3, s23;
	s31 =	sand.u32 $0x1FFFFFF0, s30;
	s24 =	spop (v2sf)  }
0x5d: {  	(v2sf) =	vpush v0, $0xF;
	[tilespmem:s17], [sflag:$0x1] =	stream.linear.gather [hbm4b:s23+s2], $0x80, $0x38;
	[tilespmem:$0x10200] =	vst v63  }
0x5e: {  	s25 =	sand.u32 $0x1FFFFFF0, s24;
	s26 =	spop (v2sf);
	s20 =	sadd.s32 s3, s31  }
0x5f: {  	[tilespmem:s21], [sflag:$0x1] =	stream.linear.gather [hbm4b:s20+s2], $0x80, $0x38;
	[tilespmem:$0x10200] =	vst v63  }
0x60: {  	s28 =	sand.u32 $0x1FFFFFF0, s26;
	s17 =	sadd.s32 s3, s25;
	s29 =	spop (v2sf)  }
0x61: {  	[tilespmem:s1], [sflag:$0x1] =	stream.linear.gather [hbm4b:s17+s2], $0x80, $0x38;
	[tilespmem:$0x10200] =	vst v63  }
0x62: {  	s20 =	sadd.s32 s3, s28;
	s30 =	sand.u32 $0x1FFFFFF0, s29;
	s31 =	spop (v2sf)  }
0x63: {  	[tilespmem:s18], [sflag:$0x1] =	stream.linear.gather [hbm4b:s20+s2], $0x80, $0x38;
	[tilespmem:$0x10200] =	vst v63  }
0x64: {  	s17 =	sand.u32 $0x1FFFFFF0, s31;
	s1 =	sadd.s32 s3, s30;
	s20 =	spop (v2sf)  }
0x65: {  	[tilespmem:s0], [sflag:$0x1] =	stream.linear.gather [hbm4b:s1+s2], $0x80, $0x38;
	[tilespmem:$0x10200] =	vst v63  }
0x66: {  	s17 =	sadd.s32 s3, s17;
	s21 =	sand.u32 $0x1FFFFFF0, s20;
	s22 =	spop (v2sf)  }
0x67: {  	[tilespmem:s19], [sflag:$0x1] =	stream.linear.gather [hbm4b:s17+s2], $0x80, $0x38;
	[tilespmem:$0x10200] =	vst v63  }
0x68: {  	s0 =	sadd.s32 s3, s21;
	s1 =	sand.u32 $0x1FFFFFF0, s22;
	s23 =	spop (v2sf)  }
0x69: {  	[tilespmem:s16], [sflag:$0x1] =	stream.linear.gather [hbm4b:s0+s2], $0x80, $0x38;
	[tilespmem:$0x10200] =	vst v63  }
0x6a: {  	s24 =	sand.u32 $0x1FFFFFF0, s23;
	s1 =	sadd.s32 s3, s1;
	s25 =	spop (v2sf)  }
0x6b: {  	[tilespmem:s14], [sflag:$0x1] =	stream.linear.gather [hbm4b:s1+s2], $0x80, $0x38;
	[tilespmem:$0x10200] =	vst v63  }
0x6c: {  	s26 =	sand.u32 $0x1FFFFFF0, s25;
	s28 =	spop (v2sf);
	s0 =	sadd.s32 s3, s24  }
0x6d: {  	[tilespmem:s15], [sflag:$0x1] =	stream.linear.gather [hbm4b:s0+s2], $0x80, $0x38;
	[tilespmem:$0x10200] =	vst v63  }
0x6e: {  	s30 =	sadd.s32 $0x900, s13;
	s29 =	sand.u32 $0x1FFFFFF0, s28;
	s1 =	sadd.s32 s3, s26  }
0x6f: {  	[tilespmem:s30], [sflag:$0x1] =	stream.linear.gather [hbm4b:s1+s2], $0x80, $0x38;
	[tilespmem:$0x10200] =	vst v63  }
0x70: {  	s31 =	sadd.s32 $0x980, s13;
	s0 =	sadd.s32 s3, s29  }
0x71: {  	[tilespmem:s31], [sflag:$0x1] =	stream.linear.gather [hbm4b:s0+s2], $0x80, $0x38;
	[tilespmem:$0x10200] =	vst v63  }
0x72: {  	s12 =	sadd.s32 $0x1, s12;
	_ =	swait.ge [sflag:s10], $0x10000  }
0x73: {  	p0 =	sne.s32 s12, s6;
	[sflag:s10] =	ssyncset.done $0x0  }
.Ltmp1:
0x74: {  	[sflag:s10] =	ssyncadd.s32 $0xFFFF0000;
	(pc) =	sbr.rel @p0 .LBB2_1-.Ltmp1, $4  }
0x75: {  	[hbm4b:s5+s2] =	stream.linear.scatter [tilespmem:s11], [sflag:$0x2], $0x10000, $0x38;
	[tilespmem:$0x10200] =	vst v63  }
0x76: {  	_ =	swait.ge [sflag:s9], $0x10000  }
0x77: {  	[sflag:s9] =	ssyncset.done $0x0  }
0x78: {  	[sflag:s9] =	ssyncadd.s32 $0xFFFF0000  }
0x79: {  	_ =	sfence.sel $0x180000  }
0x7a: {  	[bflag:$0x0] =	sbarrier.arrive $0xFFFF  }
0x7b: {  	_ =	strace $0x9000004A  }
0x7c: {  	s0 =	stileid.u32;
	[bflag:$0x2] =	sbarrier.arrive $0xFFFF  }
0x7d: {  	p0 =	sne.s32 s0, $0x0;
	s0 =	rddreg [dreg:$0x1]  }
0x7e: {  	s0 =	sadd.s32 @!p0 $0x100000, s0  }
0x7f: {  	[sflag:s0] =	ssyncadd.tile.s32 @!p0 $0x1;
	_ =	shalt  }
.Lfunc_end2:
_tile_overlayer_lowered:
.L_overlay_start_2:
0x80: {  	(tag) =	ssettag $0x2  }
0x81: {  	s0 =	rddreg [dreg:$0x0];
	s2 =	stileid.u32  }
0x82: {  	s1 =	rddreg [dreg:$0x1];
	p0 =	sne.s32 s2, $0x0  }
0x83: {  	s3 =	rddreg [dreg:$0x2];
	[bflag:$0x3] =	sbarrier.arrive $0xFFFF;
	s2 =	simm.s32 @!p0 $0x1C02  }
0x84: {  	[timem:s3], [sflag:s2] =	dma.local @!p0 [hbm:s0], s1  }
0x85: {  	s0 =	simm.s32 @!p0 $0x2  }
0x86: {  	_ =	swait.ge @!p0 [sflag:s0], s1  }
0x87: {  	s1 =	ssub.s32 @!p0 $0x0, s1;
	[sflag:s0] =	ssyncset.done @!p0 $0x0  }
0x88: {  	[sflag:s0] =	ssyncadd.s32 @!p0 s1  }
0x89: {  	[bflag:$0x3] =	sbarrier.arrive $0xFFFF  }
0x8a: {  	_ =	shalt  }

// kernel: kernel.7.cloned.1.call-start
scs
__scs_entry_jumppad:
0x0: {  	(pc) =	sbr.rel $0x88, $3  }
0x1: {  	(tag) =	ssettag $0x0;
	lr =	simm.s32 $0x1  }
0x2: {  	[smem:$0x3F9D] =	sst lr;
	_ =	strace $0xD0000000  }
0x3: {  	_ = 	snop  }
0x4: {  	_ = 	snop  }
0x5: {  	_ = 	snop  }
0x6: {  	_ = 	snop  }
0x7: {  	_ = 	snop  }
__scs_overlays_trampoline_lowered:
0x8: {  	[smem:$0x3FAC] =	sst s0  }
0x9: {  	[smem:$0x3FAD] =	sst s1  }
0xa: {  	[smem:$0x3FAE] =	sst s2  }
0xb: {  	[smem:$0x3FAF] =	sst s3  }
0xc: {  	[smem:$0x3FB0] =	sst s4  }
0xd: {  	[smem:$0x3FB1] =	sst s5  }
0xe: {  	[smem:$0x3FB2] =	sst s6  }
0xf: {  	[smem:$0x3FB3] =	sst s7  }
0x10: {  	[smem:$0x3FB4] =	sst s8  }
0x11: {  	[smem:$0x3FB5] =	sst s9;
	s0 =	simm.s32 @!p0 $0x0  }
0x12: {  	s1 =	sld [smem:$0x3F9B];
	s0 =	simm.s32 @p0 $0x1  }
0x13: {  	[smem:$0x3FB6] =	sst s0;
	s0 =	simm.s32 @!p1 $0x0  }
0x14: {  	s2 =	sld [smem:$0x3F9A];
	s0 =	simm.s32 @p1 $0x1  }
0x15: {  	[smem:$0x3FB7] =	sst s0;
	s0 =	simm.s32 @!p2 $0x0  }
0x16: {  	s3 =	sld [smem:$0x3FDB];
	s0 =	simm.s32 @p2 $0x1  }
0x17: {  	s4 =	simm.s32 $0x1BF5;
	[smem:$0x3FB9] =	sst s0  }
0x18: {  	s0 =	sld [smem:$0x3F9C];
	_ =	swait.ge [sflag:s4], $0x0  }
0x19: {  	s7 =	sld [smem:$0x3F9D]  }
0x1a: {  	s8 =	sadd.s32 $0xFFFFE003, lr  }
0x1b: {  	s9 =	sadd.s32 $0xFFFFFEF7, lr;
	s5 =	simm.s32 $0xFFFFFFFF;
	p2 =	slt.u32 s8, $0xFFFFF086  }
0x1c: {  	p1 =	slt.u32 s9, $0xF7A;
	s5 =	simm.s32 @!p2 $0x0  }
0x1d: {  	s5 =	simm.s32 @p1 $0x1;
	p0 =	seq.s32 s7, s2  }
0x1e: {  	s7 =	smul.u32 @!p0 $0xF7A, s2;
	p2 =	seq.s32 @!p0 s5, $0x0  }
0x1f: {  	s9 =	smul.u32 $0xF7A, s1;
	s8 =	simm.s32 @!p0 $0x1BF5;
	p2 =	por !p2, p0  }
0x20: {  	[sflag:s8] =	ssyncset.s32 @!p0 $0xFFFFF086;
	s6 =	sadd.s32 @!p0 s3, s7;
	s7 =	simm.s32 @!p0 $0x108  }
0x21: {  	s3 =	sadd.s32 s3, s9;
	s6 =	sadd.s32 @!p0 $0x88, s6;
	s7 =	simm.s32 @p2 $0x1082  }
0x22: {  	[simem:s7], [sflag:s8] =	dma.local @!p0 [hbm:s6], $0xF7A  }
0x23: {  	s9 =	sor.u32 $0xD0000000, s2;
	s6 =	simm.s32 $0x108;
	_ =	swait.ge @!p0 [sflag:s8], $0x0  }
0x24: {  	s3 =	sadd.s32 $0x88, s3;
	s6 =	simm.s32 @!p1 $0x1082;
	[sflag:s4] =	ssyncset.s32 $0xFFFFF086  }
0x25: {  	[simem:s6], [sflag:s4] =	dma.local [hbm:s3], $0xF7A  }
0x26: {  	[smem:$0x3F9D] =	sst s1;
	(tag) =	ssettag s2;
	_ =	strace s9  }
0x27: {  	s1 =	sld [smem:$0x3FAD]  }
0x28: {  	s2 =	sld [smem:$0x3FAE]  }
0x29: {  	s4 =	sld [smem:$0x3FB0]  }
0x2a: {  	p0 =	seq.s32 s5, $0x0;
	s5 =	sld [smem:$0x3FB1]  }
0x2b: {  	s6 =	sld [smem:$0x3FB2]  }
0x2c: {  	s7 =	sld [smem:$0x3FB3]  }
0x2d: {  	s3 =	simm.s32 $0x108;
	s8 =	sld [smem:$0x3FB4]  }
0x2e: {  	s3 =	simm.s32 @!p0 $0x1082;
	s9 =	sld [smem:$0x3FB5]  }
0x2f: {  	lr =	sadd.s32 s0, s3;
	s0 =	sld [smem:$0x3FAC]  }
0x30: {  	s3 =	sld [smem:$0x3FAF]  }
0x31: {  	[smem:$0x3FB8] =	sst s10  }
0x32: {  	s10 =	sld [smem:$0x3FB6];
	_ =	sdelay $0x3  }
0x33: {  	p0 =	seq.s32 s10, $0x1;
	s10 =	sld [smem:$0x3FB8];
	_ =	sdelay $0x3  }
0x34: {  	[smem:$0x3FB8] =	sst s10  }
0x35: {  	s10 =	sld [smem:$0x3FB7];
	_ =	sdelay $0x3  }
0x36: {  	p1 =	seq.s32 s10, $0x1;
	s10 =	sld [smem:$0x3FB8];
	_ =	sdelay $0x3  }
0x37: {  	[smem:$0x3FB8] =	sst s10  }
0x38: {  	s10 =	sld [smem:$0x3FB9]  }
0x39: {  	_ = 	snop;
	(pc) =	sbr.ind lr, $3  }
0x3a: {  	_ = 	snop  }
0x3b: {  	_ = 	snop  }
0x3c: {  	p2 =	seq.s32 s10, $0x1;
	s10 =	sld [smem:$0x3FB8]  }
0x3d: {  	_ =	shalt  }
0x3e: {  	_ =	shalt  }
0x3f: {  	_ =	shalt  }
0x40: {  	_ =	shalt  }
0x41: {  	_ =	shalt  }
0x42: {  	_ =	shalt  }
0x43: {  	_ =	shalt  }
0x44: {  	_ =	shalt  }
0x45: {  	_ =	shalt  }
0x46: {  	_ =	shalt  }
0x47: {  	_ =	shalt  }
0x48: {  	_ =	shalt  }
0x49: {  	_ =	shalt  }
0x4a: {  	_ =	shalt  }
0x4b: {  	_ =	shalt  }
0x4c: {  	_ =	shalt  }
0x4d: {  	_ =	shalt  }
0x4e: {  	_ =	shalt  }
0x4f: {  	_ =	shalt  }
0x50: {  	_ =	shalt  }
0x51: {  	_ =	shalt  }
0x52: {  	_ =	shalt  }
0x53: {  	_ =	shalt  }
0x54: {  	_ =	shalt  }
0x55: {  	_ =	shalt  }
0x56: {  	_ =	shalt  }
0x57: {  	_ =	shalt  }
0x58: {  	_ =	shalt  }
0x59: {  	_ =	shalt  }
0x5a: {  	_ =	shalt  }
0x5b: {  	_ =	shalt  }
0x5c: {  	_ =	shalt  }
0x5d: {  	_ =	shalt  }
0x5e: {  	_ =	shalt  }
0x5f: {  	_ =	shalt  }
0x60: {  	_ =	shalt  }
0x61: {  	_ =	shalt  }
0x62: {  	_ =	shalt  }
0x63: {  	_ =	shalt  }
0x64: {  	_ =	shalt  }
0x65: {  	_ =	shalt  }
0x66: {  	_ =	shalt  }
0x67: {  	_ =	shalt  }
0x68: {  	_ =	shalt  }
0x69: {  	_ =	shalt  }
0x6a: {  	_ =	shalt  }
0x6b: {  	_ =	shalt  }
0x6c: {  	_ =	shalt  }
0x6d: {  	_ =	shalt  }
0x6e: {  	_ =	shalt  }
0x6f: {  	_ =	shalt  }
0x70: {  	_ =	shalt  }
0x71: {  	_ =	shalt  }
0x72: {  	_ =	shalt  }
0x73: {  	_ =	shalt  }
0x74: {  	_ =	shalt  }
0x75: {  	_ =	shalt  }
0x76: {  	_ =	shalt  }
0x77: {  	_ =	shalt  }
0x78: {  	_ =	shalt  }
0x79: {  	_ =	shalt  }
0x7a: {  	_ =	shalt  }
0x7b: {  	_ =	shalt  }
0x7c: {  	_ =	shalt  }
0x7d: {  	_ =	shalt  }
0x7e: {  	_ =	shalt  }
0x7f: {  	_ =	shalt  }
0x80: {  	_ =	shalt  }
0x81: {  	_ =	shalt  }
0x82: {  	_ =	shalt  }
0x83: {  	_ =	shalt  }
0x84: {  	_ =	shalt  }
0x85: {  	_ =	shalt  }
0x86: {  	_ =	shalt  }
0x87: {  	_ =	shalt  }
.Lfunc_end0:
.L_simem_size_0:
called_computation.2_lowered:
.L_overlay_start_0:
0x88: {  	s2 =	sld [smem:$0x3FD9]  }
0x89: {  	s3 =	sld [smem:$0x3FFE];
	_ =	sdelay $0x1  }
0x8a: {  	s1 =	srdreg.scid  }
0x8b: {  	s0 =	sand.u32 $0x1, s1  }
0x8c: {  	s14 =	sshll.u32 s0, $0xA;
	s2 =	sadd.s32 s3, s2  }
0x8d: {  	s2 =	sadd.s32 s2, s14  }
0x8e: {  	[smem:$0x3FC4] =	sst s2  }
0x8f: {  	_ = 	snop  }
0x90: {  	s2 =	sld [smem:$0x3FD0];
	_ =	sdelay $0x2  }
0x91: {  	s15 =	simm.s32 $0xB;
	s4 =	simm.s32 $0x10  }
0x92: {  	[smem:s4], [sflag:s15] =	dma.local [hbm:s2], $0x1  }
0x93: {  	_ =	swait.eq [sflag:s15], $0x1  }
0x94: {  	[sflag:s15] =	ssyncset.done $0x0  }
0x95: {  	[sflag:s15] =	ssyncadd.s32 $0xFFFFFFFF  }
0x96: {  	s16 =	sld [smem:$0x10];
	(tm) =	ssettm $0x1  }
0x97: {  	s17 =	sld [smem:$0x3FFB];
	_ =	sdelay $0x3  }
0x98: {  	_ =	strace s17  }
0x99: {  	s3 =	sld [smem:$0x3FFC];
	_ =	sdelay $0x3  }
0x9a: {  	_ =	strace s3  }
0x9b: {  	s3 =	sld [smem:$0x3FFD];
	_ =	sdelay $0x3  }
0x9c: {  	_ =	strace s3  }
0x9d: {  	_ =	strace $0x8FFFFFFF  }
0x9e: {  	s18 =	sld [smem:$0x3FDB];
	_ =	sdelay $0x1  }
0x9f: {  	s19 =	simm.s32 $_scs_section_size  }
0xa0: {  	s5 =	simm.s32 $_size__tile_overlayer_lowered;
	s6 =	simm.s32 $_tile_overlayer_lowered  }
0xa1: {  	s22 =	simm.s32 $0x1BFF;
	s21 =	sshll.u32 s6, $0x1;
	s3 =	sadd.s32 s19, s18  }
0xa2: {  	s7 =	simm.s32 $0x0;
	s20 =	sshll.u32 s5, $0x1;
	s5 =	sadd.s32 s21, s3  }
0xa3: {  	[timem:s7], [sflag:s22] =	dma.local [hbm:s5], s20  }
0xa4: {  	_ =	swait.ge [sflag:s22], s20  }
0xa5: {  	s4 =	ssub.s32 $0x0, s20;
	[sflag:s22] =	ssyncset.done $0x0  }
0xa6: {  	[sflag:s22] =	ssyncadd.s32 s4;
	_ =	sdelay $0x1  }
0xa7: {  	s23 =	simm.s32 $0x1B8B  }
0xa8: {  	_ =	swait.ge [sflag:s23], $0x1  }
0xa9: {  	[sflag:s23] =	ssyncset.done $0x0  }
0xaa: {  	s25 =	simm.s32 $0x1B8E;
	s24 =	sld [smem:$0x3FFE];
	[sflag:s23] =	ssyncadd.s32 $0xFFFFFFFF  }
0xab: {  	s26 =	simm.s32 $execute0_lowered;
	[smem:$0x3FD2] =	sst s25  }
0xac: {  	s5 =	sshll.u32 s26, $0x1;
	_ =	strace $0x80000046;
	[dreg:$0x1] =	wrdreg $0xFFFFFFFF  }
0xad: {  	s28 =	simm.s32 $_size_execute0_lowered;
	s3 =	sadd.s32 s3, s5;
	[dreg:$0x0] =	wrdreg $0x0  }
0xae: {  	s5 =	sshll.u32 s28, $0x1;
	[dreg:$0x2] =	wrdreg s3  }
0xaf: {  	[dreg:$0x3] =	wrdreg s5  }
0xb0: {  	[dreg:$0x4] =	wrdreg $0xC0  }
0xb1: {  	_ =	task [dreg:s7], $0x5FFFF  }
0xb2: {  	[dreg:$0x1] =	wrdreg $0xFFFFFFFF  }
0xb3: {  	[dreg:$0x0] =	wrdreg $0x60  }
0xb4: {  	[dreg:$0x2] =	wrdreg s16  }
0xb5: {  	[dreg:$0x3] =	wrdreg s24  }
0xb6: {  	[dreg:$0x4] =	wrdreg $0xA  }
0xb7: {  	_ =	task.clear_ibuf [dreg:s7], $0x5FFFF;
	_ =	strace $0x90000046  }
0xb8: {  	s29 =	simm.s32 $0xA;
	_ =	strace $0x80000048  }
0xb9: {  	_ =	swait.ge [sflag:s29], $0x1  }
0xba: {  	[sflag:s29] =	ssyncadd.s32 $0xFFFFFFFF  }
0xbb: {  	_ =	strace $0x90000048  }
0xbc: {  	_ =	sfence  }
0xbd: {  	s30 =	sld [smem:$0x0];
	_ =	sdelay $0x2  }
0xbe: {  	s31 =	sshll.u32 s1, $0xD;
	s1 =	sshrl.u32 s1, $0x2  }
0xbf: {  	s3 =	sand.u32 $0x4000, s31;
	s1 =	sadd.s32 s1, s30  }
0xc0: {  	s0 =	sor.u32 s3, s0;
	s1 =	sshll.u32 s1, $0x11  }
0xc1: {  	s0 =	sor.u32 s1, s0  }
0xc2: {  	s0 =	sadd.s32 $0x8F2B, s0  }
0xc3: {  	[sflag:s0] =	ssyncadd.remote.s32 $0x1  }
0xc4: {  	_ =	sfence.sel $0xFFFF  }
0xc5: {  	[dreg:$0x0] =	wrdreg $0xFFFFFFFF;
	(pc) =	sbr.abs _section_cstart, $3  }
0xc6: {  	[dreg:$0x1] =	wrdreg $0xFFFFFFFF  }
0xc7: {  	_ =	task.clear_ibuf [dreg:s7], $0x2FFFF;
	_ =	strace $0x9FFFFFFF  }
0xc8: {  	(tm) =	ssettm $0x7FFFFFFF  }
0xc9: {  	_ =	shalt  }
tec
execute0_lowered:
.L_overlay_start_1:
0x0: {  	(tag) =	ssettag $0x1  }
0x1: {  	s0 =	rddreg [dreg:$0x0]  }
0x2: {  	s1 =	rddreg [dreg:$0x1];
	s2 =	simm.s32 $0x0;
	s3 =	srdreg.scid  }
0x3: {  	s4 =	stileid.u32;
	[smem:$0x7FF] =	sst s2  }
0x4: {  	s6 =	sand.u32 $0x1, s3;
	s21 =	sshll.u32 s4, $0x1;
	s3 =	sadd.s32 $0xE00, s1  }
0x5: {  	s4 =	sshrl.u32 s4, $0x2;
	s5 =	sadd.s32 $0xF43200, s1;
	_ =	strace $0x80000047  }
0x6: {  	s7 =	sor.u32 s6, s21;
	s8 =	smul.u32 $0x14000, s4;
	s23 =	ssub.s32 $0x2, s6  }
0x7: {  	[dreg:$0x6] =	wrdreg s5;
	s9 =	sshll.u32 s7, $0x7;
	s22 =	smul.u32 $0x140000, s7  }
0x8: {  	s25 =	sshrl.u32 s23, $0x1;
	s7 =	smul.u32 $0x28000, s7;
	s24 =	sand.u32 $0x380, s9  }
0x9: {  	s1 =	ssub.s32 s23, s25;
	s6 =	sor.u32 s8, s24;
	[dreg:$0x5] =	wrdreg s22  }
0xa: {  	s26 =	sshrl.u32 s22, $0x3;
	s30 =	smax.u32 s1, $0x1;
	s6 =	sshrl.u32 s6, $0x3  }
0xb: {  	s8 =	sadd.s32 s5, s26;
	[dreg:$0xa] =	wrdreg s30;
	s0 =	sadd.s32 s0, s6  }
0xc: {  	s13 =	simm.s32 $0x3;
	s28 =	sadd.s32 $0x26000, s8;
	[dreg:$0x7] =	wrdreg s0  }
0xd: {  	s31 =	sadd.s32 s7, s5;
	s29 =	sadd.s32 $0x27000, s8;
	[dreg:$0x8] =	wrdreg s28  }
0xe: {  	s14 =	simm.s32 $0x1;
	[dreg:$0x9] =	wrdreg s29;
	s0 =	sadd.s32 $0x1000, s31  }
0xf: {  	s16 =	simm.s32 $0x2;
	s1 =	simm.s32 $0x0;
	[dreg:$0xb] =	wrdreg s0  }
.LBB2_1:
0x10: {  	[dreg:$0xc] =	wrdreg s1  }
0x11: {  	s0 =	rddreg [dreg:$0x7];
	s31 =	simm.s32 $0x80;
	s4 =	simm.s32 $0x400  }
0x12: {  	[tilespmem:s2], [sflag:$0x3] =	stream.strided.gather [hbm4b:s0+s31], $0x2800, s4, s31, $0x38;
	[tilespmem:$0x12800] =	vst v63  }
0x13: {  	_ =	swait.ge [sflag:s13], $0x2800  }
0x14: {  	[sflag:s13] =	ssyncset.done $0x0  }
0x15: {  	[sflag:s13] =	ssyncadd.s32 $0xFFFFD800  }
0x16: {  	v0 =	vld [tilespmem:s2+$0x0];
	_ =	sdelay $0x4  }
0x17: {  	v0 =	vshll.u32 v0, $0x4  }
0x18: {  	(v2sf) =	vpush v0, $0x0  }
0x19: {  	(v2sf) =	vpush v0, $0x1  }
0x1a: {  	(v2sf) =	vpush v0, $0x2;
	_ =	sdelay $0x1  }
0x1b: {  	(v2sf) =	vpush v0, $0x4;
	_ =	sdelay $0x1  }
0x1c: {  	(v2sf) =	vpush v0, $0x3  }
0x1d: {  	(v2sf) =	vpush v0, $0x5  }
0x1e: {  	s21 =	simm.s32 $0x2000;
	s20 =	simm.s32 $0x0;
	s22 =	simm.s32 $0x0;
	(v2sf) =	vpush v0, $0x6  }
.LBB2_2:
0x1f: {  	p0 =	sne.s32 s21, $0x1E000  }
0x20: {  	s8 =	sadd.s32 $0x2880, s20;
	s26 =	sadd.s32 $0x2D80, s20;
	s23 =	smov.u32 s21  }
0x21: {  	s21 =	sadd.s32 $0x2000, s21;
	s11 =	sadd.s32 $0x2B80, s20;
	s24 =	sadd.s32 $0x2E00, s20;
	(v2sf) =	vpush v0, $0x7  }
0x22: {  	s7 =	sadd.s32 $0x2A80, s20;
	s0 =	sadd.s32 $0x2C00, s20;
	s25 =	sadd.s32 $0x2E80, s20  }
0x23: {  	s12 =	sadd.s32 $0x2800, s20;
	s28 =	sadd.s32 $0x2A00, s20;
	(v2sf) =	vpush v0, $0x8  }
0x24: {  	s19 =	simm.s32 $0x0;
	s29 =	sadd.s32 $0x2B00, s20;
	s22 =	sadd.s32 $0x10, s22  }
0x25: {  	s30 =	sadd.s32 $0x2900, s20;
	s1 =	sadd.s32 $0x2D00, s20;
	s6 =	spop (v2sf);
	(v2sf) =	vpush v0, $0x9  }
0x26: {  	s31 =	sand.u32 $0x1FFFFFF0, s6;
	s6 =	sadd.s32 $0x2C80, s20;
	s9 =	spop (v2sf)  }
0x27: {  	s31 =	sadd.s32 s3, s31;
	s9 =	sand.u32 $0x1FFFFFF0, s9;
	s18 =	spop (v2sf);
	(v2sf) =	vpush v0, $0xA  }
0x28: {  	[tilespmem:s12], [sflag:$0x1] =	stream.linear.gather [hbm4b:s31+s19], $0x80, $0x38;
	[tilespmem:$0x12800] =	vst v63  }
0x29: {  	s9 =	sadd.s32 s3, s9;
	s12 =	sadd.s32 $0x2980, s20;
	s31 =	spop (v2sf);
	(v2sf) =	vpush v0, $0xB  }
0x2a: {  	[tilespmem:s8], [sflag:$0x1] =	stream.linear.gather [hbm4b:s9+s19], $0x80, $0x38;
	[tilespmem:$0x12800] =	vst v63  }
0x2b: {  	s8 =	sand.u32 $0x1FFFFFF0, s18;
	s9 =	sand.u32 $0x1FFFFFF0, s31;
	s18 =	spop (v2sf);
	(v2sf) =	vpush v0, $0xC  }
0x2c: {  	s8 =	sadd.s32 s3, s8;
	s18 =	sand.u32 $0x1FFFFFF0, s18;
	s31 =	spop (v2sf)  }
0x2d: {  	[tilespmem:s30], [sflag:$0x1] =	stream.linear.gather [hbm4b:s8+s19], $0x80, $0x38;
	(v2sf) =	vpush v0, $0xD;
	[tilespmem:$0x12800] =	vst v63  }
0x2e: {  	s8 =	sadd.s32 s3, s18;
	s18 =	sand.u32 $0x1FFFFFF0, s31;
	s30 =	spop (v2sf)  }
0x2f: {  	[tilespmem:s12], [sflag:$0x1] =	stream.linear.gather [hbm4b:s8+s19], $0x80, $0x38;
	(v2sf) =	vpush v0, $0xE;
	[tilespmem:$0x12800] =	vst v63  }
0x30: {  	s8 =	sadd.s32 s3, s9;
	s9 =	sand.u32 $0x1FFFFFF0, s30;
	s12 =	spop (v2sf)  }
0x31: {  	[tilespmem:s28], [sflag:$0x1] =	stream.linear.gather [hbm4b:s8+s19], $0x80, $0x38;
	(v2sf) =	vpush v0, $0xF;
	[tilespmem:$0x12800] =	vst v63  }
0x32: {  	s8 =	sadd.s32 s3, s18;
	s12 =	sand.u32 $0x1FFFFFF0, s12;
	s18 =	spop (v2sf)  }
0x33: {  	[tilespmem:s7], [sflag:$0x1] =	stream.linear.gather [hbm4b:s8+s19], $0x80, $0x38;
	[tilespmem:$0x12800] =	vst v63  }
0x34: {  	s7 =	sadd.s32 s3, s9;
	s8 =	sand.u32 $0x1FFFFFF0, s18;
	s9 =	spop (v2sf)  }
0x35: {  	[tilespmem:s29], [sflag:$0x1] =	stream.linear.gather [hbm4b:s7+s19], $0x80, $0x38;
	[tilespmem:$0x12800] =	vst v63  }
0x36: {  	s7 =	sadd.s32 s3, s12;
	s9 =	sand.u32 $0x1FFFFFF0, s9;
	s12 =	spop (v2sf)  }
0x37: {  	[tilespmem:s11], [sflag:$0x1] =	stream.linear.gather [hbm4b:s7+s19], $0x80, $0x38;
	[tilespmem:$0x12800] =	vst v63  }
0x38: {  	s7 =	sadd.s32 s3, s8;
	s8 =	sand.u32 $0x1FFFFFF0, s12;
	s11 =	spop (v2sf)  }
0x39: {  	[tilespmem:s0], [sflag:$0x1] =	stream.linear.gather [hbm4b:s7+s19], $0x80, $0x38;
	[tilespmem:$0x12800] =	vst v63  }
0x3a: {  	s0 =	sadd.s32 s3, s9;
	s7 =	sand.u32 $0x1FFFFFF0, s11;
	s9 =	spop (v2sf)  }
0x3b: {  	[tilespmem:s6], [sflag:$0x1] =	stream.linear.gather [hbm4b:s0+s19], $0x80, $0x38;
	[tilespmem:$0x12800] =	vst v63  }
0x3c: {  	s0 =	sadd.s32 s3, s8;
	s6 =	sand.u32 $0x1FFFFFF0, s9;
	s8 =	spop (v2sf)  }
0x3d: {  	[tilespmem:s1], [sflag:$0x1] =	stream.linear.gather [hbm4b:s0+s19], $0x80, $0x38;
	[tilespmem:$0x12800] =	vst v63  }
0x3e: {  	s0 =	sadd.s32 s3, s7;
	s1 =	sand.u32 $0x1FFFFFF0, s8;
	s7 =	spop (v2sf)  }
0x3f: {  	[tilespmem:s26], [sflag:$0x1] =	stream.linear.gather [hbm4b:s0+s19], $0x80, $0x38;
	[tilespmem:$0x12800] =	vst v63  }
0x40: {  	s0 =	sadd.s32 s3, s6;
	s6 =	sand.u32 $0x1FFFFFF0, s7;
	s7 =	spop (v2sf)  }
0x41: {  	[tilespmem:s24], [sflag:$0x1] =	stream.linear.gather [hbm4b:s0+s19], $0x80, $0x38;
	[tilespmem:$0x12800] =	vst v63  }
0x42: {  	s0 =	sadd.s32 s3, s1;
	s1 =	sand.u32 $0x1FFFFFF0, s7  }
0x43: {  	[tilespmem:s25], [sflag:$0x1] =	stream.linear.gather [hbm4b:s0+s19], $0x80, $0x38;
	[tilespmem:$0x12800] =	vst v63  }
0x44: {  	s6 =	sadd.s32 s3, s6;
	s0 =	sadd.s32 $0x2F00, s20  }
0x45: {  	[tilespmem:s0], [sflag:$0x1] =	stream.linear.gather [hbm4b:s6+s19], $0x80, $0x38;
	[tilespmem:$0x12800] =	vst v63  }
0x46: {  	s1 =	sadd.s32 s3, s1;
	s0 =	sadd.s32 $0x2F80, s20  }
0x47: {  	[tilespmem:s0], [sflag:$0x1] =	stream.linear.gather [hbm4b:s1+s19], $0x80, $0x38;
	[tilespmem:$0x12800] =	vst v63  }
0x48: {  	v0 =	vld [tilespmem:s22+$0x0];
	_ =	sdelay $0x4  }
0x49: {  	v0 =	vshll.u32 v0, $0x4  }
0x4a: {  	(v2sf) =	vpush v0, $0x0  }
0x4b: {  	(v2sf) =	vpush v0, $0x1  }
0x4c: {  	(v2sf) =	vpush v0, $0x2;
	_ =	sdelay $0x1  }
0x4d: {  	(v2sf) =	vpush v0, $0x4  }
.Ltmp0:
0x4e: {  	(pc) =	sbr.rel @p0 .LBB2_2-.Ltmp0, $3  }
0x4f: {  	(v2sf) =	vpush v0, $0x3  }
0x50: {  	(v2sf) =	vpush v0, $0x5;
	_ =	sdelay $0x1  }
0x51: {  	s20 =	sshra.s32 s23, $0x2;
	(v2sf) =	vpush v0, $0x6  }
0x52: {  	_ =	sdelay $0x1  }
0x53: {  	s7 =	sadd.s32 $0x2880, s20;
	s6 =	sadd.s32 $0x2D80, s20  }
0x54: {  	s8 =	sadd.s32 $0x2B80, s20;
	s0 =	sadd.s32 $0x2E00, s20;
	(v2sf) =	vpush v0, $0x7;
	s9 =	sadd.s32 $0x2A80, s20  }
0x55: {  	s11 =	sadd.s32 $0x2C00, s20;
	s1 =	sadd.s32 $0x2E80, s20;
	s12 =	sadd.s32 $0x2800, s20  }
0x56: {  	s18 =	sadd.s32 $0x2A00, s20;
	s21 =	sadd.s32 $0x2B00, s20;
	(v2sf) =	vpush v0, $0x8;
	s22 =	spop (v2sf)  }
0x57: {  	s23 =	sadd.s32 $0x2900, s20;
	s22 =	sand.u32 $0x1FFFFFF0, s22;
	s24 =	spop (v2sf)  }
0x58: {  	(v2sf) =	vpush v0, $0x9;
	s22 =	sadd.s32 s3, s22;
	s24 =	sand.u32 $0x1FFFFFF0, s24;
	s25 =	spop (v2sf)  }
0x59: {  	[tilespmem:s12], [sflag:$0x1] =	stream.linear.gather [hbm4b:s22+s19], $0x80, $0x38;
	[tilespmem:$0x12800] =	vst v63  }
0x5a: {  	s26 =	sadd.s32 $0x2980, s20;
	(v2sf) =	vpush v0, $0xA;
	s31 =	sadd.s32 s3, s24;
	s4 =	spop (v2sf)  }
0x5b: {  	[tilespmem:s7], [sflag:$0x1] =	stream.linear.gather [hbm4b:s31+s19], $0x80, $0x38;
	[tilespmem:$0x12800] =	vst v63  }
0x5c: {  	s12 =	sadd.s32 $0x2D00, s20;
	s5 =	sand.u32 $0x1FFFFFF0, s25;
	(v2sf) =	vpush v0, $0xB;
	s10 =	spop (v2sf)  }
0x5d: {  	s22 =	sadd.s32 s3, s5;
	s7 =	sadd.s32 $0x2C80, s20;
	s25 =	sand.u32 $0x1FFFFFF0, s10  }
0x5e: {  	(v2sf) =	vpush v0, $0xC;
	[tilespmem:s23], [sflag:$0x1] =	stream.linear.gather [hbm4b:s22+s19], $0x80, $0x38;
	[tilespmem:$0x12800] =	vst v63  }
0x5f: {  	s15 =	sand.u32 $0x1FFFFFF0, s4;
	s17 =	spop (v2sf);
	s25 =	sadd.s32 s3, s25  }
0x60: {  	(v2sf) =	vpush v0, $0xD;
	[tilespmem:s26], [sflag:$0x1] =	stream.linear.gather [hbm4b:s25+s19], $0x80, $0x38;
	[tilespmem:$0x12800] =	vst v63  }
0x61: {  	s22 =	sadd.s32 s3, s15;
	s23 =	sand.u32 $0x1FFFFFF0, s17;
	s26 =	spop (v2sf)  }
0x62: {  	(v2sf) =	vpush v0, $0xE;
	[tilespmem:s18], [sflag:$0x1] =	stream.linear.gather [hbm4b:s22+s19], $0x80, $0x38;
	[tilespmem:$0x12800] =	vst v63  }
0x63: {  	s23 =	sadd.s32 s3, s23;
	s28 =	sand.u32 $0x1FFFFFF0, s26;
	s29 =	spop (v2sf)  }
0x64: {  	(v2sf) =	vpush v0, $0xF;
	[tilespmem:s9], [sflag:$0x1] =	stream.linear.gather [hbm4b:s23+s19], $0x80, $0x38;
	[tilespmem:$0x12800] =	vst v63  }
0x65: {  	s30 =	sand.u32 $0x1FFFFFF0, s29;
	s31 =	spop (v2sf);
	s18 =	sadd.s32 s3, s28  }
0x66: {  	[tilespmem:s21], [sflag:$0x1] =	stream.linear.gather [hbm4b:s18+s19], $0x80, $0x38;
	[tilespmem:$0x12800] =	vst v63  }
0x67: {  	s4 =	sand.u32 $0x1FFFFFF0, s31;
	s9 =	sadd.s32 s3, s30;
	s5 =	spop (v2sf)  }
0x68: {  	[tilespmem:s8], [sflag:$0x1] =	stream.linear.gather [hbm4b:s9+s19], $0x80, $0x38;
	[tilespmem:$0x12800] =	vst v63  }
0x69: {  	s18 =	sadd.s32 s3, s4;
	s10 =	sand.u32 $0x1FFFFFF0, s5;
	s15 =	spop (v2sf)  }
0x6a: {  	[tilespmem:s11], [sflag:$0x1] =	stream.linear.gather [hbm4b:s18+s19], $0x80, $0x38;
	[tilespmem:$0x12800] =	vst v63  }
0x6b: {  	s9 =	sand.u32 $0x1FFFFFF0, s15;
	s8 =	sadd.s32 s3, s10;
	s17 =	spop (v2sf)  }
0x6c: {  	[tilespmem:s7], [sflag:$0x1] =	stream.linear.gather [hbm4b:s8+s19], $0x80, $0x38;
	[tilespmem:$0x12800] =	vst v63  }
0x6d: {  	s9 =	sadd.s32 s3, s9;
	s18 =	sand.u32 $0x1FFFFFF0, s17;
	s21 =	spop (v2sf)  }
0x6e: {  	[tilespmem:s12], [sflag:$0x1] =	stream.linear.gather [hbm4b:s9+s19], $0x80, $0x38;
	[tilespmem:$0x12800] =	vst v63  }
0x6f: {  	s7 =	sadd.s32 s3, s18;
	s8 =	sand.u32 $0x1FFFFFF0, s21;
	s22 =	spop (v2sf)  }
0x70: {  	[tilespmem:s6], [sflag:$0x1] =	stream.linear.gather [hbm4b:s7+s19], $0x80, $0x38;
	[tilespmem:$0x12800] =	vst v63  }
0x71: {  	s23 =	sand.u32 $0x1FFFFFF0, s22;
	s8 =	sadd.s32 s3, s8;
	s24 =	spop (v2sf)  }
0x72: {  	[tilespmem:s0], [sflag:$0x1] =	stream.linear.gather [hbm4b:s8+s19], $0x80, $0x38;
	[tilespmem:$0x12800] =	vst v63  }
0x73: {  	s25 =	sand.u32 $0x1FFFFFF0, s24;
	s26 =	spop (v2sf);
	s6 =	sadd.s32 s3, s23  }
0x74: {  	[tilespmem:s1], [sflag:$0x1] =	stream.linear.gather [hbm4b:s6+s19], $0x80, $0x38;
	[tilespmem:$0x12800] =	vst v63  }
0x75: {  	s29 =	sadd.s32 $0x2F00, s20;
	s28 =	sand.u32 $0x1FFFFFF0, s26;
	s0 =	sadd.s32 s3, s25  }
0x76: {  	[tilespmem:s29], [sflag:$0x1] =	stream.linear.gather [hbm4b:s0+s19], $0x80, $0x38;
	[tilespmem:$0x12800] =	vst v63  }
0x77: {  	s31 =	sand.u32 $0xF0, s19;
	s30 =	sadd.s32 $0x2F80, s20;
	s1 =	sadd.s32 s3, s28  }
0x78: {  	[tilespmem:s30], [sflag:$0x1] =	stream.linear.gather [hbm4b:s1+s19], $0x80, $0x38;
	[tilespmem:$0x12800] =	vst v63  }
0x79: {  	v0 =	vld [tilespmem:s31+$0x100];
	_ =	sdelay $0x4  }
0x7a: {  	v0 =	vshll.u32 v0, $0x4  }
0x7b: {  	(v2sf) =	vpush v0, $0x0  }
0x7c: {  	(v2sf) =	vpush v0, $0x2  }
0x7d: {  	(v2sf) =	vpush v0, $0x1;
	_ =	sdelay $0x1  }
0x7e: {  	(v2sf) =	vpush v0, $0x3  }
0x7f: {  	(v2sf) =	vpush v0, $0x4;
	_ =	sdelay $0x2  }
0x80: {  	s20 =	simm.s32 $0x2000;
	s21 =	simm.s32 $0x0;
	s22 =	simm.s32 $0x10  }
.LBB2_4:
0x81: {  	p0 =	sne.s32 s20, $0x1E000;
	(v2sf) =	vpush v0, $0x5;
	s0 =	smov.u32 s20;
	s20 =	sadd.s32 $0x2000, s20  }
0x82: {  	s23 =	sshra.s32 s21, $0x2;
	s21 =	smov.u32 s0  }
0x83: {  	s7 =	sadd.s32 $0xA880, s23;
	(v2sf) =	vpush v0, $0x6  }
0x84: {  	s8 =	sadd.s32 $0xA800, s23  }
0x85: {  	s26 =	sadd.s32 $0xAD80, s23;
	s25 =	sadd.s32 $0xAE00, s23;
	s24 =	sadd.s32 $0xAE80, s23;
	(v2sf) =	vpush v0, $0x7  }
0x86: {  	s11 =	sadd.s32 $0xAC00, s23;
	s1 =	sadd.s32 $0xAC80, s23;
	s0 =	sadd.s32 $0xAD00, s23  }
0x87: {  	s9 =	sadd.s32 $0xAB00, s23;
	s6 =	sadd.s32 $0xAB80, s23;
	s12 =	spop (v2sf);
	(v2sf) =	vpush v0, $0x8  }
0x88: {  	s18 =	sadd.s32 $0xA900, s23;
	s12 =	sand.u32 $0x1FFFFFF0, s12;
	s28 =	spop (v2sf)  }
0x89: {  	s29 =	sadd.s32 $0xAA80, s23;
	s12 =	sadd.s32 s3, s12;
	s30 =	spop (v2sf);
	(v2sf) =	vpush v0, $0x9  }
0x8a: {  	[tilespmem:s8], [sflag:$0x2] =	stream.linear.gather [hbm4b:s12+s19], $0x80, $0x38;
	[tilespmem:$0x12800] =	vst v63  }
0x8b: {  	s8 =	sand.u32 $0x1FFFFFF0, s30;
	s12 =	sand.u32 $0x1FFFFFF0, s28;
	s28 =	spop (v2sf);
	(v2sf) =	vpush v0, $0xA  }
0x8c: {  	s30 =	sadd.s32 $0xAA00, s23;
	s8 =	sadd.s32 s3, s8;
	s31 =	spop (v2sf)  }
0x8d: {  	[tilespmem:s7], [sflag:$0x2] =	stream.linear.gather [hbm4b:s8+s19], $0x80, $0x38;
	(v2sf) =	vpush v0, $0xB;
	[tilespmem:$0x12800] =	vst v63  }
0x8e: {  	s7 =	sadd.s32 s3, s12;
	s8 =	sand.u32 $0x1FFFFFF0, s28;
	s12 =	sand.u32 $0x1FFFFFF0, s31  }
0x8f: {  	[tilespmem:s18], [sflag:$0x2] =	stream.linear.gather [hbm4b:s7+s19], $0x80, $0x38;
	(v2sf) =	vpush v0, $0xC;
	[tilespmem:$0x12800] =	vst v63  }
0x90: {  	s8 =	sadd.s32 s3, s8;
	s7 =	sadd.s32 $0xA980, s23;
	s18 =	spop (v2sf)  }
0x91: {  	[tilespmem:s7], [sflag:$0x2] =	stream.linear.gather [hbm4b:s8+s19], $0x80, $0x38;
	(v2sf) =	vpush v0, $0xD;
	[tilespmem:$0x12800] =	vst v63  }
0x92: {  	s7 =	sadd.s32 s3, s12;
	s8 =	sand.u32 $0x1FFFFFF0, s18;
	s12 =	spop (v2sf)  }
0x93: {  	[tilespmem:s30], [sflag:$0x2] =	stream.linear.gather [hbm4b:s7+s19], $0x80, $0x38;
	(v2sf) =	vpush v0, $0xE;
	[tilespmem:$0x12800] =	vst v63  }
0x94: {  	s7 =	sadd.s32 s3, s8;
	s8 =	sand.u32 $0x1FFFFFF0, s12;
	s12 =	spop (v2sf)  }
0x95: {  	[tilespmem:s29], [sflag:$0x2] =	stream.linear.gather [hbm4b:s7+s19], $0x80, $0x38;
	(v2sf) =	vpush v0, $0xF;
	[tilespmem:$0x12800] =	vst v63  }
0x96: {  	s7 =	sadd.s32 s3, s8;
	s8 =	sand.u32 $0x1FFFFFF0, s12;
	s12 =	spop (v2sf)  }
0x97: {  	[tilespmem:s9], [sflag:$0x2] =	stream.linear.gather [hbm4b:s7+s19], $0x80, $0x38;
	[tilespmem:$0x12800] =	vst v63  }
0x98: {  	s7 =	sadd.s32 s3, s8;
	s8 =	sand.u32 $0x1FFFFFF0, s12;
	s9 =	spop (v2sf)  }
0x99: {  	[tilespmem:s6], [sflag:$0x2] =	stream.linear.gather [hbm4b:s7+s19], $0x80, $0x38;
	[tilespmem:$0x12800] =	vst v63  }
0x9a: {  	s6 =	sadd.s32 s3, s8;
	s7 =	sand.u32 $0x1FFFFFF0, s9;
	s8 =	spop (v2sf)  }
0x9b: {  	[tilespmem:s11], [sflag:$0x2] =	stream.linear.gather [hbm4b:s6+s19], $0x80, $0x38;
	[tilespmem:$0x12800] =	vst v63  }
0x9c: {  	s6 =	sadd.s32 s3, s7;
	s7 =	sand.u32 $0x1FFFFFF0, s8;
	s8 =	spop (v2sf)  }
0x9d: {  	[tilespmem:s1], [sflag:$0x2] =	stream.linear.gather [hbm4b:s6+s19], $0x80, $0x38;
	[tilespmem:$0x12800] =	vst v63  }
0x9e: {  	s1 =	sadd.s32 s3, s7;
	s6 =	sand.u32 $0x1FFFFFF0, s8;
	s7 =	spop (v2sf)  }
0x9f: {  	[tilespmem:s0], [sflag:$0x2] =	stream.linear.gather [hbm4b:s1+s19], $0x80, $0x38;
	[tilespmem:$0x12800] =	vst v63  }
0xa0: {  	s0 =	sadd.s32 s3, s6;
	s1 =	sand.u32 $0x1FFFFFF0, s7;
	s6 =	spop (v2sf)  }
0xa1: {  	[tilespmem:s26], [sflag:$0x2] =	stream.linear.gather [hbm4b:s0+s19], $0x80, $0x38;
	[tilespmem:$0x12800] =	vst v63  }
0xa2: {  	s0 =	sadd.s32 s3, s1;
	s1 =	sand.u32 $0x1FFFFFF0, s6;
	s6 =	spop (v2sf)  }
0xa3: {  	[tilespmem:s25], [sflag:$0x2] =	stream.linear.gather [hbm4b:s0+s19], $0x80, $0x38;
	[tilespmem:$0x12800] =	vst v63  }
0xa4: {  	s0 =	sadd.s32 s3, s1;
	s1 =	sand.u32 $0x1FFFFFF0, s6;
	s6 =	spop (v2sf)  }
0xa5: {  	[tilespmem:s24], [sflag:$0x2] =	stream.linear.gather [hbm4b:s0+s19], $0x80, $0x38;
	[tilespmem:$0x12800] =	vst v63  }
0xa6: {  	s1 =	sadd.s32 s3, s1;
	s0 =	sadd.s32 $0xAF00, s23;
	s6 =	sand.u32 $0x1FFFFFF0, s6  }
0xa7: {  	[tilespmem:s0], [sflag:$0x2] =	stream.linear.gather [hbm4b:s1+s19], $0x80, $0x38;
	[tilespmem:$0x12800] =	vst v63  }
0xa8: {  	s6 =	sadd.s32 s3, s6;
	s0 =	sand.u32 $0xF0, s22;
	s1 =	sadd.s32 $0xAF80, s23  }
0xa9: {  	[tilespmem:s1], [sflag:$0x2] =	stream.linear.gather [hbm4b:s6+s19], $0x80, $0x38;
	[tilespmem:$0x12800] =	vst v63  }
0xaa: {  	v0 =	vld [tilespmem:s0+$0x100];
	_ =	sdelay $0x4  }
0xab: {  	v0 =	vshll.u32 v0, $0x4  }
0xac: {  	(v2sf) =	vpush v0, $0x0  }
0xad: {  	(v2sf) =	vpush v0, $0x2  }
0xae: {  	(v2sf) =	vpush v0, $0x1;
	_ =	sdelay $0x1  }
.Ltmp1:
0xaf: {  	(v2sf) =	vpush v0, $0x3;
	(pc) =	sbr.rel @p0 .LBB2_4-.Ltmp1, $2  }
0xb0: {  	(v2sf) =	vpush v0, $0x4;
	_ =	sdelay $0x2  }
0xb1: {  	s22 =	sadd.s32 $0x10, s22  }
0xb2: {  	(v2sf) =	vpush v0, $0x5;
	_ =	sdelay $0x1  }
0xb3: {  	s0 =	sshra.s32 s21, $0x2;
	(v2sf) =	vpush v0, $0x6  }
0xb4: {  	s7 =	sadd.s32 $0xA880, s0;
	s8 =	sadd.s32 $0xA800, s0  }
0xb5: {  	s11 =	sadd.s32 $0xAD80, s0;
	s6 =	sadd.s32 $0xAE00, s0;
	s1 =	sadd.s32 $0xAE80, s0;
	(v2sf) =	vpush v0, $0x7  }
0xb6: {  	s9 =	sadd.s32 $0xAC00, s0;
	s12 =	sadd.s32 $0xAC80, s0;
	s18 =	sadd.s32 $0xAD00, s0  }
0xb7: {  	s20 =	sadd.s32 $0xAB00, s0;
	s21 =	sadd.s32 $0xAB80, s0;
	s22 =	spop (v2sf);
	(v2sf) =	vpush v0, $0x8  }
0xb8: {  	s23 =	sadd.s32 $0xA900, s0;
	s22 =	sand.u32 $0x1FFFFFF0, s22;
	s24 =	spop (v2sf)  }
0xb9: {  	s25 =	sadd.s32 $0xAA80, s0;
	s22 =	sadd.s32 s3, s22;
	s26 =	spop (v2sf);
	(v2sf) =	vpush v0, $0x9  }
0xba: {  	[tilespmem:s8], [sflag:$0x2] =	stream.linear.gather [hbm4b:s22+s19], $0x80, $0x38;
	[tilespmem:$0x12800] =	vst v63  }
0xbb: {  	s17 =	sadd.s32 $0xAA00, s0;
	s5 =	sand.u32 $0x1FFFFFF0, s26;
	s15 =	spop (v2sf);
	(v2sf) =	vpush v0, $0xA  }
0xbc: {  	s10 =	sand.u32 $0x1FFFFFF0, s24;
	s8 =	sadd.s32 s3, s5;
	s28 =	spop (v2sf)  }
0xbd: {  	[tilespmem:s7], [sflag:$0x2] =	stream.linear.gather [hbm4b:s8+s19], $0x80, $0x38;
	(v2sf) =	vpush v0, $0xB;
	[tilespmem:$0x12800] =	vst v63  }
0xbe: {  	s29 =	sadd.s32 $0xA980, s0;
	s22 =	sadd.s32 s3, s10;
	s24 =	sand.u32 $0x1FFFFFF0, s15  }
0xbf: {  	(v2sf) =	vpush v0, $0xC;
	[tilespmem:s23], [sflag:$0x2] =	stream.linear.gather [hbm4b:s22+s19], $0x80, $0x38;
	[tilespmem:$0x12800] =	vst v63  }
0xc0: {  	s28 =	sand.u32 $0x1FFFFFF0, s28;
	s8 =	sadd.s32 s3, s24;
	s30 =	spop (v2sf)  }
0xc1: {  	[tilespmem:s29], [sflag:$0x2] =	stream.linear.gather [hbm4b:s8+s19], $0x80, $0x38;
	(v2sf) =	vpush v0, $0xD;
	[tilespmem:$0x12800] =	vst v63  }
0xc2: {  	s31 =	sadd.s32 s3, s28;
	s4 =	sand.u32 $0x1FFFFFF0, s30;
	s5 =	spop (v2sf)  }
0xc3: {  	(v2sf) =	vpush v0, $0xE;
	[tilespmem:s17], [sflag:$0x2] =	stream.linear.gather [hbm4b:s31+s19], $0x80, $0x38;
	[tilespmem:$0x12800] =	vst v63  }
0xc4: {  	s8 =	sadd.s32 s3, s4;
	s10 =	sand.u32 $0x1FFFFFF0, s5;
	s15 =	spop (v2sf)  }
0xc5: {  	(v2sf) =	vpush v0, $0xF;
	[tilespmem:s25], [sflag:$0x2] =	stream.linear.gather [hbm4b:s8+s19], $0x80, $0x38;
	[tilespmem:$0x12800] =	vst v63  }
0xc6: {  	s17 =	sadd.s32 s3, s10;
	s22 =	sand.u32 $0x1FFFFFF0, s15;
	s23 =	spop (v2sf)  }
0xc7: {  	[tilespmem:s20], [sflag:$0x2] =	stream.linear.gather [hbm4b:s17+s19], $0x80, $0x38;
	[tilespmem:$0x12800] =	vst v63  }
0xc8: {  	s24 =	sadd.s32 s3, s22;
	s25 =	sand.u32 $0x1FFFFFF0, s23;
	s26 =	spop (v2sf)  }
0xc9: {  	[tilespmem:s21], [sflag:$0x2] =	stream.linear.gather [hbm4b:s24+s19], $0x80, $0x38;
	[tilespmem:$0x12800] =	vst v63  }
0xca: {  	s28 =	sadd.s32 s3, s25;
	s29 =	sand.u32 $0x1FFFFFF0, s26;
	s30 =	spop (v2sf)  }
0xcb: {  	[tilespmem:s9], [sflag:$0x2] =	stream.linear.gather [hbm4b:s28+s19], $0x80, $0x38;
	[tilespmem:$0x12800] =	vst v63  }
0xcc: {  	s31 =	sadd.s32 s3, s29;
	s4 =	sand.u32 $0x1FFFFFF0, s30;
	s5 =	spop (v2sf)  }
0xcd: {  	[tilespmem:s12], [sflag:$0x2] =	stream.linear.gather [hbm4b:s31+s19], $0x80, $0x38;
	[tilespmem:$0x12800] =	vst v63  }
0xce: {  	s10 =	sadd.s32 s3, s4;
	s12 =	sand.u32 $0x1FFFFFF0, s5;
	s15 =	spop (v2sf)  }
0xcf: {  	[tilespmem:s18], [sflag:$0x2] =	stream.linear.gather [hbm4b:s10+s19], $0x80, $0x38;
	[tilespmem:$0x12800] =	vst v63  }
0xd0: {  	s17 =	sadd.s32 s3, s12;
	s18 =	sand.u32 $0x1FFFFFF0, s15;
	s20 =	spop (v2sf)  }
0xd1: {  	[tilespmem:s11], [sflag:$0x2] =	stream.linear.gather [hbm4b:s17+s19], $0x80, $0x38;
	[tilespmem:$0x12800] =	vst v63  }
0xd2: {  	s21 =	sadd.s32 s3, s18;
	s22 =	sand.u32 $0x1FFFFFF0, s20;
	s23 =	spop (v2sf)  }
0xd3: {  	[tilespmem:s6], [sflag:$0x2] =	stream.linear.gather [hbm4b:s21+s19], $0x80, $0x38;
	[tilespmem:$0x12800] =	vst v63  }
0xd4: {  	s24 =	sadd.s32 s3, s22;
	s25 =	sand.u32 $0x1FFFFFF0, s23;
	s26 =	spop (v2sf)  }
0xd5: {  	[tilespmem:s1], [sflag:$0x2] =	stream.linear.gather [hbm4b:s24+s19], $0x80, $0x38;
	[tilespmem:$0x12800] =	vst v63  }
0xd6: {  	s28 =	sadd.s32 $0xAF00, s0;
	s29 =	sadd.s32 s3, s25;
	s30 =	sand.u32 $0x1FFFFFF0, s26  }
0xd7: {  	[tilespmem:s28], [sflag:$0x2] =	stream.linear.gather [hbm4b:s29+s19], $0x80, $0x38;
	[tilespmem:$0x12800] =	vst v63  }
0xd8: {  	s0 =	sadd.s32 $0xAF80, s0;
	s31 =	sadd.s32 s3, s30  }
0xd9: {  	[tilespmem:s0], [sflag:$0x2] =	stream.linear.gather [hbm4b:s31+s19], $0x80, $0x38;
	[tilespmem:$0x12800] =	vst v63  }
.LBB2_6:
0xda: {  	_ =	swait.ge [sflag:s14], $0x8000  }
0xdb: {  	s0 =	sshll.u32 s19, $0x10;
	s8 =	simm.s32 $0x0;
	s1 =	rddreg [dreg:$0x5]  }
0xdc: {  	s4 =	simm.s32 $0x2800;
	s9 =	sshll.u32 s19, $0x9;
	s0 =	sadd.s32 s1, s0  }
0xdd: {  	[sflag:s14] =	ssyncset.done $0x0;
	s7 =	rddreg [dreg:$0x6];
	s0 =	sshrl.u32 s0, $0x3  }
0xde: {  	s20 =	sand.u32 $0x3FFFFE00, s9;
	[sflag:s14] =	ssyncadd.s32 $0xFFFF8000;
	s0 =	sadd.s32 s7, s0  }
0xdf: {  	[hbm4b:s0+s8] =	stream.linear.scatter [tilespmem:s4], [sflag:$0x3], $0x8000, $0x38;
	[tilespmem:$0x12800] =	vst v63  }
0xe0: {  	s0 =	sadd.s32 $0x200, s20  }
0xe1: {  	_ =	swait.ge [sflag:s13], $0x8000;
	[dreg:$0x3] =	wrdreg s0  }
0xe2: {  	s6 =	sand.u32 $0x80, s8;
	s0 =	rddreg [dreg:$0x3]  }
0xe3: {  	s1 =	sand.u32 $0x70, s8;
	[sflag:s13] =	ssyncset.done $0x0;
	s0 =	sadd.s32 s6, s0  }
0xe4: {  	[sflag:s13] =	ssyncadd.s32 $0xFFFF8000;
	s0 =	sadd.s32 s1, s0  }
0xe5: {  	v0 =	vld [tilespmem:s0+$0x0];
	_ =	sdelay $0x4  }
0xe6: {  	v0 =	vshll.u32 v0, $0x4  }
0xe7: {  	(v2sf) =	vpush v0, $0x0  }
0xe8: {  	(v2sf) =	vpush v0, $0x1  }
0xe9: {  	(v2sf) =	vpush v0, $0x2;
	_ =	sdelay $0x1  }
0xea: {  	(v2sf) =	vpush v0, $0x3  }
0xeb: {  	(v2sf) =	vpush v0, $0x4;
	_ =	sdelay $0x3  }
0xec: {  	(v2sf) =	vpush v0, $0x5;
	_ =	sdelay $0x1  }
0xed: {  	s21 =	simm.s32 $0x2000;
	s23 =	simm.s32 $0x4000;
	s22 =	simm.s32 $0x10;
	(v2sf) =	vpush v0, $0x6  }
0xee: {  	s24 =	simm.s32 $0x0;
	s10 =	simm.s32 $0x2880;
	s17 =	simm.s32 $0x2900  }
0xef: {  	s25 =	simm.s32 $0x2980;
	s28 =	simm.s32 $0x2D00;
	s30 =	simm.s32 $0x2D80  }
0xf0: {  	s29 =	simm.s32 $0x2E80;
	s31 =	simm.s32 $0x2E00;
	s9 =	simm.s32 $0x2800  }
0xf1: {  	s7 =	simm.s32 $0x2C80;
	s6 =	simm.s32 $0x2A00;
	(v2sf) =	vpush v0, $0x7;
	s8 =	spop (v2sf)  }
0xf2: {  	s1 =	rddreg [dreg:$0x3];
	s8 =	sand.u32 $0x1FFFFFF0, s8;
	s11 =	spop (v2sf)  }
0xf3: {  	s0 =	sand.u32 $0x80, s22;
	(v2sf) =	vpush v0, $0x8;
	s12 =	spop (v2sf);
	s8 =	sadd.s32 s3, s8  }
0xf4: {  	(v2sf) =	vpush v0, $0x9;
	[tilespmem:s9], [sflag:$0x1] =	stream.linear.gather [hbm4b:s8+s2], $0x80, $0x38;
	[tilespmem:$0x12800] =	vst v63  }
0xf5: {  	s11 =	sand.u32 $0x1FFFFFF0, s11;
	s15 =	sand.u32 $0x1FFFFFF0, s12;
	s18 =	spop (v2sf)  }
0xf6: {  	(v2sf) =	vpush v0, $0xA;
	s11 =	sadd.s32 s3, s11;
	s12 =	simm.s32 $0x2A80;
	s4 =	spop (v2sf)  }
0xf7: {  	(v2sf) =	vpush v0, $0xB;
	[tilespmem:s10], [sflag:$0x1] =	stream.linear.gather [hbm4b:s11+s2], $0x80, $0x38;
	[tilespmem:$0x12800] =	vst v63  }
0xf8: {  	s9 =	sadd.s32 s3, s15;
	s26 =	sand.u32 $0x1FFFFFF0, s18;
	s11 =	sand.u32 $0x1FFFFFF0, s4  }
0xf9: {  	[tilespmem:s17], [sflag:$0x1] =	stream.linear.gather [hbm4b:s9+s2], $0x80, $0x38;
	[tilespmem:$0x12800] =	vst v63  }
0xfa: {  	s5 =	spop (v2sf);
	s4 =	simm.s32 $0x2C00;
	s9 =	sadd.s32 s3, s26  }
0xfb: {  	[tilespmem:s25], [sflag:$0x1] =	stream.linear.gather [hbm4b:s9+s2], $0x80, $0x38;
	[tilespmem:$0x12800] =	vst v63  }
0xfc: {  	s10 =	sand.u32 $0x1FFFFFF0, s5;
	s11 =	sadd.s32 s3, s11;
	s15 =	spop (v2sf)  }
0xfd: {  	[tilespmem:s6], [sflag:$0x1] =	stream.linear.gather [hbm4b:s11+s2], $0x80, $0x38;
	[tilespmem:$0x12800] =	vst v63  }
0xfe: {  	s8 =	sadd.s32 s3, s10;
	s17 =	simm.s32 $0x2B00;
	s18 =	sand.u32 $0x1FFFFFF0, s15  }
0xff: {  	[tilespmem:s12], [sflag:$0x1] =	stream.linear.gather [hbm4b:s8+s2], $0x80, $0x38;
	[tilespmem:$0x12800] =	vst v63  }
0x100: {  	s26 =	simm.s32 $0x2B80;
	s25 =	spop (v2sf);
	s8 =	sadd.s32 s3, s18  }
0x101: {  	[tilespmem:s17], [sflag:$0x1] =	stream.linear.gather [hbm4b:s8+s2], $0x80, $0x38;
	[tilespmem:$0x12800] =	vst v63  }
0x102: {  	s9 =	sand.u32 $0x1FFFFFF0, s25;
	s25 =	simm.s32 $0x2F80;
	s5 =	spop (v2sf)  }
0x103: {  	s9 =	sadd.s32 s3, s9;
	s8 =	sand.u32 $0x1FFFFFF0, s5;
	s10 =	spop (v2sf)  }
0x104: {  	[tilespmem:s26], [sflag:$0x1] =	stream.linear.gather [hbm4b:s9+s2], $0x80, $0x38;
	[tilespmem:$0x12800] =	vst v63  }
0x105: {  	s26 =	sadd.s32 s0, s1;
	s11 =	sand.u32 $0x1FFFFFF0, s10;
	s15 =	spop (v2sf)  }
0x106: {  	(v2sf) =	vpush v0, $0xC;
	s12 =	sadd.s32 s3, s8;
	s17 =	sand.u32 $0x1FFFFFF0, s15;
	s18 =	spop (v2sf)  }
0x107: {  	(v2sf) =	vpush v0, $0xD;
	[tilespmem:s4], [sflag:$0x1] =	stream.linear.gather [hbm4b:s12+s2], $0x80, $0x38;
	[tilespmem:$0x12800] =	vst v63  }
0x108: {  	(v2sf) =	vpush v0, $0xE;
	s0 =	sadd.s32 s3, s11;
	s6 =	sadd.s32 s3, s17;
	s1 =	sand.u32 $0x1FFFFFF0, s18  }
0x109: {  	(v2sf) =	vpush v0, $0xF;
	[tilespmem:s7], [sflag:$0x1] =	stream.linear.gather [hbm4b:s0+s2], $0x80, $0x38;
	[tilespmem:$0x12800] =	vst v63  }
.LBB2_7:
0x10a: {  	_ =	sdelay $0x7  }
0x10b: {  	[tilespmem:s28], [sflag:$0x1] =	stream.linear.gather [hbm4b:s6+s2], $0x80, $0x38;
	[tilespmem:$0x12800] =	vst v63  }
0x10c: {  	s1 =	sadd.s32 s3, s1  }
0x10d: {  	[tilespmem:s30], [sflag:$0x1] =	stream.linear.gather [hbm4b:s1+s2], $0x80, $0x38;
	[tilespmem:$0x12800] =	vst v63  }
0x10e: {  	s7 =	spop (v2sf)  }
0x10f: {  	s0 =	sand.u32 $0x70, s22;
	s9 =	sand.u32 $0x1FFFFFF0, s7;
	s10 =	spop (v2sf)  }
0x110: {  	s12 =	sadd.s32 s3, s9;
	s15 =	sand.u32 $0x1FFFFFF0, s10;
	s17 =	spop (v2sf)  }
0x111: {  	[tilespmem:s31], [sflag:$0x1] =	stream.linear.gather [hbm4b:s12+s2], $0x80, $0x38;
	[tilespmem:$0x12800] =	vst v63  }
0x112: {  	s18 =	sadd.s32 s3, s15;
	s4 =	sand.u32 $0x1FFFFFF0, s17;
	s5 =	spop (v2sf)  }
0x113: {  	[tilespmem:s29], [sflag:$0x1] =	stream.linear.gather [hbm4b:s18+s2], $0x80, $0x38;
	[tilespmem:$0x12800] =	vst v63  }
0x114: {  	s8 =	sadd.s32 $0x2F00, s24;
	s6 =	sadd.s32 s3, s4;
	s7 =	sand.u32 $0x1FFFFFF0, s5  }
0x115: {  	[tilespmem:s8], [sflag:$0x1] =	stream.linear.gather [hbm4b:s6+s2], $0x80, $0x38;
	[tilespmem:$0x12800] =	vst v63  }
0x116: {  	s0 =	sadd.s32 s0, s26;
	s9 =	sadd.s32 s3, s7  }
0x117: {  	[tilespmem:s25], [sflag:$0x1] =	stream.linear.gather [hbm4b:s9+s2], $0x80, $0x38;
	[tilespmem:$0x12800] =	vst v63  }
0x118: {  	v0 =	vld [tilespmem:s0+$0x0];
	_ =	sdelay $0x4  }
0x119: {  	v0 =	vshll.u32 v0, $0x4  }
0x11a: {  	(v2sf) =	vpush v0, $0x0  }
0x11b: {  	(v2sf) =	vpush v0, $0x1  }
0x11c: {  	(v2sf) =	vpush v0, $0x2;
	_ =	sdelay $0x1  }
0x11d: {  	(v2sf) =	vpush v0, $0x3;
	_ =	sdelay $0x1  }
0x11e: {  	(v2sf) =	vpush v0, $0x4;
	_ =	sdelay $0x1  }
0x11f: {  	p0 =	sne.s32 s23, $0x1E000;
	s11 =	smov.u32 s23;
	s24 =	sshra.s32 s21, $0x2;
	(v2sf) =	vpush v0, $0x5  }
0x120: {  	s23 =	sadd.s32 $0x2000, s23;
	s22 =	sadd.s32 $0x10, s22;
	s28 =	sadd.s32 $0x2D00, s24  }
0x121: {  	s21 =	smov.u32 s11;
	s1 =	sadd.s32 $0x2C00, s24;
	s30 =	sadd.s32 $0x2D80, s24;
	(v2sf) =	vpush v0, $0x6  }
0x122: {  	s15 =	sadd.s32 $0x2800, s24;
	s12 =	sadd.s32 $0x2B80, s24;
	s31 =	sadd.s32 $0x2E00, s24  }
0x123: {  	s4 =	sadd.s32 $0x2900, s24;
	s18 =	rddreg [dreg:$0x3];
	s7 =	sadd.s32 $0x2A00, s24;
	(v2sf) =	vpush v0, $0x7  }
0x124: {  	s29 =	sadd.s32 $0x2E80, s24;
	s6 =	sadd.s32 $0x2B00, s24;
	s8 =	sadd.s32 $0x2A80, s24  }
0x125: {  	s9 =	sand.u32 $0x80, s22;
	s25 =	sadd.s32 $0x2F80, s24;
	s0 =	sadd.s32 $0x2C80, s24;
	(v2sf) =	vpush v0, $0x8  }
0x126: {  	s26 =	sadd.s32 s9, s18;
	s9 =	sadd.s32 $0x2980, s24;
	s10 =	spop (v2sf)  }
0x127: {  	s18 =	sadd.s32 $0x2880, s24;
	(v2sf) =	vpush v0, $0x9;
	s11 =	sand.u32 $0x1FFFFFF0, s10;
	s17 =	spop (v2sf)  }
0x128: {  	s17 =	sand.u32 $0x1FFFFFF0, s17;
	s5 =	spop (v2sf);
	s11 =	sadd.s32 s3, s11  }
0x129: {  	(v2sf) =	vpush v0, $0xA;
	[tilespmem:s15], [sflag:$0x1] =	stream.linear.gather [hbm4b:s11+s2], $0x80, $0x38;
	[tilespmem:$0x12800] =	vst v63  }
0x12a: {  	s5 =	sand.u32 $0x1FFFFFF0, s5;
	s10 =	spop (v2sf);
	(v2sf) =	vpush v0, $0xB;
	s15 =	sadd.s32 s3, s17  }
0x12b: {  	[tilespmem:s18], [sflag:$0x1] =	stream.linear.gather [hbm4b:s15+s2], $0x80, $0x38;
	[tilespmem:$0x12800] =	vst v63  }
0x12c: {  	s10 =	sand.u32 $0x1FFFFFF0, s10;
	s17 =	spop (v2sf);
	s5 =	sadd.s32 s3, s5  }
0x12d: {  	[tilespmem:s4], [sflag:$0x1] =	stream.linear.gather [hbm4b:s5+s2], $0x80, $0x38;
	[tilespmem:$0x12800] =	vst v63  }
0x12e: {  	s11 =	sand.u32 $0x1FFFFFF0, s17;
	s18 =	spop (v2sf);
	s17 =	sadd.s32 s3, s10  }
0x12f: {  	[tilespmem:s9], [sflag:$0x1] =	stream.linear.gather [hbm4b:s17+s2], $0x80, $0x38;
	[tilespmem:$0x12800] =	vst v63  }
0x130: {  	s15 =	sadd.s32 s3, s11;
	s5 =	sand.u32 $0x1FFFFFF0, s18;
	s18 =	spop (v2sf)  }
0x131: {  	[tilespmem:s7], [sflag:$0x1] =	stream.linear.gather [hbm4b:s15+s2], $0x80, $0x38;
	[tilespmem:$0x12800] =	vst v63  }
0x132: {  	s17 =	sand.u32 $0x1FFFFFF0, s18;
	s18 =	spop (v2sf);
	s7 =	sadd.s32 s3, s5  }
0x133: {  	[tilespmem:s8], [sflag:$0x1] =	stream.linear.gather [hbm4b:s7+s2], $0x80, $0x38;
	[tilespmem:$0x12800] =	vst v63  }
0x134: {  	s11 =	sand.u32 $0x1FFFFFF0, s18;
	s17 =	sadd.s32 s3, s17;
	s15 =	spop (v2sf)  }
0x135: {  	[tilespmem:s6], [sflag:$0x1] =	stream.linear.gather [hbm4b:s17+s2], $0x80, $0x38;
	[tilespmem:$0x12800] =	vst v63  }
0x136: {  	s9 =	sadd.s32 s3, s11;
	s7 =	sand.u32 $0x1FFFFFF0, s15;
	s18 =	spop (v2sf)  }
0x137: {  	[tilespmem:s12], [sflag:$0x1] =	stream.linear.gather [hbm4b:s9+s2], $0x80, $0x38;
	[tilespmem:$0x12800] =	vst v63  }
.Ltmp2:
0x138: {  	s15 =	sadd.s32 s3, s7;
	s11 =	spop (v2sf);
	(pc) =	sbr.rel @p0 .LBB2_7-.Ltmp2, $4  }
0x139: {  	(v2sf) =	vpush v0, $0xC;
	s10 =	sand.u32 $0x1FFFFFF0, s18;
	s6 =	sand.u32 $0x1FFFFFF0, s11;
	s17 =	spop (v2sf)  }
0x13a: {  	(v2sf) =	vpush v0, $0xD;
	[tilespmem:s1], [sflag:$0x1] =	stream.linear.gather [hbm4b:s15+s2], $0x80, $0x38;
	[tilespmem:$0x12800] =	vst v63  }
0x13b: {  	(v2sf) =	vpush v0, $0xE;
	s18 =	sadd.s32 s3, s10;
	s6 =	sadd.s32 s3, s6;
	s1 =	sand.u32 $0x1FFFFFF0, s17  }
0x13c: {  	(v2sf) =	vpush v0, $0xF;
	[tilespmem:s0], [sflag:$0x1] =	stream.linear.gather [hbm4b:s18+s2], $0x80, $0x38;
	[tilespmem:$0x12800] =	vst v63  }
0x13d: {  	_ =	sdelay $0x7  }
0x13e: {  	[tilespmem:s28], [sflag:$0x1] =	stream.linear.gather [hbm4b:s6+s2], $0x80, $0x38;
	[tilespmem:$0x12800] =	vst v63  }
0x13f: {  	s1 =	sadd.s32 s3, s1  }
0x140: {  	[tilespmem:s30], [sflag:$0x1] =	stream.linear.gather [hbm4b:s1+s2], $0x80, $0x38;
	[tilespmem:$0x12800] =	vst v63  }
0x141: {  	s4 =	spop (v2sf)  }
0x142: {  	s0 =	sand.u32 $0x70, s22;
	s4 =	sand.u32 $0x1FFFFFF0, s4;
	s5 =	spop (v2sf)  }
0x143: {  	s4 =	sadd.s32 s3, s4;
	s6 =	sand.u32 $0x1FFFFFF0, s5;
	s7 =	spop (v2sf)  }
0x144: {  	[tilespmem:s31], [sflag:$0x1] =	stream.linear.gather [hbm4b:s4+s2], $0x80, $0x38;
	[tilespmem:$0x12800] =	vst v63  }
0x145: {  	s8 =	sadd.s32 s3, s6;
	s9 =	sand.u32 $0x1FFFFFF0, s7;
	s10 =	spop (v2sf)  }
0x146: {  	[tilespmem:s29], [sflag:$0x1] =	stream.linear.gather [hbm4b:s8+s2], $0x80, $0x38;
	[tilespmem:$0x12800] =	vst v63  }
0x147: {  	s11 =	sadd.s32 $0x2F00, s24;
	s4 =	sadd.s32 s3, s9;
	s5 =	sand.u32 $0x1FFFFFF0, s10  }
0x148: {  	[tilespmem:s11], [sflag:$0x1] =	stream.linear.gather [hbm4b:s4+s2], $0x80, $0x38;
	[tilespmem:$0x12800] =	vst v63  }
0x149: {  	s0 =	sadd.s32 s0, s26;
	s12 =	sadd.s32 s3, s5  }
0x14a: {  	[tilespmem:s25], [sflag:$0x1] =	stream.linear.gather [hbm4b:s12+s2], $0x80, $0x38;
	[tilespmem:$0x12800] =	vst v63  }
0x14b: {  	v0 =	vld [tilespmem:s0+$0x0];
	_ =	sdelay $0x4  }
0x14c: {  	v0 =	vshll.u32 v0, $0x4  }
0x14d: {  	(v2sf) =	vpush v0, $0x0  }
0x14e: {  	(v2sf) =	vpush v0, $0x1  }
0x14f: {  	(v2sf) =	vpush v0, $0x2;
	_ =	sdelay $0x1  }
0x150: {  	(v2sf) =	vpush v0, $0x3;
	_ =	sdelay $0x1  }
0x151: {  	(v2sf) =	vpush v0, $0x4;
	_ =	sdelay $0x1  }
0x152: {  	(v2sf) =	vpush v0, $0x5;
	_ =	sdelay $0x1  }
0x153: {  	(v2sf) =	vpush v0, $0x6  }
0x154: {  	s0 =	sshra.s32 s21, $0x2  }
0x155: {  	s4 =	sadd.s32 $0x2A00, s0;
	s6 =	sadd.s32 $0x2C80, s0;
	(v2sf) =	vpush v0, $0x7  }
0x156: {  	s1 =	sadd.s32 $0x2D00, s0;
	s15 =	sadd.s32 $0x2800, s0;
	s8 =	sadd.s32 $0x2B00, s0  }
0x157: {  	s9 =	sadd.s32 $0x2B80, s0;
	s10 =	sadd.s32 $0x2A80, s0;
	s17 =	sadd.s32 $0x2880, s0  }
0x158: {  	s22 =	sadd.s32 $0x2900, s0;
	s24 =	sadd.s32 $0x2980, s0;
	s7 =	spop (v2sf)  }
0x159: {  	s26 =	sadd.s32 $0x2C00, s0;
	(v2sf) =	vpush v0, $0x8;
	s7 =	sand.u32 $0x1FFFFFF0, s7;
	s11 =	spop (v2sf)  }
0x15a: {  	(v2sf) =	vpush v0, $0x9;
	s7 =	sadd.s32 s3, s7;
	s18 =	sand.u32 $0x1FFFFFF0, s11;
	s21 =	spop (v2sf)  }
0x15b: {  	[tilespmem:s15], [sflag:$0x1] =	stream.linear.gather [hbm4b:s7+s2], $0x80, $0x38;
	[tilespmem:$0x12800] =	vst v63  }
0x15c: {  	(v2sf) =	vpush v0, $0xA;
	s11 =	sand.u32 $0x1FFFFFF0, s21;
	s12 =	spop (v2sf);
	s7 =	sadd.s32 s3, s18  }
0x15d: {  	[tilespmem:s17], [sflag:$0x1] =	stream.linear.gather [hbm4b:s7+s2], $0x80, $0x38;
	[tilespmem:$0x12800] =	vst v63  }
0x15e: {  	(v2sf) =	vpush v0, $0xB;
	s23 =	sand.u32 $0x1FFFFFF0, s12;
	s11 =	sadd.s32 s3, s11;
	s25 =	spop (v2sf)  }
0x15f: {  	[tilespmem:s22], [sflag:$0x1] =	stream.linear.gather [hbm4b:s11+s2], $0x80, $0x38;
	[tilespmem:$0x12800] =	vst v63  }
0x160: {  	(v2sf) =	vpush v0, $0xC;
	s7 =	sadd.s32 s3, s23;
	s31 =	sand.u32 $0x1FFFFFF0, s25;
	s12 =	spop (v2sf)  }
0x161: {  	[tilespmem:s24], [sflag:$0x1] =	stream.linear.gather [hbm4b:s7+s2], $0x80, $0x38;
	[tilespmem:$0x12800] =	vst v63  }
0x162: {  	(v2sf) =	vpush v0, $0xD;
	s15 =	spop (v2sf);
	s11 =	sand.u32 $0x1FFFFFF0, s12;
	s7 =	sadd.s32 s3, s31  }
0x163: {  	[tilespmem:s4], [sflag:$0x1] =	stream.linear.gather [hbm4b:s7+s2], $0x80, $0x38;
	[tilespmem:$0x12800] =	vst v63  }
0x164: {  	(v2sf) =	vpush v0, $0xE;
	s17 =	sand.u32 $0x1FFFFFF0, s15;
	s18 =	spop (v2sf);
	s11 =	sadd.s32 s3, s11  }
0x165: {  	[tilespmem:s10], [sflag:$0x1] =	stream.linear.gather [hbm4b:s11+s2], $0x80, $0x38;
	[tilespmem:$0x12800] =	vst v63  }
0x166: {  	(v2sf) =	vpush v0, $0xF;
	s21 =	sand.u32 $0x1FFFFFF0, s18;
	s4 =	sadd.s32 $0x2D80, s0;
	s7 =	sadd.s32 s3, s17  }
0x167: {  	[tilespmem:s8], [sflag:$0x1] =	stream.linear.gather [hbm4b:s7+s2], $0x80, $0x38;
	[tilespmem:$0x12800] =	vst v63  }
0x168: {  	s10 =	sadd.s32 $0x2E80, s0;
	s7 =	sadd.s32 $0x2E00, s0;
	s22 =	spop (v2sf)  }
0x169: {  	s8 =	sadd.s32 s3, s21;
	s11 =	sand.u32 $0x1FFFFFF0, s22;
	s23 =	spop (v2sf)  }
0x16a: {  	[tilespmem:s9], [sflag:$0x1] =	stream.linear.gather [hbm4b:s8+s2], $0x80, $0x38;
	[tilespmem:$0x12800] =	vst v63  }
0x16b: {  	s24 =	sand.u32 $0x1FFFFFF0, s23;
	s25 =	spop (v2sf);
	s11 =	sadd.s32 s3, s11  }
0x16c: {  	[tilespmem:s26], [sflag:$0x1] =	stream.linear.gather [hbm4b:s11+s2], $0x80, $0x38;
	[tilespmem:$0x12800] =	vst v63  }
0x16d: {  	s31 =	spop (v2sf);
	s8 =	sadd.s32 s3, s24;
	s26 =	sand.u32 $0x1FFFFFF0, s25  }
0x16e: {  	[tilespmem:s6], [sflag:$0x1] =	stream.linear.gather [hbm4b:s8+s2], $0x80, $0x38;
	[tilespmem:$0x12800] =	vst v63  }
0x16f: {  	s9 =	sand.u32 $0x1FFFFFF0, s31;
	s11 =	spop (v2sf);
	s5 =	sadd.s32 s3, s26  }
0x170: {  	[tilespmem:s1], [sflag:$0x1] =	stream.linear.gather [hbm4b:s5+s2], $0x80, $0x38;
	[tilespmem:$0x12800] =	vst v63  }
0x171: {  	s12 =	sadd.s32 s3, s9;
	s15 =	sand.u32 $0x1FFFFFF0, s11;
	s17 =	spop (v2sf)  }
0x172: {  	[tilespmem:s4], [sflag:$0x1] =	stream.linear.gather [hbm4b:s12+s2], $0x80, $0x38;
	[tilespmem:$0x12800] =	vst v63  }
0x173: {  	s18 =	sadd.s32 s3, s15;
	s21 =	sand.u32 $0x1FFFFFF0, s17;
	s22 =	spop (v2sf)  }
0x174: {  	[tilespmem:s7], [sflag:$0x1] =	stream.linear.gather [hbm4b:s18+s2], $0x80, $0x38;
	[tilespmem:$0x12800] =	vst v63  }
0x175: {  	s23 =	sadd.s32 s3, s21;
	s24 =	sand.u32 $0x1FFFFFF0, s22;
	s25 =	spop (v2sf)  }
0x176: {  	[tilespmem:s10], [sflag:$0x1] =	stream.linear.gather [hbm4b:s23+s2], $0x80, $0x38;
	[tilespmem:$0x12800] =	vst v63  }
0x177: {  	s26 =	sadd.s32 $0x2F00, s0;
	s5 =	sand.u32 $0x1FFFFFF0, s25;
	s4 =	sadd.s32 s3, s24  }
0x178: {  	[tilespmem:s26], [sflag:$0x1] =	stream.linear.gather [hbm4b:s4+s2], $0x80, $0x38;
	[tilespmem:$0x12800] =	vst v63  }
0x179: {  	s0 =	sadd.s32 $0x2F80, s0;
	s31 =	sadd.s32 s3, s5  }
0x17a: {  	[tilespmem:s0], [sflag:$0x1] =	stream.linear.gather [hbm4b:s31+s2], $0x80, $0x38;
	[tilespmem:$0x12800] =	vst v63  }
0x17b: {  	s6 =	simm.s32 $0x0;
	s8 =	sadd.s32 $0x300, s20;
	_ =	swait.ge [sflag:s16], $0x8000  }
0x17c: {  	s4 =	sshll.u32 s19, $0xD;
	[sflag:s16] =	ssyncset.done $0x0;
	s5 =	rddreg [dreg:$0xb]  }
0x17d: {  	s7 =	simm.s32 $0xA800;
	[sflag:s16] =	ssyncadd.s32 $0xFFFF8000;
	s0 =	sadd.s32 s5, s4  }
0x17e: {  	[hbm4b:s0+s6] =	stream.linear.scatter [tilespmem:s7], [sflag:$0x3], $0x8000, $0x38;
	[tilespmem:$0x12800] =	vst v63  }
0x17f: {  	_ =	swait.ge [sflag:s13], $0x8000;
	[dreg:$0x4] =	wrdreg s8  }
0x180: {  	s9 =	sand.u32 $0x80, s6;
	s0 =	rddreg [dreg:$0x4]  }
0x181: {  	s1 =	sand.u32 $0x70, s6;
	[sflag:s13] =	ssyncset.done $0x0;
	s0 =	sadd.s32 s9, s0  }
0x182: {  	[sflag:s13] =	ssyncadd.s32 $0xFFFF8000;
	s0 =	sadd.s32 s1, s0  }
0x183: {  	v63 =	vld [tilespmem:s0+$0x0];
	_ =	sdelay $0x4  }
0x184: {  	v0 =	vshll.u32 v63, $0x4  }
0x185: {  	(v2sf) =	vpush v0, $0x0  }
0x186: {  	(v2sf) =	vpush v0, $0x1  }
0x187: {  	(v2sf) =	vpush v0, $0x2;
	_ =	sdelay $0x1  }
0x188: {  	(v2sf) =	vpush v0, $0x3  }
0x189: {  	(v2sf) =	vpush v0, $0x4;
	_ =	sdelay $0x3  }
0x18a: {  	(v2sf) =	vpush v0, $0x5;
	_ =	sdelay $0x1  }
0x18b: {  	s28 =	simm.s32 $0xAE80;
	s30 =	simm.s32 $0xAE00;
	s29 =	simm.s32 $0xAD80;
	(v2sf) =	vpush v0, $0x6  }
0x18c: {  	s11 =	simm.s32 $0xA800;
	s20 =	simm.s32 $0x2000;
	s17 =	simm.s32 $0xA880  }
0x18d: {  	s22 =	simm.s32 $0x4000;
	s21 =	simm.s32 $0x10;
	s24 =	simm.s32 $0xA900;
	(v2sf) =	vpush v0, $0x7  }
0x18e: {  	s23 =	simm.s32 $0x0;
	s26 =	simm.s32 $0xA980;
	s4 =	simm.s32 $0xAA00  }
0x18f: {  	s5 =	simm.s32 $0xAC80;
	s1 =	rddreg [dreg:$0x4];
	s10 =	spop (v2sf)  }
0x190: {  	s0 =	sand.u32 $0x80, s21;
	s6 =	sand.u32 $0x1FFFFFF0, s10;
	s12 =	spop (v2sf)  }
0x191: {  	(v2sf) =	vpush v0, $0x8;
	s8 =	sand.u32 $0x1FFFFFF0, s12;
	s15 =	spop (v2sf);
	s6 =	sadd.s32 s3, s6  }
0x192: {  	[tilespmem:s11], [sflag:$0x2] =	stream.linear.gather [hbm4b:s6+s2], $0x80, $0x38;
	[tilespmem:$0x12800] =	vst v63  }
0x193: {  	(v2sf) =	vpush v0, $0x9;
	s18 =	sand.u32 $0x1FFFFFF0, s15;
	s8 =	sadd.s32 s3, s8;
	s25 =	spop (v2sf)  }
0x194: {  	(v2sf) =	vpush v0, $0xA;
	s15 =	simm.s32 $0xAA80;
	s7 =	sadd.s32 s3, s18;
	s9 =	spop (v2sf)  }
0x195: {  	[tilespmem:s17], [sflag:$0x2] =	stream.linear.gather [hbm4b:s8+s2], $0x80, $0x38;
	[tilespmem:$0x12800] =	vst v63  }
0x196: {  	s31 =	sand.u32 $0x1FFFFFF0, s25;
	(v2sf) =	vpush v0, $0xB;
	s18 =	simm.s32 $0xAB00;
	s8 =	sand.u32 $0x1FFFFFF0, s9  }
0x197: {  	[tilespmem:s24], [sflag:$0x2] =	stream.linear.gather [hbm4b:s7+s2], $0x80, $0x38;
	[tilespmem:$0x12800] =	vst v63  }
0x198: {  	s10 =	spop (v2sf);
	s9 =	simm.s32 $0xAC00;
	s7 =	sadd.s32 s3, s31  }
0x199: {  	[tilespmem:s26], [sflag:$0x2] =	stream.linear.gather [hbm4b:s7+s2], $0x80, $0x38;
	[tilespmem:$0x12800] =	vst v63  }
0x19a: {  	s11 =	sand.u32 $0x1FFFFFF0, s10;
	s12 =	sadd.s32 s3, s8;
	s17 =	spop (v2sf)  }
0x19b: {  	[tilespmem:s4], [sflag:$0x2] =	stream.linear.gather [hbm4b:s12+s2], $0x80, $0x38;
	[tilespmem:$0x12800] =	vst v63  }
0x19c: {  	s6 =	sadd.s32 s3, s11;
	s24 =	sand.u32 $0x1FFFFFF0, s17;
	s25 =	spop (v2sf)  }
0x19d: {  	[tilespmem:s15], [sflag:$0x2] =	stream.linear.gather [hbm4b:s6+s2], $0x80, $0x38;
	[tilespmem:$0x12800] =	vst v63  }
0x19e: {  	s31 =	simm.s32 $0xAB80;
	s7 =	sand.u32 $0x1FFFFFF0, s25;
	s6 =	sadd.s32 s3, s24  }
0x19f: {  	[tilespmem:s18], [sflag:$0x2] =	stream.linear.gather [hbm4b:s6+s2], $0x80, $0x38;
	[tilespmem:$0x12800] =	vst v63  }
0x1a0: {  	s26 =	simm.s32 $0xAD00;
	s7 =	sadd.s32 s3, s7;
	s10 =	spop (v2sf)  }
0x1a1: {  	[tilespmem:s31], [sflag:$0x2] =	stream.linear.gather [hbm4b:s7+s2], $0x80, $0x38;
	[tilespmem:$0x12800] =	vst v63  }
0x1a2: {  	s25 =	sadd.s32 s0, s1;
	s6 =	sand.u32 $0x1FFFFFF0, s10;
	s11 =	spop (v2sf)  }
0x1a3: {  	s24 =	simm.s32 $0xAF80;
	s15 =	sadd.s32 s3, s6;
	s17 =	spop (v2sf)  }
0x1a4: {  	(v2sf) =	vpush v0, $0xC;
	[tilespmem:s9], [sflag:$0x2] =	stream.linear.gather [hbm4b:s15+s2], $0x80, $0x38;
	[tilespmem:$0x12800] =	vst v63  }
0x1a5: {  	s12 =	sand.u32 $0x1FFFFFF0, s11;
	(v2sf) =	vpush v0, $0xD;
	s18 =	sand.u32 $0x1FFFFFF0, s17;
	s31 =	spop (v2sf)  }
0x1a6: {  	s0 =	sadd.s32 s3, s12;
	(v2sf) =	vpush v0, $0xE;
	s6 =	sadd.s32 s3, s18;
	s1 =	sand.u32 $0x1FFFFFF0, s31  }
0x1a7: {  	(v2sf) =	vpush v0, $0xF;
	[tilespmem:s5], [sflag:$0x2] =	stream.linear.gather [hbm4b:s0+s2], $0x80, $0x38;
	[tilespmem:$0x12800] =	vst v63  }
.LBB2_9:
0x1a8: {  	_ =	sdelay $0x7  }
0x1a9: {  	[tilespmem:s26], [sflag:$0x2] =	stream.linear.gather [hbm4b:s6+s2], $0x80, $0x38;
	[tilespmem:$0x12800] =	vst v63  }
0x1aa: {  	s1 =	sadd.s32 s3, s1  }
0x1ab: {  	[tilespmem:s29], [sflag:$0x2] =	stream.linear.gather [hbm4b:s1+s2], $0x80, $0x38;
	[tilespmem:$0x12800] =	vst v63  }
0x1ac: {  	s4 =	spop (v2sf)  }
0x1ad: {  	s0 =	sand.u32 $0x70, s21;
	s4 =	sand.u32 $0x1FFFFFF0, s4;
	s5 =	spop (v2sf)  }
0x1ae: {  	s6 =	sadd.s32 s3, s4;
	s7 =	sand.u32 $0x1FFFFFF0, s5;
	s8 =	spop (v2sf)  }
0x1af: {  	[tilespmem:s30], [sflag:$0x2] =	stream.linear.gather [hbm4b:s6+s2], $0x80, $0x38;
	[tilespmem:$0x12800] =	vst v63  }
0x1b0: {  	s9 =	sadd.s32 s3, s7;
	s10 =	sand.u32 $0x1FFFFFF0, s8;
	s12 =	spop (v2sf)  }
0x1b1: {  	[tilespmem:s28], [sflag:$0x2] =	stream.linear.gather [hbm4b:s9+s2], $0x80, $0x38;
	[tilespmem:$0x12800] =	vst v63  }
0x1b2: {  	s15 =	sadd.s32 $0xAF00, s23;
	s4 =	sadd.s32 s3, s10;
	s5 =	sand.u32 $0x1FFFFFF0, s12  }
0x1b3: {  	[tilespmem:s15], [sflag:$0x2] =	stream.linear.gather [hbm4b:s4+s2], $0x80, $0x38;
	[tilespmem:$0x12800] =	vst v63  }
0x1b4: {  	s0 =	sadd.s32 s0, s25;
	s17 =	sadd.s32 s3, s5  }
0x1b5: {  	[tilespmem:s24], [sflag:$0x2] =	stream.linear.gather [hbm4b:s17+s2], $0x80, $0x38;
	[tilespmem:$0x12800] =	vst v63  }
0x1b6: {  	v0 =	vld [tilespmem:s0+$0x0];
	_ =	sdelay $0x4  }
0x1b7: {  	v0 =	vshll.u32 v0, $0x4  }
0x1b8: {  	(v2sf) =	vpush v0, $0x0  }
0x1b9: {  	(v2sf) =	vpush v0, $0x1  }
0x1ba: {  	(v2sf) =	vpush v0, $0x2;
	_ =	sdelay $0x1  }
0x1bb: {  	(v2sf) =	vpush v0, $0x3;
	_ =	sdelay $0x1  }
0x1bc: {  	(v2sf) =	vpush v0, $0x4;
	_ =	sdelay $0x1  }
0x1bd: {  	p0 =	sne.s32 s22, $0x1E000;
	s11 =	smov.u32 s22;
	s21 =	sadd.s32 $0x10, s21;
	(v2sf) =	vpush v0, $0x5  }
0x1be: {  	s22 =	sadd.s32 $0x2000, s22;
	s23 =	sshra.s32 s20, $0x2;
	s18 =	sand.u32 $0x80, s21  }
0x1bf: {  	s25 =	rddreg [dreg:$0x4];
	s26 =	sadd.s32 $0xAD00, s23;
	s20 =	smov.u32 s11;
	(v2sf) =	vpush v0, $0x6  }
0x1c0: {  	s1 =	sadd.s32 $0xAC00, s23;
	s25 =	sadd.s32 s18, s25;
	s29 =	sadd.s32 $0xAD80, s23  }
0x1c1: {  	s7 =	sadd.s32 $0xAA00, s23;
	s6 =	sadd.s32 $0xAB00, s23;
	s8 =	sadd.s32 $0xAA80, s23;
	(v2sf) =	vpush v0, $0x7  }
0x1c2: {  	s30 =	sadd.s32 $0xAE00, s23;
	s12 =	sadd.s32 $0xAB80, s23;
	s9 =	sadd.s32 $0xA800, s23  }
0x1c3: {  	s5 =	sadd.s32 $0xA880, s23;
	s28 =	sadd.s32 $0xAE80, s23;
	s4 =	sadd.s32 $0xA980, s23;
	(v2sf) =	vpush v0, $0x8  }
0x1c4: {  	s15 =	sadd.s32 $0xA900, s23;
	s24 =	sadd.s32 $0xAF80, s23;
	s10 =	spop (v2sf)  }
0x1c5: {  	s0 =	sadd.s32 $0xAC80, s23;
	(v2sf) =	vpush v0, $0x9;
	s10 =	sand.u32 $0x1FFFFFF0, s10;
	s31 =	spop (v2sf)  }
0x1c6: {  	s11 =	sand.u32 $0x1FFFFFF0, s31;
	s17 =	spop (v2sf);
	s10 =	sadd.s32 s3, s10  }
0x1c7: {  	(v2sf) =	vpush v0, $0xA;
	[tilespmem:s9], [sflag:$0x2] =	stream.linear.gather [hbm4b:s10+s2], $0x80, $0x38;
	[tilespmem:$0x12800] =	vst v63  }
0x1c8: {  	s17 =	sand.u32 $0x1FFFFFF0, s17;
	s18 =	spop (v2sf);
	(v2sf) =	vpush v0, $0xB;
	s11 =	sadd.s32 s3, s11  }
0x1c9: {  	[tilespmem:s5], [sflag:$0x2] =	stream.linear.gather [hbm4b:s11+s2], $0x80, $0x38;
	[tilespmem:$0x12800] =	vst v63  }
0x1ca: {  	s10 =	sand.u32 $0x1FFFFFF0, s18;
	s31 =	spop (v2sf);
	s9 =	sadd.s32 s3, s17  }
0x1cb: {  	[tilespmem:s15], [sflag:$0x2] =	stream.linear.gather [hbm4b:s9+s2], $0x80, $0x38;
	[tilespmem:$0x12800] =	vst v63  }
0x1cc: {  	s17 =	sand.u32 $0x1FFFFFF0, s31;
	s18 =	spop (v2sf);
	s31 =	sadd.s32 s3, s10  }
0x1cd: {  	[tilespmem:s4], [sflag:$0x2] =	stream.linear.gather [hbm4b:s31+s2], $0x80, $0x38;
	[tilespmem:$0x12800] =	vst v63  }
0x1ce: {  	s10 =	sand.u32 $0x1FFFFFF0, s18;
	s17 =	sadd.s32 s3, s17;
	s15 =	spop (v2sf)  }
0x1cf: {  	[tilespmem:s7], [sflag:$0x2] =	stream.linear.gather [hbm4b:s17+s2], $0x80, $0x38;
	[tilespmem:$0x12800] =	vst v63  }
0x1d0: {  	s10 =	sadd.s32 s3, s10;
	s18 =	sand.u32 $0x1FFFFFF0, s15;
	s31 =	spop (v2sf)  }
0x1d1: {  	[tilespmem:s8], [sflag:$0x2] =	stream.linear.gather [hbm4b:s10+s2], $0x80, $0x38;
	[tilespmem:$0x12800] =	vst v63  }
0x1d2: {  	s11 =	sand.u32 $0x1FFFFFF0, s31;
	s15 =	spop (v2sf);
	s17 =	sadd.s32 s3, s18  }
0x1d3: {  	[tilespmem:s6], [sflag:$0x2] =	stream.linear.gather [hbm4b:s17+s2], $0x80, $0x38;
	[tilespmem:$0x12800] =	vst v63  }
0x1d4: {  	s18 =	sand.u32 $0x1FFFFFF0, s15;
	s9 =	sadd.s32 s3, s11;
	s31 =	spop (v2sf)  }
0x1d5: {  	[tilespmem:s12], [sflag:$0x2] =	stream.linear.gather [hbm4b:s9+s2], $0x80, $0x38;
	[tilespmem:$0x12800] =	vst v63  }
.Ltmp3:
0x1d6: {  	s15 =	sadd.s32 s3, s18;
	s11 =	spop (v2sf);
	(pc) =	sbr.rel @p0 .LBB2_9-.Ltmp3, $4  }
0x1d7: {  	(v2sf) =	vpush v0, $0xC;
	s10 =	sand.u32 $0x1FFFFFF0, s31;
	s17 =	sand.u32 $0x1FFFFFF0, s11;
	s18 =	spop (v2sf)  }
0x1d8: {  	(v2sf) =	vpush v0, $0xD;
	[tilespmem:s1], [sflag:$0x2] =	stream.linear.gather [hbm4b:s15+s2], $0x80, $0x38;
	[tilespmem:$0x12800] =	vst v63  }
0x1d9: {  	(v2sf) =	vpush v0, $0xE;
	s31 =	sadd.s32 s3, s10;
	s6 =	sadd.s32 s3, s17;
	s1 =	sand.u32 $0x1FFFFFF0, s18  }
0x1da: {  	(v2sf) =	vpush v0, $0xF;
	[tilespmem:s0], [sflag:$0x2] =	stream.linear.gather [hbm4b:s31+s2], $0x80, $0x38;
	[tilespmem:$0x12800] =	vst v63  }
0x1db: {  	_ =	sdelay $0x7  }
0x1dc: {  	[tilespmem:s26], [sflag:$0x2] =	stream.linear.gather [hbm4b:s6+s2], $0x80, $0x38;
	[tilespmem:$0x12800] =	vst v63  }
0x1dd: {  	s1 =	sadd.s32 s3, s1  }
0x1de: {  	[tilespmem:s29], [sflag:$0x2] =	stream.linear.gather [hbm4b:s1+s2], $0x80, $0x38;
	[tilespmem:$0x12800] =	vst v63  }
0x1df: {  	s4 =	spop (v2sf)  }
0x1e0: {  	s0 =	sand.u32 $0x70, s21;
	s4 =	sand.u32 $0x1FFFFFF0, s4;
	s5 =	spop (v2sf)  }
0x1e1: {  	s11 =	sadd.s32 s3, s4;
	s12 =	sand.u32 $0x1FFFFFF0, s5;
	s15 =	spop (v2sf)  }
0x1e2: {  	[tilespmem:s30], [sflag:$0x2] =	stream.linear.gather [hbm4b:s11+s2], $0x80, $0x38;
	[tilespmem:$0x12800] =	vst v63  }
0x1e3: {  	s17 =	sadd.s32 s3, s12;
	s18 =	sand.u32 $0x1FFFFFF0, s15;
	s21 =	spop (v2sf)  }
0x1e4: {  	[tilespmem:s28], [sflag:$0x2] =	stream.linear.gather [hbm4b:s17+s2], $0x80, $0x38;
	[tilespmem:$0x12800] =	vst v63  }
0x1e5: {  	s22 =	sadd.s32 $0xAF00, s23;
	s4 =	sadd.s32 s3, s18;
	s5 =	sand.u32 $0x1FFFFFF0, s21  }
0x1e6: {  	[tilespmem:s22], [sflag:$0x2] =	stream.linear.gather [hbm4b:s4+s2], $0x80, $0x38;
	[tilespmem:$0x12800] =	vst v63  }
0x1e7: {  	s0 =	sadd.s32 s0, s25;
	s23 =	sadd.s32 s3, s5  }
0x1e8: {  	[tilespmem:s24], [sflag:$0x2] =	stream.linear.gather [hbm4b:s23+s2], $0x80, $0x38;
	[tilespmem:$0x12800] =	vst v63  }
0x1e9: {  	v0 =	vld [tilespmem:s0+$0x0];
	_ =	sdelay $0x4  }
0x1ea: {  	v0 =	vshll.u32 v0, $0x4  }
0x1eb: {  	(v2sf) =	vpush v0, $0x0  }
0x1ec: {  	(v2sf) =	vpush v0, $0x1  }
0x1ed: {  	(v2sf) =	vpush v0, $0x2;
	_ =	sdelay $0x1  }
0x1ee: {  	(v2sf) =	vpush v0, $0x3;
	_ =	sdelay $0x1  }
0x1ef: {  	(v2sf) =	vpush v0, $0x4;
	_ =	sdelay $0x1  }
0x1f0: {  	(v2sf) =	vpush v0, $0x5;
	_ =	sdelay $0x1  }
0x1f1: {  	s19 =	sadd.s32 $0x1, s19;
	(v2sf) =	vpush v0, $0x6  }
0x1f2: {  	p0 =	sne.s32 s19, $0x13;
	s0 =	sshra.s32 s20, $0x2  }
0x1f3: {  	s4 =	sadd.s32 $0xAA00, s0;
	s7 =	sadd.s32 $0xAC80, s0;
	s1 =	sadd.s32 $0xAD00, s0;
	(v2sf) =	vpush v0, $0x7  }
0x1f4: {  	s25 =	sadd.s32 $0xA800, s0;
	s9 =	sadd.s32 $0xAB00, s0;
	s10 =	sadd.s32 $0xAB80, s0  }
0x1f5: {  	s11 =	sadd.s32 $0xAA80, s0;
	s12 =	sadd.s32 $0xAC00, s0;
	s15 =	sadd.s32 $0xA980, s0;
	(v2sf) =	vpush v0, $0x8  }
0x1f6: {  	s8 =	sadd.s32 $0xAD80, s0;
	s18 =	sadd.s32 $0xA880, s0;
	s17 =	spop (v2sf)  }
0x1f7: {  	s22 =	sadd.s32 $0xA900, s0;
	(v2sf) =	vpush v0, $0x9;
	s26 =	spop (v2sf);
	s17 =	sand.u32 $0x1FFFFFF0, s17  }
0x1f8: {  	s20 =	sand.u32 $0x1FFFFFF0, s26;
	s28 =	spop (v2sf);
	s17 =	sadd.s32 s3, s17  }
0x1f9: {  	(v2sf) =	vpush v0, $0xA;
	[tilespmem:s25], [sflag:$0x2] =	stream.linear.gather [hbm4b:s17+s2], $0x80, $0x38;
	[tilespmem:$0x12800] =	vst v63  }
0x1fa: {  	s29 =	sand.u32 $0x1FFFFFF0, s28;
	s30 =	spop (v2sf);
	s20 =	sadd.s32 s3, s20  }
0x1fb: {  	(v2sf) =	vpush v0, $0xB;
	[tilespmem:s18], [sflag:$0x2] =	stream.linear.gather [hbm4b:s20+s2], $0x80, $0x38;
	[tilespmem:$0x12800] =	vst v63  }
0x1fc: {  	s17 =	sand.u32 $0x1FFFFFF0, s30;
	s31 =	spop (v2sf);
	s5 =	sadd.s32 s3, s29  }
0x1fd: {  	(v2sf) =	vpush v0, $0xC;
	[tilespmem:s22], [sflag:$0x2] =	stream.linear.gather [hbm4b:s5+s2], $0x80, $0x38;
	[tilespmem:$0x12800] =	vst v63  }
0x1fe: {  	s20 =	sand.u32 $0x1FFFFFF0, s31;
	s17 =	sadd.s32 s3, s17;
	s22 =	spop (v2sf)  }
0x1ff: {  	(v2sf) =	vpush v0, $0xD;
	[tilespmem:s15], [sflag:$0x2] =	stream.linear.gather [hbm4b:s17+s2], $0x80, $0x38;
	[tilespmem:$0x12800] =	vst v63  }
0x200: {  	s5 =	sadd.s32 s3, s20;
	s23 =	sand.u32 $0x1FFFFFF0, s22;
	s24 =	spop (v2sf)  }
0x201: {  	[tilespmem:s4], [sflag:$0x2] =	stream.linear.gather [hbm4b:s5+s2], $0x80, $0x38;
	[tilespmem:$0x12800] =	vst v63  }
0x202: {  	s25 =	sand.u32 $0x1FFFFFF0, s24;
	s26 =	spop (v2sf);
	s15 =	sadd.s32 s3, s23  }
0x203: {  	(v2sf) =	vpush v0, $0xE;
	[tilespmem:s11], [sflag:$0x2] =	stream.linear.gather [hbm4b:s15+s2], $0x80, $0x38;
	[tilespmem:$0x12800] =	vst v63  }
0x204: {  	s28 =	spop (v2sf);
	s5 =	sand.u32 $0x1FFFFFF0, s26;
	s4 =	sadd.s32 s3, s25  }
0x205: {  	(v2sf) =	vpush v0, $0xF;
	[tilespmem:s9], [sflag:$0x2] =	stream.linear.gather [hbm4b:s4+s2], $0x80, $0x38;
	[tilespmem:$0x12800] =	vst v63  }
0x206: {  	s29 =	sand.u32 $0x1FFFFFF0, s28;
	s5 =	sadd.s32 s3, s5;
	s30 =	spop (v2sf)  }
0x207: {  	[tilespmem:s10], [sflag:$0x2] =	stream.linear.gather [hbm4b:s5+s2], $0x80, $0x38;
	[tilespmem:$0x12800] =	vst v63  }
0x208: {  	s4 =	sadd.s32 s3, s29;
	s31 =	sand.u32 $0x1FFFFFF0, s30;
	s10 =	spop (v2sf)  }
0x209: {  	[tilespmem:s12], [sflag:$0x2] =	stream.linear.gather [hbm4b:s4+s2], $0x80, $0x38;
	[tilespmem:$0x12800] =	vst v63  }
0x20a: {  	s5 =	sadd.s32 s3, s31;
	s11 =	sand.u32 $0x1FFFFFF0, s10;
	s12 =	spop (v2sf)  }
0x20b: {  	[tilespmem:s7], [sflag:$0x2] =	stream.linear.gather [hbm4b:s5+s2], $0x80, $0x38;
	[tilespmem:$0x12800] =	vst v63  }
0x20c: {  	s4 =	sadd.s32 s3, s11;
	s15 =	sand.u32 $0x1FFFFFF0, s12;
	s17 =	spop (v2sf)  }
0x20d: {  	[tilespmem:s1], [sflag:$0x2] =	stream.linear.gather [hbm4b:s4+s2], $0x80, $0x38;
	[tilespmem:$0x12800] =	vst v63  }
0x20e: {  	s18 =	sadd.s32 s3, s15;
	s20 =	sand.u32 $0x1FFFFFF0, s17;
	s22 =	spop (v2sf)  }
0x20f: {  	[tilespmem:s8], [sflag:$0x2] =	stream.linear.gather [hbm4b:s18+s2], $0x80, $0x38;
	[tilespmem:$0x12800] =	vst v63  }
0x210: {  	s21 =	sadd.s32 $0xAE00, s0;
	s23 =	sadd.s32 s3, s20;
	s24 =	sand.u32 $0x1FFFFFF0, s22  }
0x211: {  	[tilespmem:s21], [sflag:$0x2] =	stream.linear.gather [hbm4b:s23+s2], $0x80, $0x38;
	[tilespmem:$0x12800] =	vst v63  }
0x212: {  	s6 =	sadd.s32 $0xAE80, s0;
	s25 =	spop (v2sf);
	s26 =	sadd.s32 s3, s24  }
0x213: {  	[tilespmem:s6], [sflag:$0x2] =	stream.linear.gather [hbm4b:s26+s2], $0x80, $0x38;
	[tilespmem:$0x12800] =	vst v63  }
.Ltmp4:
0x214: {  	s28 =	sand.u32 $0x1FFFFFF0, s25;
	s29 =	spop (v2sf);
	(pc) =	sbr.rel @p0 .LBB2_6-.Ltmp4, $4  }
0x215: {  	s30 =	sadd.s32 $0xAF00, s0;
	s4 =	sadd.s32 s3, s28;
	s5 =	sand.u32 $0x1FFFFFF0, s29  }
0x216: {  	[tilespmem:s30], [sflag:$0x2] =	stream.linear.gather [hbm4b:s4+s2], $0x80, $0x38;
	[tilespmem:$0x12800] =	vst v63  }
0x217: {  	s0 =	sadd.s32 $0xAF80, s0;
	s31 =	sadd.s32 s3, s5  }
0x218: {  	[tilespmem:s0], [sflag:$0x2] =	stream.linear.gather [hbm4b:s31+s2], $0x80, $0x38;
	[tilespmem:$0x12800] =	vst v63  }
0x219: {  	_ =	swait.ge [sflag:s14], $0x8000  }
0x21a: {  	[sflag:s14] =	ssyncset.done $0x0  }
0x21b: {  	s1 =	simm.s32 $0x2800;
	s0 =	rddreg [dreg:$0x8];
	[sflag:s14] =	ssyncadd.s32 $0xFFFF8000  }
0x21c: {  	[hbm4b:s0+s2] =	stream.linear.scatter [tilespmem:s1], [sflag:$0x3], $0x8000, $0x38;
	[tilespmem:$0x12800] =	vst v63  }
0x21d: {  	_ =	swait.ge [sflag:s13], $0x8000  }
0x21e: {  	[sflag:s13] =	ssyncset.done $0x0  }
0x21f: {  	[sflag:s13] =	ssyncadd.s32 $0xFFFF8000  }
0x220: {  	_ =	swait.ge [sflag:s16], $0x8000  }
0x221: {  	[sflag:s16] =	ssyncset.done $0x0  }
0x222: {  	s29 =	simm.s32 $0xA800;
	s28 =	rddreg [dreg:$0x9];
	[sflag:s16] =	ssyncadd.s32 $0xFFFF8000  }
0x223: {  	[hbm4b:s28+s2] =	stream.linear.scatter [tilespmem:s29], [sflag:$0x3], $0x8000, $0x38;
	[tilespmem:$0x12800] =	vst v63  }
0x224: {  	_ =	swait.ge [sflag:s13], $0x8000  }
0x225: {  	s30 =	rddreg [dreg:$0xc]  }
0x226: {  	s31 =	rddreg [dreg:$0xa];
	s1 =	sadd.s32 $0x1, s30  }
0x227: {  	p0 =	sne.s32 s1, s31  }
.Ltmp5:
0x228: {  	_ = 	snop;
	(pc) =	sbr.rel @p0 .LBB2_1-.Ltmp5, $3  }
0x229: {  	_ =	sdelay $0x1  }
0x22a: {  	[sflag:s13] =	ssyncset.done $0x0  }
0x22b: {  	[sflag:s13] =	ssyncadd.s32 $0xFFFF8000  }
0x22c: {  	_ =	sfence.sel $0x180000  }
0x22d: {  	[bflag:$0x0] =	sbarrier.arrive $0xFFFF  }
0x22e: {  	_ =	strace $0x90000047  }
0x22f: {  	s0 =	stileid.u32;
	[bflag:$0x2] =	sbarrier.arrive $0xFFFF  }
0x230: {  	p0 =	sne.s32 s0, $0x0;
	s0 =	rddreg [dreg:$0x2]  }
0x231: {  	s0 =	sadd.s32 @!p0 $0x100000, s0  }
0x232: {  	[sflag:s0] =	ssyncadd.tile.s32 @!p0 $0x1;
	_ =	shalt  }
.Lfunc_end2:
_tile_overlayer_lowered:
.L_overlay_start_2:
0x233: {  	(tag) =	ssettag $0x2  }
0x234: {  	s0 =	rddreg [dreg:$0x0];
	s2 =	stileid.u32  }
0x235: {  	s1 =	rddreg [dreg:$0x1];
	p0 =	sne.s32 s2, $0x0  }
0x236: {  	s3 =	rddreg [dreg:$0x2];
	[bflag:$0x3] =	sbarrier.arrive $0xFFFF;
	s2 =	simm.s32 @!p0 $0x1C03  }
0x237: {  	[timem:s3], [sflag:s2] =	dma.local @!p0 [hbm:s0], s1  }
0x238: {  	s0 =	simm.s32 @!p0 $0x3  }
0x239: {  	_ =	swait.ge @!p0 [sflag:s0], s1  }
0x23a: {  	s1 =	ssub.s32 @!p0 $0x0, s1;
	[sflag:s0] =	ssyncset.done @!p0 $0x0  }
0x23b: {  	[sflag:s0] =	ssyncadd.s32 @!p0 s1  }
0x23c: {  	[bflag:$0x3] =	sbarrier.arrive $0xFFFF  }
0x23d: {  	_ =	shalt  }

// kernel: sparse-core-data-format-call.cloned.1.call-start
scs
called_computation_lowered:
.L_overlay_start_0:
0x0: {  	s2 =	sld [smem:$0x3FD9]  }
0x1: {  	s3 =	sld [smem:$0x3FFE];
	_ =	sdelay $0x1  }
0x2: {  	s1 =	srdreg.scid  }
0x3: {  	s0 =	sand.u32 $0x1, s1  }
0x4: {  	s16 =	sshll.u32 s0, $0xA;
	s2 =	sadd.s32 s3, s2  }
0x5: {  	s2 =	sadd.s32 s2, s16  }
0x6: {  	[smem:$0x3FC4] =	sst s2  }
0x7: {  	_ = 	snop  }
0x8: {  	s2 =	sld [smem:$0x3FD0];
	_ =	sdelay $0x2  }
0x9: {  	s17 =	simm.s32 $0xB;
	s4 =	simm.s32 $0x10  }
0xa: {  	[smem:s4], [sflag:s17] =	dma.local [hbm:s2], $0x1  }
0xb: {  	_ =	swait.eq [sflag:s17], $0x1  }
0xc: {  	[sflag:s17] =	ssyncset.done $0x0  }
0xd: {  	[sflag:s17] =	ssyncadd.s32 $0xFFFFFFFF  }
0xe: {  	s18 =	sld [smem:$0x11];
	(tm) =	ssettm $0x1  }
0xf: {  	s19 =	sld [smem:$0x3FFB];
	_ =	sdelay $0x3  }
0x10: {  	_ =	strace s19  }
0x11: {  	s2 =	sld [smem:$0x3FFC];
	_ =	sdelay $0x3  }
0x12: {  	_ =	strace s2  }
0x13: {  	s2 =	sld [smem:$0x3FFD];
	_ =	sdelay $0x3  }
0x14: {  	_ =	strace s2  }
0x15: {  	_ =	strace $0x8FFFFFFF  }
0x16: {  	s20 =	sld [smem:$0x3FDB];
	_ =	sdelay $0x1  }
0x17: {  	s21 =	simm.s32 $_scs_section_size  }
0x18: {  	s5 =	simm.s32 $_size__tile_overlayer_lowered;
	s6 =	simm.s32 $_tile_overlayer_lowered  }
0x19: {  	s7 =	simm.s32 $0x1BFF;
	s22 =	sshll.u32 s6, $0x1;
	s4 =	sadd.s32 s21, s20  }
0x1a: {  	s23 =	simm.s32 $0x0;
	s5 =	sshll.u32 s5, $0x1;
	s6 =	sadd.s32 s22, s4  }
0x1b: {  	[timem:s23], [sflag:s7] =	dma.local [hbm:s6], s5  }
0x1c: {  	_ =	swait.ge [sflag:s7], s5  }
0x1d: {  	s5 =	ssub.s32 $0x0, s5;
	[sflag:s7] =	ssyncset.done $0x0  }
0x1e: {  	[sflag:s7] =	ssyncadd.s32 s5;
	_ =	sdelay $0x1  }
0x1f: {  	s24 =	simm.s32 $0x1B8B  }
0x20: {  	_ =	swait.ge [sflag:s24], $0x1  }
0x21: {  	[sflag:s24] =	ssyncset.done $0x0  }
0x22: {  	[sflag:s24] =	ssyncadd.s32 $0xFFFFFFFF  }
0x23: {  	s5 =	sld [smem:$0x0]  }
0x24: {  	s6 =	sand.u32 $0xFFFFFFFE, s1  }
0x25: {  	p0 =	sne.s32 s1, s6  }
0x26: {  	s6 =	sshll.u32 @p0 s6, $0xE  }
0x27: {  	s6 =	sadd.s32 @p0 $0x11B8D, s6;
	s7 =	sshll.u32 @p0 s5, $0x11  }
0x28: {  	s6 =	sor.u32 @p0 s7, s6  }
0x29: {  	[sflag:s6] =	ssyncadd.remote.s32 @p0 $0x1;
	_ =	sdelay $0x1  }
0x2a: {  	s6 =	simm.s32 @p0 $0x1B8D  }
0x2b: {  	_ =	swait.eq @p0 [sflag:s6], $0x1  }
0x2c: {  	[sflag:s6] =	ssyncadd.s32 @p0 $0xFFFFFFFF  }
0x2d: {  	s7 =	sshll.u32 @!p0 s1, $0xE  }
0x2e: {  	s7 =	sor.u32 @!p0 $0x4000, s7;
	s6 =	simm.s32 @!p0 $0x1B8D  }
0x2f: {  	s5 =	sshll.u32 @!p0 s5, $0x11;
	s7 =	sadd.s32 @!p0 $0x11B8D, s7;
	_ =	swait.eq @!p0 [sflag:s6], $0x1  }
0x30: {  	s5 =	sor.u32 @!p0 s5, s7;
	[sflag:s6] =	ssyncadd.s32 @!p0 $0xFFFFFFFF  }
0x31: {  	s26 =	simm.s32 $0x1B8E;
	s25 =	sld [smem:$0x3FFE];
	[sflag:s5] =	ssyncadd.remote.s32 @!p0 $0x1  }
0x32: {  	s27 =	simm.s32 $execute0_lowered;
	[smem:$0x3FD2] =	sst s26  }
0x33: {  	s6 =	sshll.u32 s27, $0x1;
	_ =	strace $0x8000004C;
	[dreg:$0x1] =	wrdreg $0xFFFFFFFF  }
0x34: {  	s28 =	simm.s32 $_size_execute0_lowered;
	s4 =	sadd.s32 s4, s6;
	[dreg:$0x0] =	wrdreg $0x0  }
0x35: {  	s6 =	sshll.u32 s28, $0x1;
	[dreg:$0x2] =	wrdreg s4  }
0x36: {  	[dreg:$0x3] =	wrdreg s6  }
0x37: {  	[dreg:$0x4] =	wrdreg $0xC0  }
0x38: {  	_ =	task [dreg:s23], $0x5FFFF  }
0x39: {  	[dreg:$0x1] =	wrdreg $0xFFFFFFFF  }
0x3a: {  	[dreg:$0x0] =	wrdreg $0x60  }
0x3b: {  	[dreg:$0x2] =	wrdreg s25  }
0x3c: {  	[dreg:$0x3] =	wrdreg s18  }
0x3d: {  	[dreg:$0x4] =	wrdreg $0xA  }
0x3e: {  	_ =	task.clear_ibuf [dreg:s23], $0x5FFFF;
	_ =	strace $0x9000004C  }
0x3f: {  	s29 =	simm.s32 $0xA;
	_ =	strace $0x8000004E  }
0x40: {  	_ =	swait.ge [sflag:s29], $0x1  }
0x41: {  	[sflag:s29] =	ssyncadd.s32 $0xFFFFFFFF  }
0x42: {  	_ =	strace $0x9000004E  }
0x43: {  	_ =	sfence  }
0x44: {  	s30 =	sld [smem:$0x0];
	_ =	sdelay $0x2  }
0x45: {  	s31 =	sshll.u32 s1, $0xD;
	s1 =	sshrl.u32 s1, $0x2  }
0x46: {  	s4 =	sand.u32 $0x4000, s31;
	s1 =	sadd.s32 s1, s30  }
0x47: {  	s0 =	sor.u32 s4, s0;
	s1 =	sshll.u32 s1, $0x11  }
0x48: {  	s0 =	sor.u32 s1, s0  }
0x49: {  	s0 =	sadd.s32 $0x8F2B, s0  }
0x4a: {  	[sflag:s0] =	ssyncadd.remote.s32 $0x1  }
0x4b: {  	_ =	sfence.sel $0xFFFF  }
0x4c: {  	[dreg:$0x0] =	wrdreg $0xFFFFFFFF;
	(pc) =	sbr.abs _section_cstart, $3  }
0x4d: {  	[dreg:$0x1] =	wrdreg $0xFFFFFFFF  }
0x4e: {  	_ =	task.clear_ibuf [dreg:s23], $0x2FFFF;
	_ =	strace $0x9FFFFFFF  }
0x4f: {  	(tm) =	ssettm $0x7FFFFFFF  }
tec
execute0_lowered:
.L_overlay_start_1:
0x0: {  	(tag) =	ssettag $0x1  }
0x1: {  	s0 =	srdreg.scid  }
0x2: {  	s1 =	sshll.u32 s0, $0x4  }
0x3: {  	s0 =	stileid.u32;
	s1 =	sand.u32 $0x10, s1  }
0x4: {  	s7 =	rddreg [dreg:$0x0];
	s1 =	sor.u32 s0, s1  }
0x5: {  	s4 =	simm.s32 $0x1;
	s8 =	simm.s32 $0x2;
	s2 =	sshll.u32 s1, $0x7  }
0x6: {  	s13 =	simm.s32 $0x0;
	s9 =	simm.s32 $0x20000;
	s1 =	ssub.s32 $0x4000, s2  }
0x7: {  	s14 =	simm.s32 $0x0;
	s11 =	simm.s32 $0x0;
	s3 =	sand.u32 $0xF80, s1  }
0x8: {  	s12 =	simm.s32 $0x0;
	s5 =	sshrl.u32 s1, $0xC;
	p0 =	sne.s32 s3, $0x0  }
.Ltmp0:
0x9: {  	s1 =	rddreg [dreg:$0x2];
	s4 =	simm.s32 @!p0 $0x0;
	(pc) =	sbr.rel .LBB1_1-.Ltmp0, $4  }
0xa: {  	s6 =	sadd.s32 $0xF43200, s7;
	s3 =	rddreg [dreg:$0x1];
	s5 =	sadd.s32 s4, s5  }
0xb: {  	_ =	strace $0x8000004D;
	s4 =	simm.s32 $0x1;
	s5 =	smul.u32 $0xA, s5  }
0xc: {  	s7 =	sadd.s32 $0xF83200, s7;
	s10 =	smov.u32 s2;
	[sflag:s4] =	ssyncpa.u1 $0x0  }
0xd: {  	p0 =	por $0x0, $0x0;
	[sflag:s8] =	ssyncpa.u1 $0x0;
	s8 =	sor.u32 $0x1, s5  }
.LBB1_7:
0xe: {  	s15 =	sadd.s32 $0x1000, s10  }
0xf: {  	s13 =	sadd.s32 $0x2, s11;
	s17 =	smov.u32 s11;
	p2 =	sgt.s32 s15, $0x3FFF  }
0x10: {  	s17 =	smov.u32 @p2 s13  }
0x11: {  	s15 =	smov.u32 @p2 s2;
	p2 =	sgt.s32 s17, $0x13  }
0x12: {  	s17 =	simm.s32 @p2 $0x0;
	p2 =	sne.s32 s12, s8  }
.Ltmp1:
0x13: {  	p1 =	slt.u32 s12, $0x2;
	(pc) =	sbr.rel @!p2 .LBB1_8-.Ltmp1, $4  }
0x14: {  	s16 =	simm.s32 @!p1 $0x2  }
0x15: {  	s14 =	smov.u32 s11;
	p0 =	por !p0, !p0;
	_ =	swait.ge @!p1 [sflag:s16], $0x4000  }
0x16: {  	s13 =	smov.u32 s10;
	[sflag:s16] =	ssyncset.done @!p1 $0x0;
	s10 =	smov.u32 s15  }
0x17: {  	s12 =	sadd.s32 $0x1, s12;
	[sflag:s16] =	ssyncadd.s32 @!p1 $0xFFFFC000;
	s11 =	smov.u32 s17  }
.LBB1_1:
0x18: {  	p1 =	sge.u32 s12, s5  }
0x19: {  	s15 =	sxor.u32 @!p1 $0xFFFFFFFF, s12;
	s16 =	sshll.u32 @!p1 s11, $0x12  }
0x1a: {  	s17 =	sshll.u32 @!p1 s10, $0x4;
	s19 =	simm.s32 @!p1 $0x40;
	s20 =	simm.s32 @!p1 $0x80  }
0x1b: {  	s15 =	sshll.u32 @!p1 s15, $0xE;
	s17 =	sand.u32 @!p1 $0x3FFF0, s17;
	s18 =	sadd.s32 @!p1 s6, s16  }
0x1c: {  	s16 =	sadd.s32 @!p1 s16, s7;
	s15 =	sand.u32 @!p1 $0x4000, s15;
	s18 =	sadd.s32 @!p1 s17, s18  }
0x1d: {  	[tilespmem:s15], [sflag:$0x1] =	stream.strided.gather @!p1 [hbm4b:s18+s19], $0x2000, s20, s19, $0x38;
	[tilespmem:$0x10100] =	vst v63  }
0x1e: {  	s31 =	sadd.s32 $0xFFFFFFFF, s12;
	s16 =	sadd.s32 @!p1 s17, s16;
	s15 =	sor.u32 @!p1 $0x2000, s15  }
0x1f: {  	[tilespmem:s15], [sflag:$0x1] =	stream.strided.gather @!p1 [hbm4b:s16+s19], $0x2000, s20, s19, $0x38;
	[tilespmem:$0x10100] =	vst v63  }
0x20: {  	p1 =	sge.u32 s31, s5  }
.Ltmp2:
0x21: {  	_ = 	snop;
	(pc) =	sbr.rel @p1 .LBB1_7-.Ltmp2, $1  }
0x22: {  	_ =	sdelay $0x3  }
0x23: {  	s15 =	simm.s32 $0x1;
	s17 =	sand.u32 $0x1, s12  }
0x24: {  	_ =	swait.ge [sflag:s4], $0x4000;
	s15 =	simm.s32 @!p0 $0x0;
	s17 =	smul.u32 $0x10200, s17  }
0x25: {  	p2 =	por $0x1, $0x1;
	[sflag:s4] =	ssyncset.done $0x0;
	s16 =	smul.u32 $0x10200, s15  }
0x26: {  	s18 =	sshll.u32 s15, $0x10;
	[sflag:s4] =	ssyncadd.s32 $0xFFFFC000;
	s30 =	sshrl.u32 s17, $0x2  }
0x27: {  	s31 =	sshrl.u32 s18, $0x2;
	s18 =	simm.s32 $0x0;
	s16 =	sshrl.u32 s16, $0x2  }
0x28: {  	s15 =	sor.u32 $0x8000, s30;
	s17 =	sadd.s32 $0x20, s31;
	s16 =	sor.u32 $0x8000, s16  }
.LBB1_3:
0x29: {  	s19 =	sshll.u32 s18, $0xD  }
0x2a: {  	s19 =	sand.u32 $0x3FFFE000, s19  }
0x2b: {  	s21 =	sadd.s32 s19, s17  }
0x2c: {  	s31 =	smul.u32 $0x8100, s18;
	v3 =	vld [tilespmem:s21+$0x10]  }
0x2d: {  	v1 =	vld [tilespmem:s21+$0xFFFFFFF0]  }
0x2e: {  	s18 =	sshra.s32 s31, $0x2;
	v0 =	vld [tilespmem:s21+$0x0]  }
0x2f: {  	s18 =	sadd.s32 s18, s16;
	v2 =	vld [tilespmem:s21+$0xFFFFFFE0]  }
0x30: {  	s19 =	sadd.s32 $0x0, s18  }
0x31: {  	p1 =	por p2, p2;
	s20 =	simm.s32 $0x4;
	s21 =	sadd.s32 $0x40, s21;
	[tilespmem:s19+$0x1830 ss:$0x81] =	vst.msk $0xffff, v3  }
.LBB1_4:
0x32: {  	v3 =	vld [tilespmem:s21+$0x10];
	p2 =	sne.s32 s20, $0x1FC;
	[tilespmem:s19+$0x810 ss:$0x81] =	vst.msk $0xffff, v1;
	s22 =	smov.u32 s20;
	s20 =	sadd.s32 $0x4, s20  }
.Ltmp3:
0x33: {  	v1 =	vld [tilespmem:s21+$0xFFFFFFF0];
	[tilespmem:s19+$0x1020 ss:$0x81] =	vst.msk $0xffff, v0;
	(pc) =	sbr.rel @p2 .LBB1_4-.Ltmp3, $4  }
0x34: {  	v0 =	vld [tilespmem:s21+$0x0];
	[tilespmem:s19+$0x0 ss:$0x81] =	vst.msk $0xffff, v2  }
0x35: {  	s19 =	sshra.s32 s22, $0x2;
	v2 =	vld [tilespmem:s21+$0xFFFFFFE0]  }
0x36: {  	s19 =	sadd.s32 s19, s18  }
0x37: {  	s21 =	sadd.s32 $0x40, s21;
	[tilespmem:s19+$0x1830 ss:$0x81] =	vst.msk $0xffff, v3  }
.Ltmp4:
0x38: {  	(pc) =	sbr.rel @p1 .LBB1_3-.Ltmp4, $4  }
0x39: {  	_ = 	snop  }
0x3a: {  	[tilespmem:s19+$0x810 ss:$0x81] =	vst.msk $0xffff, v1  }
0x3b: {  	[tilespmem:s19+$0x1020 ss:$0x81] =	vst.msk $0xffff, v0  }
0x3c: {  	s18 =	simm.s32 $0x1;
	p2 =	por $0x0, $0x0;
	[tilespmem:s19+$0x0 ss:$0x81] =	vst.msk $0xffff, v2  }
0x3d: {  	s16 =	sshll.u32 s13, $0x3;
	s17 =	sand.u32 $0x78, s13;
	s14 =	sshll.u32 s14, $0x11  }
.Ltmp5:
0x3e: {  	s30 =	sand.u32 $0x1F800, s13;
	s16 =	sand.u32 $0x3C00, s16;
	(pc) =	sbr.rel .LBB1_7-.Ltmp5, $4  }
0x3f: {  	s31 =	sand.u32 $0x7, s13;
	s14 =	sadd.s32 s3, s14;
	s16 =	sor.u32 s17, s16  }
0x40: {  	s13 =	sshll.u32 s31, $0x12;
	s14 =	sadd.s32 s30, s14;
	s16 =	sshrl.u32 s16, $0x3  }
0x41: {  	s13 =	sor.u32 $0x400, s13;
	s14 =	sadd.s32 s16, s14  }
0x42: {  	[hbm4b:s14+s13] =	stream.strided.scatter [tilespmem:s15], [sflag:$0x2], $0x4000, s9, s13, $0x20;
	[tilespmem:$0x10100] =	vst v63  }
.LBB1_8:
0x43: {  	_ =	sfence.sel $0x180000  }
0x44: {  	s2 =	simm.s32 $0x1;
	[bflag:$0x0] =	sbarrier.arrive $0xFFFF  }
0x45: {  	s31 =	simm.s32 $0x2;
	[sflag:s2] =	ssyncpa.u1 $0x1  }
0x46: {  	[sflag:s31] =	ssyncpa.u1 $0x1  }
0x47: {  	p0 =	sne.s32 s0, $0x0;
	_ =	strace $0x9000004D  }
0x48: {  	s0 =	sadd.s32 @!p0 $0x100000, s1;
	[bflag:$0x2] =	sbarrier.arrive $0xFFFF  }
0x49: {  	[sflag:s0] =	ssyncadd.tile.s32 @!p0 $0x1;
	_ =	shalt  }
.Lfunc_end1:
_tile_overlayer_lowered:
.L_overlay_start_2:
0x4a: {  	(tag) =	ssettag $0x2  }
0x4b: {  	s0 =	rddreg [dreg:$0x0];
	s2 =	stileid.u32  }
0x4c: {  	s1 =	rddreg [dreg:$0x1];
	p0 =	sne.s32 s2, $0x0  }
0x4d: {  	s3 =	rddreg [dreg:$0x2];
	[bflag:$0x3] =	sbarrier.arrive $0xFFFF;
	s2 =	simm.s32 @!p0 $0x1C01  }
0x4e: {  	[timem:s3], [sflag:s2] =	dma.local @!p0 [hbm:s0], s1  }
0x4f: {  	s0 =	simm.s32 @!p0 $0x1  }
0x50: {  	_ =	swait.ge @!p0 [sflag:s0], s1  }
0x51: {  	s1 =	ssub.s32 @!p0 $0x0, s1;
	[sflag:s0] =	ssyncset.done @!p0 $0x0  }
0x52: {  	[sflag:s0] =	ssyncadd.s32 @!p0 s1  }
0x53: {  	[bflag:$0x3] =	sbarrier.arrive $0xFFFF  }
0x54: {  	_ =	shalt  }

</sc_bundles>
